<compile_context>
chip_gen: v7x
topology: tpu7x:2x2x1
jax: 0.10.2.dev20260603
libtpu: 0.0.44.dev20260713+nightly
codegen_flags: <defaults>
</compile_context>

<pallas_src>
import functools
import math

import jax
import jax.numpy as jnp
from jax import lax
from jax.experimental import pallas as pl
from jax.experimental.pallas import tpu as pltpu
from jax.experimental.pallas import tpu_sc as plsc

_N = 10000
_E = 320000
_D = 128
_H = 64

_NC = 2
_NS = 16
_EPT = _E // (_NC * _NS)
_C = 80
_NCHUNK = _EPT // _C
_NPAD = 10240
_RPT = _NPAD // _NS
_RZ = 32

_INV = 1.0 / math.sqrt(1.0 + 1e-5)

_ROW_BLK = 2000


_NB = 5
_NSET = 3
_NG = _NCHUNK // _NB


def _seg_sum_body(h_hbm, ei_hbm, out0_hbm, out1_hbm,
                  acc, srcb, dstb, rows, zbuf, gsem, ssem, dsem):
    c = lax.axis_index("c")
    s = lax.axis_index("s")
    wid = c * _NS + s
    ebase = wid * _EPT

    pltpu.sync_copy(ei_hbm.at[0, pl.ds(ebase, _EPT)], srcb)

    zv = jnp.zeros((16,), jnp.float32)

    def zrow(i, carry):
        for k in range(_H // 16):
            zbuf[i, pl.ds(16 * k, 16)] = zv
        return carry

    lax.fori_loop(0, _RZ, zrow, 0)

    def zslice(j, carry):
        pltpu.async_copy(zbuf, acc.at[pl.ds(s * _RPT + j * _RZ, _RZ)], ssem)
        return carry

    lax.fori_loop(0, _RPT // _RZ, zslice, 0)

    def zdrain(j, carry):
        pltpu.make_async_copy(zbuf, acc.at[pl.ds(s * _RPT, _RZ)], ssem).wait()
        return carry

    lax.fori_loop(0, _RPT // _RZ, zdrain, 0)
    plsc.subcore_barrier()

    def fire(i, setid):
        for b in range(_NB):
            g = i * _NB + b
            pltpu.async_copy(h_hbm.at[srcb.at[pl.ds(g * _C, _C)]],
                             rows.at[setid, b], gsem)
            pltpu.async_copy(ei_hbm.at[1, pl.ds(ebase + g * _C, _C)],
                             dstb.at[setid, b], dsem)

    fire(0, 0)
    fire(1, 1)

    def grp(i, carry):
        st = lax.rem(i, _NSET)
        nxt = lax.rem(i + 2, _NSET)

        @pl.when(i >= 1)
        def _():
            for b in range(_NB):
                pltpu.make_async_copy(
                    rows.at[nxt, b], acc.at[dstb.at[nxt, b]], ssem).wait()

        @pl.when(i + 2 < _NG)
        def _():
            fire(i + 2, nxt)

        for b in range(_NB):
            pltpu.make_async_copy(
                h_hbm.at[srcb.at[pl.ds(b * _C, _C)]],
                rows.at[st, b], gsem).wait()
            pltpu.make_async_copy(
                ei_hbm.at[1, pl.ds(ebase, _C)],
                dstb.at[st, b], dsem).wait()
        for b in range(_NB):
            pltpu.async_copy(rows.at[st, b], acc.at[dstb.at[st, b]], ssem,
                             add=True)
        return carry

    lax.fori_loop(0, _NG, grp, 0)
    for b in range(_NB):
        pltpu.make_async_copy(
            rows.at[(_NG - 1) % _NSET, b],
            acc.at[dstb.at[(_NG - 1) % _NSET, b]], ssem).wait()

    plsc.subcore_barrier()

    @pl.when(c == 0)
    def _():
        pltpu.sync_copy(acc.at[pl.ds(s * _RPT, _RPT)],
                        out0_hbm.at[pl.ds(s * _RPT, _RPT)])

    @pl.when(c == 1)
    def _():
        pltpu.sync_copy(acc.at[pl.ds(s * _RPT, _RPT)],
                        out1_hbm.at[pl.ds(s * _RPT, _RPT)])


def _seg_sum(h, ei):
    mesh = plsc.VectorSubcoreMesh(core_axis_name="c", subcore_axis_name="s")
    f = functools.partial(
        pl.kernel,
        mesh=mesh,
        compiler_params=pltpu.CompilerParams(use_tc_tiling_on_sc=False),
        out_type=[jax.ShapeDtypeStruct((_NPAD, _H), jnp.float32),
                  jax.ShapeDtypeStruct((_NPAD, _H), jnp.float32)],
        scratch_types=[
            pltpu.VMEM_SHARED((_NPAD, _H), jnp.float32),
            pltpu.VMEM((_EPT,), jnp.int32),
            pltpu.VMEM((_NSET, _NB, _C), jnp.int32),
            pltpu.VMEM((_NSET, _NB, _C, _H), jnp.float32),
            pltpu.VMEM((_RZ, _H), jnp.float32),
            pltpu.SemaphoreType.DMA,
            pltpu.SemaphoreType.DMA,
            pltpu.SemaphoreType.DMA,
        ],
    )(_seg_sum_body)
    return f(h, ei)


def _dup(v_ref):
    v = v_ref[...]
    return jnp.concatenate([v, v], axis=1)


def _pack_mm(xp, w):
    d = w.shape[0]
    lo = jnp.dot(xp[:, :d], w, preferred_element_type=jnp.float32)
    hi = jnp.dot(xp[:, d:], w, preferred_element_type=jnp.float32)
    return jnp.concatenate([lo, hi], axis=1)


def _pack_mm_rows(x, w):
    v = jnp.reshape(x, (x.shape[0] // 2, 2, x.shape[1]))
    lo = jnp.dot(v[:, 0, :], w, preferred_element_type=jnp.float32)
    hi = jnp.dot(v[:, 1, :], w, preferred_element_type=jnp.float32)
    return jnp.concatenate([lo, hi], axis=1)


def _matmul_body(x_ref, w_ref, h_ref):
    h_ref[...] = _pack_mm_rows(x_ref[...], w_ref[...])


def _matmul(x, w):
    grid = _N // _ROW_BLK
    d_in = w.shape[0]
    return pl.pallas_call(
        _matmul_body,
        grid=(grid,),
        in_specs=[
            pl.BlockSpec((_ROW_BLK, d_in), lambda i: (i, 0)),
            pl.BlockSpec((d_in, _H), lambda i: (0, 0)),
        ],
        out_specs=pl.BlockSpec((_ROW_BLK // 2, 2 * _H), lambda i: (i, 0)),
        out_shape=jax.ShapeDtypeStruct((_N // 2, 2 * _H), jnp.float32),
    )(x, w)


def _res_u_body(x_ref, wr_ref, br_ref, r_ref):
    r = _pack_mm_rows(x_ref[...], wr_ref[...])
    r_ref[...] = jnp.maximum(r + _dup(br_ref), 0.0)


def _res_u(x, wr, br):
    grid = _N // _ROW_BLK
    d_in = wr.shape[0]
    return pl.pallas_call(
        _res_u_body,
        grid=(grid,),
        in_specs=[
            pl.BlockSpec((_ROW_BLK, d_in), lambda i: (i, 0)),
            pl.BlockSpec((d_in, _H), lambda i: (0, 0)),
            pl.BlockSpec((1, _H), lambda i: (0, 0)),
        ],
        out_specs=pl.BlockSpec((_ROW_BLK // 2, 2 * _H), lambda i: (i, 0)),
        out_shape=jax.ShapeDtypeStruct((_N // 2, 2 * _H), jnp.float32),
    )(x, wr, br.reshape(1, _H))


def _res_p_body(x_ref, wr_ref, br_ref, r_ref):
    r = _pack_mm(x_ref[...], wr_ref[...])
    r_ref[...] = jnp.maximum(r + _dup(br_ref), 0.0)


def _res_p(xp, wr, br):
    grid = _N // _ROW_BLK
    d_in = wr.shape[0]
    return pl.pallas_call(
        _res_p_body,
        grid=(grid,),
        in_specs=[
            pl.BlockSpec((_ROW_BLK // 2, 2 * d_in), lambda i: (i, 0)),
            pl.BlockSpec((d_in, _H), lambda i: (0, 0)),
            pl.BlockSpec((1, _H), lambda i: (0, 0)),
        ],
        out_specs=pl.BlockSpec((_ROW_BLK // 2, 2 * _H), lambda i: (i, 0)),
        out_shape=jax.ShapeDtypeStruct((_N // 2, 2 * _H), jnp.float32),
    )(xp, wr, br.reshape(1, _H))


def _mid_body(a0_ref, a1_ref, r_ref, b_ref, g_ref, be_ref,
              w_ref, h_ref, x_ref):
    agg = a0_ref[...] + a1_ref[...]
    x = jnp.maximum(agg + _dup(b_ref), 0.0) + r_ref[...]
    x = _dup(g_ref) * (x * _INV) + _dup(be_ref)
    h_ref[...] = _pack_mm(x, w_ref[...])
    x_ref[...] = x


def _mid(a0, a1, r, b, g, be, w):
    grid = _N // _ROW_BLK
    row = pl.BlockSpec((_ROW_BLK // 2, 2 * _H), lambda i: (i, 0))
    vec = pl.BlockSpec((1, _H), lambda i: (0, 0))
    mat = pl.BlockSpec((_H, _H), lambda i: (0, 0))
    return pl.pallas_call(
        _mid_body,
        grid=(grid,),
        in_specs=[row, row, row, vec, vec, vec, mat],
        out_specs=[row, row],
        out_shape=[
            jax.ShapeDtypeStruct((_N // 2, 2 * _H), jnp.float32),
            jax.ShapeDtypeStruct((_N // 2, 2 * _H), jnp.float32),
        ],
    )(a0, a1, r, b.reshape(1, _H), g.reshape(1, _H), be.reshape(1, _H), w)


def _fin_body(a0_ref, a1_ref, r_ref, b_ref, g_ref, be_ref, o_ref):
    agg = a0_ref[...] + a1_ref[...]
    x = jnp.maximum(agg + _dup(b_ref), 0.0) + r_ref[...]
    o_ref[...] = _dup(g_ref) * (x * _INV) + _dup(be_ref)


def _fin(a0, a1, r, b, g, be):
    grid = _N // _ROW_BLK
    row = pl.BlockSpec((_ROW_BLK // 2, 2 * _H), lambda i: (i, 0))
    vec = pl.BlockSpec((1, _H), lambda i: (0, 0))
    return pl.pallas_call(
        _fin_body,
        grid=(grid,),
        in_specs=[row, row, row, vec, vec, vec],
        out_specs=row,
        out_shape=jax.ShapeDtypeStruct((_N // 2, 2 * _H), jnp.float32),
    )(a0, a1, r, b.reshape(1, _H), g.reshape(1, _H), be.reshape(1, _H))


def kernel(feats, edge_index, W1, b1, Wr1, br1, g1, be1,
           W2, b2, Wr2, br2, g2, be2):
    h1p = _matmul(feats, W1)
    a10, a11 = _seg_sum(h1p.reshape(_N, _H), edge_index)
    r1 = _res_u(feats, Wr1, br1)
    pp = (_NPAD // 2, 2 * _H)
    h2p, x2p = _mid(a10.reshape(pp), a11.reshape(pp), r1, b1, g1, be1, W2)
    a20, a21 = _seg_sum(h2p.reshape(_N, _H), edge_index)
    r2 = _res_p(x2p, Wr2, br2)
    outp = _fin(a20.reshape(pp), a21.reshape(pp), r2, b2, g2, be2)
    return outp.reshape(_N, _H)

# --- scband reference (transcript-rebuilt; emitter-appended) ---
"""Pipeline reference for scband-gcn-1219770712798 (READ-ONLY COPY).

The authoritative reference and input builder live on the scoring server;
editing this copy changes nothing except your own understanding.
"""

import jax, jax.numpy as jnp
import numpy as np

N = 10000
E = 320000
D_IN = 128
H = 64


def setup_inputs(seed: int = 0) -> dict:
    key = jax.random.key(seed)
    ks = jax.random.split(key, 8)
    feats = jax.random.normal(ks[0], (N, D_IN), dtype=jnp.float32)
    edge_index = jax.random.randint(ks[1], (2, E), 0, N, dtype=jnp.int32)

    def p(k, shape, scale=0.05):
        return jax.random.normal(k, shape, dtype=jnp.float32) * scale

    W1 = p(ks[2], (D_IN, H))
    b1 = jnp.zeros((H,), jnp.float32)
    Wr1 = p(ks[3], (D_IN, H))
    br1 = jnp.zeros((H,), jnp.float32)
    g1 = jnp.ones((H,), jnp.float32)
    be1 = jnp.zeros((H,), jnp.float32)
    W2 = p(ks[4], (H, H))
    b2 = jnp.zeros((H,), jnp.float32)
    Wr2 = p(ks[5], (H, H))
    br2 = jnp.zeros((H,), jnp.float32)
    g2 = jnp.ones((H,), jnp.float32)
    be2 = jnp.zeros((H,), jnp.float32)
    return {
        "feats": feats, "edge_index": edge_index,
        "W1": W1, "b1": b1, "Wr1": Wr1, "br1": br1, "g1": g1, "be1": be1,
        "W2": W2, "b2": b2, "Wr2": Wr2, "br2": br2, "g2": g2, "be2": be2,
    }


def reference(feats, edge_index, W1, b1, Wr1, br1, g1, be1, W2, b2, Wr2, br2, g2, be2):
    src = edge_index[0]
    dst = edge_index[1]
    eps = 1e-5

    def gcn_layer(x, W, b, Wr, br, gamma, beta):
        # DGL GraphConv with norm='none': linear transform + sum aggregation over in-edges
        h = x @ W
        agg = jax.ops.segment_sum(h[src], dst, num_segments=N)
        new = jax.nn.relu(agg + b)  # activation applied inside GraphConv
        # residual connection: relu(Linear(x))
        res = jax.nn.relu(x @ Wr + br)
        new = new + res
        # dropout p=0.0 -> identity
        # BatchNorm1d in eval mode: running_mean=0, running_var=1
        new = gamma * (new / jnp.sqrt(1.0 + eps)) + beta
        return new

    h = gcn_layer(feats, W1, b1, Wr1, br1, g1, be1)
    h = gcn_layer(h, W2, b2, Wr2, br2, g2, be2)
    return h

if __name__ == "__main__":
    import jax
    _d = setup_inputs()
    print(jax.jit(kernel)(*tuple(_d.values())))

</pallas_src>

<mosaic_0001>
#map = affine_map<(d0, d1) -> (0, 0)>
module attributes {stable_mosaic.version = 14 : i64} {
  func.func @_seg_sum_body(%arg0: i32, %arg1: i32, %arg2: memref<10000x64xf32, #tpu.memory_space<hbm>>, %arg3: memref<2x320000xi32, #tpu.memory_space<hbm>>, %arg4: memref<10240x64xf32, #tpu.memory_space<hbm>>, %arg5: memref<10240x64xf32, #tpu.memory_space<hbm>>, %arg6: memref<10240x64xf32, #tpu.memory_space<vmem_shared>>, %arg7: memref<10000xi32, #tpu.memory_space<vmem>>, %arg8: memref<3x5x80xi32, #tpu.memory_space<vmem>>, %arg9: memref<3x5x80x64xf32, #tpu.memory_space<vmem>>, %arg10: memref<32x64xf32, #tpu.memory_space<vmem>>, %arg11: memref<!tpu.dma_semaphore, #tpu.memory_space<semaphore_mem>>, %arg12: memref<!tpu.dma_semaphore, #tpu.memory_space<semaphore_mem>>, %arg13: memref<!tpu.dma_semaphore, #tpu.memory_space<semaphore_mem>>) attributes {dimension_semantics = [#tpu.dimension_semantics<core_parallel>, #tpu.dimension_semantics<subcore_parallel>], iteration_bounds = array<i64: 2, 16>, scalar_prefetch = 0 : i64, scratch_operands = 8 : i64, tpu.core_type = #tpu.core_type<sc_vector_subcore>, window_params = [{transform_indices = #map}, {transform_indices = #map}, {transform_indices = #map}, {transform_indices = #map}]} {
    %mul3A = arith.constant 16 : i32
    %mul3A_0 = arith.muli %arg0, %mul3A : i32
    %add3A = arith.addi %mul3A_0, %arg1 : i32
    %mul3A_1 = arith.constant 10000 : i32
    %mul3A_2 = arith.muli %add3A, %mul3A_1 : i32
    %run_scoped3A = arith.constant 0 : i32
    "tpu.region"() ({
      %run_scoped3A_363 = tpu.sem_alloc : memref<!tpu.dma_semaphore, #tpu.memory_space<semaphore_mem>>
      %dma_start3A_364 = tpu.memref_slice %arg3[%run_scoped3A, %mul3A_2] : memref<2x320000xi32, #tpu.memory_space<hbm>> -> memref<1x10000xi32, #tpu.memory_space<hbm>>
      %dma_start3A_365 = tpu.memref_squeeze %dma_start3A_364 : memref<1x10000xi32, #tpu.memory_space<hbm>> -> memref<10000xi32, #tpu.memory_space<hbm>>
      %dma_start3A_366 = tpu.memref_slice %arg3[%run_scoped3A, %mul3A_2] : memref<2x320000xi32, #tpu.memory_space<hbm>> -> memref<1x10000xi32, #tpu.memory_space<hbm>>
      %dma_start3A_367 = tpu.memref_squeeze %dma_start3A_366 : memref<1x10000xi32, #tpu.memory_space<hbm>> -> memref<10000xi32, #tpu.memory_space<hbm>>
      tpu.enqueue_dma source(%dma_start3A_367 : memref<10000xi32, #tpu.memory_space<hbm>>) target(%arg7 : memref<10000xi32, #tpu.memory_space<vmem>>) target_semaphore(%run_scoped3A_363 : memref<!tpu.dma_semaphore, #tpu.memory_space<semaphore_mem>>)
      %dma_wait3A_368 = tpu.memref_slice %arg3[%run_scoped3A, %mul3A_2] : memref<2x320000xi32, #tpu.memory_space<hbm>> -> memref<1x10000xi32, #tpu.memory_space<hbm>>
      %dma_wait3A_369 = tpu.memref_squeeze %dma_wait3A_368 : memref<1x10000xi32, #tpu.memory_space<hbm>> -> memref<10000xi32, #tpu.memory_space<hbm>>
      %dma_wait3A_370 = tpu.memref_slice %arg3[%run_scoped3A, %mul3A_2] : memref<2x320000xi32, #tpu.memory_space<hbm>> -> memref<1x10000xi32, #tpu.memory_space<hbm>>
      %dma_wait3A_371 = tpu.memref_squeeze %dma_wait3A_370 : memref<1x10000xi32, #tpu.memory_space<hbm>> -> memref<10000xi32, #tpu.memory_space<hbm>>
      tpu.wait_dma2 semaphore(%run_scoped3A_363 : memref<!tpu.dma_semaphore, #tpu.memory_space<semaphore_mem>>) src(%dma_wait3A_371 : memref<10000xi32, #tpu.memory_space<hbm>>) dst(%arg7 : memref<10000xi32, #tpu.memory_space<vmem>>)
      tpu.yield
    }) : () -> ()
    %broadcast_in_dim3A = arith.constant 0.000000e+00 : f32
    %broadcast_in_dim3A_3 = vector.broadcast %broadcast_in_dim3A : f32 to vector<16xf32>
    %scan3A = arith.constant 0 : i32
    %scan3A_4 = arith.constant 0 : i32
    %scan3A_5 = arith.constant 32 : i32
    %scan3A_6 = arith.addi %scan3A_4, %scan3A_5 : i32
    %scan3A_7 = arith.constant 1 : i32
    scf.for %scan3A_363 = %scan3A_4 to %scan3A_6 step %scan3A_7  : i32 {
      %swap3A = arith.index_cast %scan3A_363 : i32 to index
      %swap3A_364 = arith.constant 0 : index
      %swap3A_365 = tpu.vector_load %arg10[%swap3A, %swap3A_364] {strides = array<i32>} : memref<32x64xf32, #tpu.memory_space<vmem>>, vector<1x16xf32>,
      %swap3A_366 = vector.shape_cast %swap3A_365 : vector<1x16xf32> to vector<16xf32>
      %swap3A_367 = vector.shape_cast %broadcast_in_dim3A_3 : vector<16xf32> to vector<1x16xf32>
      tpu.vector_store %arg10[%swap3A, %swap3A_364], %swap3A_367 {strides = array<i32>} : memref<32x64xf32, #tpu.memory_space<vmem>>, vector<1x16xf32>,
      %swap3A_368 = arith.index_cast %scan3A_363 : i32 to index
      %swap3A_369 = arith.constant 16 : index
      %swap3A_370 = tpu.vector_load %arg10[%swap3A_368, %swap3A_369] {strides = array<i32>} : memref<32x64xf32, #tpu.memory_space<vmem>>, vector<1x16xf32>,
      %swap3A_371 = vector.shape_cast %swap3A_370 : vector<1x16xf32> to vector<16xf32>
      %swap3A_372 = vector.shape_cast %broadcast_in_dim3A_3 : vector<16xf32> to vector<1x16xf32>
      tpu.vector_store %arg10[%swap3A_368, %swap3A_369], %swap3A_372 {strides = array<i32>} : memref<32x64xf32, #tpu.memory_space<vmem>>, vector<1x16xf32>,
      %swap3A_373 = arith.index_cast %scan3A_363 : i32 to index
      %swap3A_374 = arith.constant 32 : index
      %swap3A_375 = tpu.vector_load %arg10[%swap3A_373, %swap3A_374] {strides = array<i32>} : memref<32x64xf32, #tpu.memory_space<vmem>>, vector<1x16xf32>,
      %swap3A_376 = vector.shape_cast %swap3A_375 : vector<1x16xf32> to vector<16xf32>
      %swap3A_377 = vector.shape_cast %broadcast_in_dim3A_3 : vector<16xf32> to vector<1x16xf32>
      tpu.vector_store %arg10[%swap3A_373, %swap3A_374], %swap3A_377 {strides = array<i32>} : memref<32x64xf32, #tpu.memory_space<vmem>>, vector<1x16xf32>,
      %swap3A_378 = arith.index_cast %scan3A_363 : i32 to index
      %swap3A_379 = arith.constant 48 : index
      %swap3A_380 = tpu.vector_load %arg10[%swap3A_378, %swap3A_379] {strides = array<i32>} : memref<32x64xf32, #tpu.memory_space<vmem>>, vector<1x16xf32>,
      %swap3A_381 = vector.shape_cast %swap3A_380 : vector<1x16xf32> to vector<16xf32>
      %swap3A_382 = vector.shape_cast %broadcast_in_dim3A_3 : vector<16xf32> to vector<1x16xf32>
      tpu.vector_store %arg10[%swap3A_378, %swap3A_379], %swap3A_382 {strides = array<i32>} : memref<32x64xf32, #tpu.memory_space<vmem>>, vector<1x16xf32>,
    }
    %scan3A_8 = arith.constant 32 : i32
    %scan3A_9 = arith.constant 0 : i32
    %scan3A_10 = arith.constant 0 : i32
    %scan3A_11 = arith.constant 20 : i32
    %scan3A_12 = arith.addi %scan3A_10, %scan3A_11 : i32
    %scan3A_13 = arith.constant 1 : i32
    scf.for %scan3A_363 = %scan3A_10 to %scan3A_12 step %scan3A_13  : i32 {
      %mul3A_364 = arith.constant 640 : i32
      %mul3A_365 = arith.muli %arg1, %mul3A_364 : i32
      %mul3A_366 = arith.constant 32 : i32
      %mul3A_367 = arith.muli %scan3A_363, %mul3A_366 : i32
      %add3A_368 = arith.addi %mul3A_365, %mul3A_367 : i32
      %dma_start3A_369 = arith.constant 0 : i32
      %dma_start3A_370 = tpu.memref_slice %arg6[%add3A_368, %dma_start3A_369] : memref<10240x64xf32, #tpu.memory_space<vmem_shared>> -> memref<32x64xf32, #tpu.memory_space<vmem_shared>>
      %dma_start3A_371 = arith.constant 0 : i32
      %dma_start3A_372 = tpu.memref_slice %arg6[%add3A_368, %dma_start3A_371] : memref<10240x64xf32, #tpu.memory_space<vmem_shared>> -> memref<32x64xf32, #tpu.memory_space<vmem_shared>>
      tpu.enqueue_dma source(%arg10 : memref<32x64xf32, #tpu.memory_space<vmem>>) target(%dma_start3A_372 : memref<32x64xf32, #tpu.memory_space<vmem_shared>>) target_semaphore(%arg12 : memref<!tpu.dma_semaphore, #tpu.memory_space<semaphore_mem>>)
    }
    %scan3A_14 = arith.constant 20 : i32
    %scan3A_15 = arith.constant 0 : i32
    %scan3A_16 = arith.constant 0 : i32
    %scan3A_17 = arith.constant 20 : i32
    %scan3A_18 = arith.addi %scan3A_16, %scan3A_17 : i32
    %scan3A_19 = arith.constant 1 : i32
    scf.for %scan3A_363 = %scan3A_16 to %scan3A_18 step %scan3A_19  : i32 {
      %mul3A_364 = arith.constant 640 : i32
      %mul3A_365 = arith.muli %arg1, %mul3A_364 : i32
      %dma_wait3A_366 = arith.constant 0 : i32
      %dma_wait3A_367 = tpu.memref_slice %arg6[%mul3A_365, %dma_wait3A_366] : memref<10240x64xf32, #tpu.memory_space<vmem_shared>> -> memref<32x64xf32, #tpu.memory_space<vmem_shared>>
      %dma_wait3A_368 = arith.constant 0 : i32
      %dma_wait3A_369 = tpu.memref_slice %arg6[%mul3A_365, %dma_wait3A_368] : memref<10240x64xf32, #tpu.memory_space<vmem_shared>> -> memref<32x64xf32, #tpu.memory_space<vmem_shared>>
      tpu.wait_dma2 semaphore(%arg12 : memref<!tpu.dma_semaphore, #tpu.memory_space<semaphore_mem>>) src(%arg10 : memref<32x64xf32, #tpu.memory_space<vmem>>) dst(%dma_wait3A_369 : memref<32x64xf32, #tpu.memory_space<vmem_shared>>)
    }
    %scan3A_20 = arith.constant 20 : i32
    %barrier3A = arith.constant 0 : index
    tpu.barrier barrier_id(%barrier3A)
    %dma_start3A = arith.constant 0 : i32
    %dma_start3A_21 = arith.constant 0 : i32
    %dma_start3A_22 = arith.constant 0 : i32
    %dma_start3A_23 = arith.constant 0 : i32
    %dma_start3A_24 = tpu.memref_slice %arg9[%dma_start3A, %dma_start3A_21, %dma_start3A_22, %dma_start3A_23] : memref<3x5x80x64xf32, #tpu.memory_space<vmem>> -> memref<1x1x80x64xf32, #tpu.memory_space<vmem>>
    %dma_start3A_25 = tpu.memref_squeeze %dma_start3A_24 : memref<1x1x80x64xf32, #tpu.memory_space<vmem>> -> memref<80x64xf32, #tpu.memory_space<vmem>>
    %dma_start3A_26 = arith.constant 0 : i32
    %dma_start3A_27 = tpu.memref_slice %arg7[%dma_start3A_26] : memref<10000xi32, #tpu.memory_space<vmem>> -> memref<80xi32, #tpu.memory_space<vmem>>
    %dma_start3A_28 = arith.constant 0 : i32
    %dma_start3A_29 = arith.constant 0 : i32
    %dma_start3A_30 = tpu.memref_slice %arg2[%dma_start3A_28, %dma_start3A_29] : memref<10000x64xf32, #tpu.memory_space<hbm>> -> memref<10000x64xf32, #tpu.memory_space<hbm>>
    tpu.enqueue_indirect_dma source(%dma_start3A_30 : memref<10000x64xf32, #tpu.memory_space<hbm>>) target(%dma_start3A_25 : memref<80x64xf32, #tpu.memory_space<vmem>>) offsets(%dma_start3A_27 : memref<80xi32, #tpu.memory_space<vmem>>) semaphore(%arg11 : memref<!tpu.dma_semaphore, #tpu.memory_space<semaphore_mem>>)
    %add3A_31 = arith.constant 0 : i32
    %add3A_32 = arith.addi %mul3A_2, %add3A_31 : i32
    %dma_start3A_33 = arith.constant 1 : i32
    %dma_start3A_34 = arith.constant 0 : i32
    %dma_start3A_35 = arith.constant 0 : i32
    %dma_start3A_36 = arith.constant 0 : i32
    %dma_start3A_37 = tpu.memref_slice %arg8[%dma_start3A_34, %dma_start3A_35, %dma_start3A_36] : memref<3x5x80xi32, #tpu.memory_space<vmem>> -> memref<1x1x80xi32, #tpu.memory_space<vmem>>
    %dma_start3A_38 = tpu.memref_squeeze %dma_start3A_37 : memref<1x1x80xi32, #tpu.memory_space<vmem>> -> memref<80xi32, #tpu.memory_space<vmem>>
    %dma_start3A_39 = tpu.memref_slice %arg3[%dma_start3A_33, %add3A_32] : memref<2x320000xi32, #tpu.memory_space<hbm>> -> memref<1x80xi32, #tpu.memory_space<hbm>>
    %dma_start3A_40 = tpu.memref_squeeze %dma_start3A_39 : memref<1x80xi32, #tpu.memory_space<hbm>> -> memref<80xi32, #tpu.memory_space<hbm>>
    %dma_start3A_41 = arith.constant 0 : i32
    %dma_start3A_42 = tpu.memref_slice %arg8[%dma_start3A_34, %dma_start3A_35, %dma_start3A_41] : memref<3x5x80xi32, #tpu.memory_space<vmem>> -> memref<1x1x80xi32, #tpu.memory_space<vmem>>
    %dma_start3A_43 = tpu.memref_squeeze %dma_start3A_42 : memref<1x1x80xi32, #tpu.memory_space<vmem>> -> memref<80xi32, #tpu.memory_space<vmem>>
    %dma_start3A_44 = tpu.memref_slice %arg3[%dma_start3A_33, %add3A_32] : memref<2x320000xi32, #tpu.memory_space<hbm>> -> memref<1x80xi32, #tpu.memory_space<hbm>>
    %dma_start3A_45 = tpu.memref_squeeze %dma_start3A_44 : memref<1x80xi32, #tpu.memory_space<hbm>> -> memref<80xi32, #tpu.memory_space<hbm>>
    tpu.enqueue_dma source(%dma_start3A_45 : memref<80xi32, #tpu.memory_space<hbm>>) target(%dma_start3A_43 : memref<80xi32, #tpu.memory_space<vmem>>) target_semaphore(%arg13 : memref<!tpu.dma_semaphore, #tpu.memory_space<semaphore_mem>>)
    %dma_start3A_46 = arith.constant 0 : i32
    %dma_start3A_47 = arith.constant 1 : i32
    %dma_start3A_48 = arith.constant 0 : i32
    %dma_start3A_49 = arith.constant 0 : i32
    %dma_start3A_50 = tpu.memref_slice %arg9[%dma_start3A_46, %dma_start3A_47, %dma_start3A_48, %dma_start3A_49] : memref<3x5x80x64xf32, #tpu.memory_space<vmem>> -> memref<1x1x80x64xf32, #tpu.memory_space<vmem>>
    %dma_start3A_51 = tpu.memref_squeeze %dma_start3A_50 : memref<1x1x80x64xf32, #tpu.memory_space<vmem>> -> memref<80x64xf32, #tpu.memory_space<vmem>>
    %dma_start3A_52 = arith.constant 80 : i32
    %dma_start3A_53 = tpu.memref_slice %arg7[%dma_start3A_52] : memref<10000xi32, #tpu.memory_space<vmem>> -> memref<80xi32, #tpu.memory_space<vmem>>
    %dma_start3A_54 = arith.constant 0 : i32
    %dma_start3A_55 = arith.constant 0 : i32
    %dma_start3A_56 = tpu.memref_slice %arg2[%dma_start3A_54, %dma_start3A_55] : memref<10000x64xf32, #tpu.memory_space<hbm>> -> memref<10000x64xf32, #tpu.memory_space<hbm>>
    tpu.enqueue_indirect_dma source(%dma_start3A_56 : memref<10000x64xf32, #tpu.memory_space<hbm>>) target(%dma_start3A_51 : memref<80x64xf32, #tpu.memory_space<vmem>>) offsets(%dma_start3A_53 : memref<80xi32, #tpu.memory_space<vmem>>) semaphore(%arg11 : memref<!tpu.dma_semaphore, #tpu.memory_space<semaphore_mem>>)
    %add3A_57 = arith.constant 80 : i32
    %add3A_58 = arith.addi %mul3A_2, %add3A_57 : i32
    %dma_start3A_59 = arith.constant 1 : i32
    %dma_start3A_60 = arith.constant 0 : i32
    %dma_start3A_61 = arith.constant 1 : i32
    %dma_start3A_62 = arith.constant 0 : i32
    %dma_start3A_63 = tpu.memref_slice %arg8[%dma_start3A_60, %dma_start3A_61, %dma_start3A_62] : memref<3x5x80xi32, #tpu.memory_space<vmem>> -> memref<1x1x80xi32, #tpu.memory_space<vmem>>
    %dma_start3A_64 = tpu.memref_squeeze %dma_start3A_63 : memref<1x1x80xi32, #tpu.memory_space<vmem>> -> memref<80xi32, #tpu.memory_space<vmem>>
    %dma_start3A_65 = tpu.memref_slice %arg3[%dma_start3A_59, %add3A_58] : memref<2x320000xi32, #tpu.memory_space<hbm>> -> memref<1x80xi32, #tpu.memory_space<hbm>>
    %dma_start3A_66 = tpu.memref_squeeze %dma_start3A_65 : memref<1x80xi32, #tpu.memory_space<hbm>> -> memref<80xi32, #tpu.memory_space<hbm>>
    %dma_start3A_67 = arith.constant 0 : i32
    %dma_start3A_68 = tpu.memref_slice %arg8[%dma_start3A_60, %dma_start3A_61, %dma_start3A_67] : memref<3x5x80xi32, #tpu.memory_space<vmem>> -> memref<1x1x80xi32, #tpu.memory_space<vmem>>
    %dma_start3A_69 = tpu.memref_squeeze %dma_start3A_68 : memref<1x1x80xi32, #tpu.memory_space<vmem>> -> memref<80xi32, #tpu.memory_space<vmem>>
    %dma_start3A_70 = tpu.memref_slice %arg3[%dma_start3A_59, %add3A_58] : memref<2x320000xi32, #tpu.memory_space<hbm>> -> memref<1x80xi32, #tpu.memory_space<hbm>>
    %dma_start3A_71 = tpu.memref_squeeze %dma_start3A_70 : memref<1x80xi32, #tpu.memory_space<hbm>> -> memref<80xi32, #tpu.memory_space<hbm>>
    tpu.enqueue_dma source(%dma_start3A_71 : memref<80xi32, #tpu.memory_space<hbm>>) target(%dma_start3A_69 : memref<80xi32, #tpu.memory_space<vmem>>) target_semaphore(%arg13 : memref<!tpu.dma_semaphore, #tpu.memory_space<semaphore_mem>>)
    %dma_start3A_72 = arith.constant 0 : i32
    %dma_start3A_73 = arith.constant 2 : i32
    %dma_start3A_74 = arith.constant 0 : i32
    %dma_start3A_75 = arith.constant 0 : i32
    %dma_start3A_76 = tpu.memref_slice %arg9[%dma_start3A_72, %dma_start3A_73, %dma_start3A_74, %dma_start3A_75] : memref<3x5x80x64xf32, #tpu.memory_space<vmem>> -> memref<1x1x80x64xf32, #tpu.memory_space<vmem>>
    %dma_start3A_77 = tpu.memref_squeeze %dma_start3A_76 : memref<1x1x80x64xf32, #tpu.memory_space<vmem>> -> memref<80x64xf32, #tpu.memory_space<vmem>>
    %dma_start3A_78 = arith.constant 160 : i32
    %dma_start3A_79 = tpu.memref_slice %arg7[%dma_start3A_78] : memref<10000xi32, #tpu.memory_space<vmem>> -> memref<80xi32, #tpu.memory_space<vmem>>
    %dma_start3A_80 = arith.constant 0 : i32
    %dma_start3A_81 = arith.constant 0 : i32
    %dma_start3A_82 = tpu.memref_slice %arg2[%dma_start3A_80, %dma_start3A_81] : memref<10000x64xf32, #tpu.memory_space<hbm>> -> memref<10000x64xf32, #tpu.memory_space<hbm>>
    tpu.enqueue_indirect_dma source(%dma_start3A_82 : memref<10000x64xf32, #tpu.memory_space<hbm>>) target(%dma_start3A_77 : memref<80x64xf32, #tpu.memory_space<vmem>>) offsets(%dma_start3A_79 : memref<80xi32, #tpu.memory_space<vmem>>) semaphore(%arg11 : memref<!tpu.dma_semaphore, #tpu.memory_space<semaphore_mem>>)
    %add3A_83 = arith.constant 160 : i32
    %add3A_84 = arith.addi %mul3A_2, %add3A_83 : i32
    %dma_start3A_85 = arith.constant 1 : i32
    %dma_start3A_86 = arith.constant 0 : i32
    %dma_start3A_87 = arith.constant 2 : i32
    %dma_start3A_88 = arith.constant 0 : i32
    %dma_start3A_89 = tpu.memref_slice %arg8[%dma_start3A_86, %dma_start3A_87, %dma_start3A_88] : memref<3x5x80xi32, #tpu.memory_space<vmem>> -> memref<1x1x80xi32, #tpu.memory_space<vmem>>
    %dma_start3A_90 = tpu.memref_squeeze %dma_start3A_89 : memref<1x1x80xi32, #tpu.memory_space<vmem>> -> memref<80xi32, #tpu.memory_space<vmem>>
    %dma_start3A_91 = tpu.memref_slice %arg3[%dma_start3A_85, %add3A_84] : memref<2x320000xi32, #tpu.memory_space<hbm>> -> memref<1x80xi32, #tpu.memory_space<hbm>>
    %dma_start3A_92 = tpu.memref_squeeze %dma_start3A_91 : memref<1x80xi32, #tpu.memory_space<hbm>> -> memref<80xi32, #tpu.memory_space<hbm>>
    %dma_start3A_93 = arith.constant 0 : i32
    %dma_start3A_94 = tpu.memref_slice %arg8[%dma_start3A_86, %dma_start3A_87, %dma_start3A_93] : memref<3x5x80xi32, #tpu.memory_space<vmem>> -> memref<1x1x80xi32, #tpu.memory_space<vmem>>
    %dma_start3A_95 = tpu.memref_squeeze %dma_start3A_94 : memref<1x1x80xi32, #tpu.memory_space<vmem>> -> memref<80xi32, #tpu.memory_space<vmem>>
    %dma_start3A_96 = tpu.memref_slice %arg3[%dma_start3A_85, %add3A_84] : memref<2x320000xi32, #tpu.memory_space<hbm>> -> memref<1x80xi32, #tpu.memory_space<hbm>>
    %dma_start3A_97 = tpu.memref_squeeze %dma_start3A_96 : memref<1x80xi32, #tpu.memory_space<hbm>> -> memref<80xi32, #tpu.memory_space<hbm>>
    tpu.enqueue_dma source(%dma_start3A_97 : memref<80xi32, #tpu.memory_space<hbm>>) target(%dma_start3A_95 : memref<80xi32, #tpu.memory_space<vmem>>) target_semaphore(%arg13 : memref<!tpu.dma_semaphore, #tpu.memory_space<semaphore_mem>>)
    %dma_start3A_98 = arith.constant 0 : i32
    %dma_start3A_99 = arith.constant 3 : i32
    %dma_start3A_100 = arith.constant 0 : i32
    %dma_start3A_101 = arith.constant 0 : i32
    %dma_start3A_102 = tpu.memref_slice %arg9[%dma_start3A_98, %dma_start3A_99, %dma_start3A_100, %dma_start3A_101] : memref<3x5x80x64xf32, #tpu.memory_space<vmem>> -> memref<1x1x80x64xf32, #tpu.memory_space<vmem>>
    %dma_start3A_103 = tpu.memref_squeeze %dma_start3A_102 : memref<1x1x80x64xf32, #tpu.memory_space<vmem>> -> memref<80x64xf32, #tpu.memory_space<vmem>>
    %dma_start3A_104 = arith.constant 240 : i32
    %dma_start3A_105 = tpu.memref_slice %arg7[%dma_start3A_104] : memref<10000xi32, #tpu.memory_space<vmem>> -> memref<80xi32, #tpu.memory_space<vmem>>
    %dma_start3A_106 = arith.constant 0 : i32
    %dma_start3A_107 = arith.constant 0 : i32
    %dma_start3A_108 = tpu.memref_slice %arg2[%dma_start3A_106, %dma_start3A_107] : memref<10000x64xf32, #tpu.memory_space<hbm>> -> memref<10000x64xf32, #tpu.memory_space<hbm>>
    tpu.enqueue_indirect_dma source(%dma_start3A_108 : memref<10000x64xf32, #tpu.memory_space<hbm>>) target(%dma_start3A_103 : memref<80x64xf32, #tpu.memory_space<vmem>>) offsets(%dma_start3A_105 : memref<80xi32, #tpu.memory_space<vmem>>) semaphore(%arg11 : memref<!tpu.dma_semaphore, #tpu.memory_space<semaphore_mem>>)
    %add3A_109 = arith.constant 240 : i32
    %add3A_110 = arith.addi %mul3A_2, %add3A_109 : i32
    %dma_start3A_111 = arith.constant 1 : i32
    %dma_start3A_112 = arith.constant 0 : i32
    %dma_start3A_113 = arith.constant 3 : i32
    %dma_start3A_114 = arith.constant 0 : i32
    %dma_start3A_115 = tpu.memref_slice %arg8[%dma_start3A_112, %dma_start3A_113, %dma_start3A_114] : memref<3x5x80xi32, #tpu.memory_space<vmem>> -> memref<1x1x80xi32, #tpu.memory_space<vmem>>
    %dma_start3A_116 = tpu.memref_squeeze %dma_start3A_115 : memref<1x1x80xi32, #tpu.memory_space<vmem>> -> memref<80xi32, #tpu.memory_space<vmem>>
    %dma_start3A_117 = tpu.memref_slice %arg3[%dma_start3A_111, %add3A_110] : memref<2x320000xi32, #tpu.memory_space<hbm>> -> memref<1x80xi32, #tpu.memory_space<hbm>>
    %dma_start3A_118 = tpu.memref_squeeze %dma_start3A_117 : memref<1x80xi32, #tpu.memory_space<hbm>> -> memref<80xi32, #tpu.memory_space<hbm>>
    %dma_start3A_119 = arith.constant 0 : i32
    %dma_start3A_120 = tpu.memref_slice %arg8[%dma_start3A_112, %dma_start3A_113, %dma_start3A_119] : memref<3x5x80xi32, #tpu.memory_space<vmem>> -> memref<1x1x80xi32, #tpu.memory_space<vmem>>
    %dma_start3A_121 = tpu.memref_squeeze %dma_start3A_120 : memref<1x1x80xi32, #tpu.memory_space<vmem>> -> memref<80xi32, #tpu.memory_space<vmem>>
    %dma_start3A_122 = tpu.memref_slice %arg3[%dma_start3A_111, %add3A_110] : memref<2x320000xi32, #tpu.memory_space<hbm>> -> memref<1x80xi32, #tpu.memory_space<hbm>>
    %dma_start3A_123 = tpu.memref_squeeze %dma_start3A_122 : memref<1x80xi32, #tpu.memory_space<hbm>> -> memref<80xi32, #tpu.memory_space<hbm>>
    tpu.enqueue_dma source(%dma_start3A_123 : memref<80xi32, #tpu.memory_space<hbm>>) target(%dma_start3A_121 : memref<80xi32, #tpu.memory_space<vmem>>) target_semaphore(%arg13 : memref<!tpu.dma_semaphore, #tpu.memory_space<semaphore_mem>>)
    %dma_start3A_124 = arith.constant 0 : i32
    %dma_start3A_125 = arith.constant 4 : i32
    %dma_start3A_126 = arith.constant 0 : i32
    %dma_start3A_127 = arith.constant 0 : i32
    %dma_start3A_128 = tpu.memref_slice %arg9[%dma_start3A_124, %dma_start3A_125, %dma_start3A_126, %dma_start3A_127] : memref<3x5x80x64xf32, #tpu.memory_space<vmem>> -> memref<1x1x80x64xf32, #tpu.memory_space<vmem>>
    %dma_start3A_129 = tpu.memref_squeeze %dma_start3A_128 : memref<1x1x80x64xf32, #tpu.memory_space<vmem>> -> memref<80x64xf32, #tpu.memory_space<vmem>>
    %dma_start3A_130 = arith.constant 320 : i32
    %dma_start3A_131 = tpu.memref_slice %arg7[%dma_start3A_130] : memref<10000xi32, #tpu.memory_space<vmem>> -> memref<80xi32, #tpu.memory_space<vmem>>
    %dma_start3A_132 = arith.constant 0 : i32
    %dma_start3A_133 = arith.constant 0 : i32
    %dma_start3A_134 = tpu.memref_slice %arg2[%dma_start3A_132, %dma_start3A_133] : memref<10000x64xf32, #tpu.memory_space<hbm>> -> memref<10000x64xf32, #tpu.memory_space<hbm>>
    tpu.enqueue_indirect_dma source(%dma_start3A_134 : memref<10000x64xf32, #tpu.memory_space<hbm>>) target(%dma_start3A_129 : memref<80x64xf32, #tpu.memory_space<vmem>>) offsets(%dma_start3A_131 : memref<80xi32, #tpu.memory_space<vmem>>) semaphore(%arg11 : memref<!tpu.dma_semaphore, #tpu.memory_space<semaphore_mem>>)
    %add3A_135 = arith.constant 320 : i32
    %add3A_136 = arith.addi %mul3A_2, %add3A_135 : i32
    %dma_start3A_137 = arith.constant 1 : i32
    %dma_start3A_138 = arith.constant 0 : i32
    %dma_start3A_139 = arith.constant 4 : i32
    %dma_start3A_140 = arith.constant 0 : i32
    %dma_start3A_141 = tpu.memref_slice %arg8[%dma_start3A_138, %dma_start3A_139, %dma_start3A_140] : memref<3x5x80xi32, #tpu.memory_space<vmem>> -> memref<1x1x80xi32, #tpu.memory_space<vmem>>
    %dma_start3A_142 = tpu.memref_squeeze %dma_start3A_141 : memref<1x1x80xi32, #tpu.memory_space<vmem>> -> memref<80xi32, #tpu.memory_space<vmem>>
    %dma_start3A_143 = tpu.memref_slice %arg3[%dma_start3A_137, %add3A_136] : memref<2x320000xi32, #tpu.memory_space<hbm>> -> memref<1x80xi32, #tpu.memory_space<hbm>>
    %dma_start3A_144 = tpu.memref_squeeze %dma_start3A_143 : memref<1x80xi32, #tpu.memory_space<hbm>> -> memref<80xi32, #tpu.memory_space<hbm>>
    %dma_start3A_145 = arith.constant 0 : i32
    %dma_start3A_146 = tpu.memref_slice %arg8[%dma_start3A_138, %dma_start3A_139, %dma_start3A_145] : memref<3x5x80xi32, #tpu.memory_space<vmem>> -> memref<1x1x80xi32, #tpu.memory_space<vmem>>
    %dma_start3A_147 = tpu.memref_squeeze %dma_start3A_146 : memref<1x1x80xi32, #tpu.memory_space<vmem>> -> memref<80xi32, #tpu.memory_space<vmem>>
    %dma_start3A_148 = tpu.memref_slice %arg3[%dma_start3A_137, %add3A_136] : memref<2x320000xi32, #tpu.memory_space<hbm>> -> memref<1x80xi32, #tpu.memory_space<hbm>>
    %dma_start3A_149 = tpu.memref_squeeze %dma_start3A_148 : memref<1x80xi32, #tpu.memory_space<hbm>> -> memref<80xi32, #tpu.memory_space<hbm>>
    tpu.enqueue_dma source(%dma_start3A_149 : memref<80xi32, #tpu.memory_space<hbm>>) target(%dma_start3A_147 : memref<80xi32, #tpu.memory_space<vmem>>) target_semaphore(%arg13 : memref<!tpu.dma_semaphore, #tpu.memory_space<semaphore_mem>>)
    %dma_start3A_150 = arith.constant 1 : i32
    %dma_start3A_151 = arith.constant 0 : i32
    %dma_start3A_152 = arith.constant 0 : i32
    %dma_start3A_153 = arith.constant 0 : i32
    %dma_start3A_154 = tpu.memref_slice %arg9[%dma_start3A_150, %dma_start3A_151, %dma_start3A_152, %dma_start3A_153] : memref<3x5x80x64xf32, #tpu.memory_space<vmem>> -> memref<1x1x80x64xf32, #tpu.memory_space<vmem>>
    %dma_start3A_155 = tpu.memref_squeeze %dma_start3A_154 : memref<1x1x80x64xf32, #tpu.memory_space<vmem>> -> memref<80x64xf32, #tpu.memory_space<vmem>>
    %dma_start3A_156 = arith.constant 400 : i32
    %dma_start3A_157 = tpu.memref_slice %arg7[%dma_start3A_156] : memref<10000xi32, #tpu.memory_space<vmem>> -> memref<80xi32, #tpu.memory_space<vmem>>
    %dma_start3A_158 = arith.constant 0 : i32
    %dma_start3A_159 = arith.constant 0 : i32
    %dma_start3A_160 = tpu.memref_slice %arg2[%dma_start3A_158, %dma_start3A_159] : memref<10000x64xf32, #tpu.memory_space<hbm>> -> memref<10000x64xf32, #tpu.memory_space<hbm>>
    tpu.enqueue_indirect_dma source(%dma_start3A_160 : memref<10000x64xf32, #tpu.memory_space<hbm>>) target(%dma_start3A_155 : memref<80x64xf32, #tpu.memory_space<vmem>>) offsets(%dma_start3A_157 : memref<80xi32, #tpu.memory_space<vmem>>) semaphore(%arg11 : memref<!tpu.dma_semaphore, #tpu.memory_space<semaphore_mem>>)
    %add3A_161 = arith.constant 400 : i32
    %add3A_162 = arith.addi %mul3A_2, %add3A_161 : i32
    %dma_start3A_163 = arith.constant 1 : i32
    %dma_start3A_164 = arith.constant 1 : i32
    %dma_start3A_165 = arith.constant 0 : i32
    %dma_start3A_166 = arith.constant 0 : i32
    %dma_start3A_167 = tpu.memref_slice %arg8[%dma_start3A_164, %dma_start3A_165, %dma_start3A_166] : memref<3x5x80xi32, #tpu.memory_space<vmem>> -> memref<1x1x80xi32, #tpu.memory_space<vmem>>
    %dma_start3A_168 = tpu.memref_squeeze %dma_start3A_167 : memref<1x1x80xi32, #tpu.memory_space<vmem>> -> memref<80xi32, #tpu.memory_space<vmem>>
    %dma_start3A_169 = tpu.memref_slice %arg3[%dma_start3A_163, %add3A_162] : memref<2x320000xi32, #tpu.memory_space<hbm>> -> memref<1x80xi32, #tpu.memory_space<hbm>>
    %dma_start3A_170 = tpu.memref_squeeze %dma_start3A_169 : memref<1x80xi32, #tpu.memory_space<hbm>> -> memref<80xi32, #tpu.memory_space<hbm>>
    %dma_start3A_171 = arith.constant 0 : i32
    %dma_start3A_172 = tpu.memref_slice %arg8[%dma_start3A_164, %dma_start3A_165, %dma_start3A_171] : memref<3x5x80xi32, #tpu.memory_space<vmem>> -> memref<1x1x80xi32, #tpu.memory_space<vmem>>
    %dma_start3A_173 = tpu.memref_squeeze %dma_start3A_172 : memref<1x1x80xi32, #tpu.memory_space<vmem>> -> memref<80xi32, #tpu.memory_space<vmem>>
    %dma_start3A_174 = tpu.memref_slice %arg3[%dma_start3A_163, %add3A_162] : memref<2x320000xi32, #tpu.memory_space<hbm>> -> memref<1x80xi32, #tpu.memory_space<hbm>>
    %dma_start3A_175 = tpu.memref_squeeze %dma_start3A_174 : memref<1x80xi32, #tpu.memory_space<hbm>> -> memref<80xi32, #tpu.memory_space<hbm>>
    tpu.enqueue_dma source(%dma_start3A_175 : memref<80xi32, #tpu.memory_space<hbm>>) target(%dma_start3A_173 : memref<80xi32, #tpu.memory_space<vmem>>) target_semaphore(%arg13 : memref<!tpu.dma_semaphore, #tpu.memory_space<semaphore_mem>>)
    %dma_start3A_176 = arith.constant 1 : i32
    %dma_start3A_177 = arith.constant 1 : i32
    %dma_start3A_178 = arith.constant 0 : i32
    %dma_start3A_179 = arith.constant 0 : i32
    %dma_start3A_180 = tpu.memref_slice %arg9[%dma_start3A_176, %dma_start3A_177, %dma_start3A_178, %dma_start3A_179] : memref<3x5x80x64xf32, #tpu.memory_space<vmem>> -> memref<1x1x80x64xf32, #tpu.memory_space<vmem>>
    %dma_start3A_181 = tpu.memref_squeeze %dma_start3A_180 : memref<1x1x80x64xf32, #tpu.memory_space<vmem>> -> memref<80x64xf32, #tpu.memory_space<vmem>>
    %dma_start3A_182 = arith.constant 480 : i32
    %dma_start3A_183 = tpu.memref_slice %arg7[%dma_start3A_182] : memref<10000xi32, #tpu.memory_space<vmem>> -> memref<80xi32, #tpu.memory_space<vmem>>
    %dma_start3A_184 = arith.constant 0 : i32
    %dma_start3A_185 = arith.constant 0 : i32
    %dma_start3A_186 = tpu.memref_slice %arg2[%dma_start3A_184, %dma_start3A_185] : memref<10000x64xf32, #tpu.memory_space<hbm>> -> memref<10000x64xf32, #tpu.memory_space<hbm>>
    tpu.enqueue_indirect_dma source(%dma_start3A_186 : memref<10000x64xf32, #tpu.memory_space<hbm>>) target(%dma_start3A_181 : memref<80x64xf32, #tpu.memory_space<vmem>>) offsets(%dma_start3A_183 : memref<80xi32, #tpu.memory_space<vmem>>) semaphore(%arg11 : memref<!tpu.dma_semaphore, #tpu.memory_space<semaphore_mem>>)
    %add3A_187 = arith.constant 480 : i32
    %add3A_188 = arith.addi %mul3A_2, %add3A_187 : i32
    %dma_start3A_189 = arith.constant 1 : i32
    %dma_start3A_190 = arith.constant 1 : i32
    %dma_start3A_191 = arith.constant 1 : i32
    %dma_start3A_192 = arith.constant 0 : i32
    %dma_start3A_193 = tpu.memref_slice %arg8[%dma_start3A_190, %dma_start3A_191, %dma_start3A_192] : memref<3x5x80xi32, #tpu.memory_space<vmem>> -> memref<1x1x80xi32, #tpu.memory_space<vmem>>
    %dma_start3A_194 = tpu.memref_squeeze %dma_start3A_193 : memref<1x1x80xi32, #tpu.memory_space<vmem>> -> memref<80xi32, #tpu.memory_space<vmem>>
    %dma_start3A_195 = tpu.memref_slice %arg3[%dma_start3A_189, %add3A_188] : memref<2x320000xi32, #tpu.memory_space<hbm>> -> memref<1x80xi32, #tpu.memory_space<hbm>>
    %dma_start3A_196 = tpu.memref_squeeze %dma_start3A_195 : memref<1x80xi32, #tpu.memory_space<hbm>> -> memref<80xi32, #tpu.memory_space<hbm>>
    %dma_start3A_197 = arith.constant 0 : i32
    %dma_start3A_198 = tpu.memref_slice %arg8[%dma_start3A_190, %dma_start3A_191, %dma_start3A_197] : memref<3x5x80xi32, #tpu.memory_space<vmem>> -> memref<1x1x80xi32, #tpu.memory_space<vmem>>
    %dma_start3A_199 = tpu.memref_squeeze %dma_start3A_198 : memref<1x1x80xi32, #tpu.memory_space<vmem>> -> memref<80xi32, #tpu.memory_space<vmem>>
    %dma_start3A_200 = tpu.memref_slice %arg3[%dma_start3A_189, %add3A_188] : memref<2x320000xi32, #tpu.memory_space<hbm>> -> memref<1x80xi32, #tpu.memory_space<hbm>>
    %dma_start3A_201 = tpu.memref_squeeze %dma_start3A_200 : memref<1x80xi32, #tpu.memory_space<hbm>> -> memref<80xi32, #tpu.memory_space<hbm>>
    tpu.enqueue_dma source(%dma_start3A_201 : memref<80xi32, #tpu.memory_space<hbm>>) target(%dma_start3A_199 : memref<80xi32, #tpu.memory_space<vmem>>) target_semaphore(%arg13 : memref<!tpu.dma_semaphore, #tpu.memory_space<semaphore_mem>>)
    %dma_start3A_202 = arith.constant 1 : i32
    %dma_start3A_203 = arith.constant 2 : i32
    %dma_start3A_204 = arith.constant 0 : i32
    %dma_start3A_205 = arith.constant 0 : i32
    %dma_start3A_206 = tpu.memref_slice %arg9[%dma_start3A_202, %dma_start3A_203, %dma_start3A_204, %dma_start3A_205] : memref<3x5x80x64xf32, #tpu.memory_space<vmem>> -> memref<1x1x80x64xf32, #tpu.memory_space<vmem>>
    %dma_start3A_207 = tpu.memref_squeeze %dma_start3A_206 : memref<1x1x80x64xf32, #tpu.memory_space<vmem>> -> memref<80x64xf32, #tpu.memory_space<vmem>>
    %dma_start3A_208 = arith.constant 560 : i32
    %dma_start3A_209 = tpu.memref_slice %arg7[%dma_start3A_208] : memref<10000xi32, #tpu.memory_space<vmem>> -> memref<80xi32, #tpu.memory_space<vmem>>
    %dma_start3A_210 = arith.constant 0 : i32
    %dma_start3A_211 = arith.constant 0 : i32
    %dma_start3A_212 = tpu.memref_slice %arg2[%dma_start3A_210, %dma_start3A_211] : memref<10000x64xf32, #tpu.memory_space<hbm>> -> memref<10000x64xf32, #tpu.memory_space<hbm>>
    tpu.enqueue_indirect_dma source(%dma_start3A_212 : memref<10000x64xf32, #tpu.memory_space<hbm>>) target(%dma_start3A_207 : memref<80x64xf32, #tpu.memory_space<vmem>>) offsets(%dma_start3A_209 : memref<80xi32, #tpu.memory_space<vmem>>) semaphore(%arg11 : memref<!tpu.dma_semaphore, #tpu.memory_space<semaphore_mem>>)
    %add3A_213 = arith.constant 560 : i32
    %add3A_214 = arith.addi %mul3A_2, %add3A_213 : i32
    %dma_start3A_215 = arith.constant 1 : i32
    %dma_start3A_216 = arith.constant 1 : i32
    %dma_start3A_217 = arith.constant 2 : i32
    %dma_start3A_218 = arith.constant 0 : i32
    %dma_start3A_219 = tpu.memref_slice %arg8[%dma_start3A_216, %dma_start3A_217, %dma_start3A_218] : memref<3x5x80xi32, #tpu.memory_space<vmem>> -> memref<1x1x80xi32, #tpu.memory_space<vmem>>
    %dma_start3A_220 = tpu.memref_squeeze %dma_start3A_219 : memref<1x1x80xi32, #tpu.memory_space<vmem>> -> memref<80xi32, #tpu.memory_space<vmem>>
    %dma_start3A_221 = tpu.memref_slice %arg3[%dma_start3A_215, %add3A_214] : memref<2x320000xi32, #tpu.memory_space<hbm>> -> memref<1x80xi32, #tpu.memory_space<hbm>>
    %dma_start3A_222 = tpu.memref_squeeze %dma_start3A_221 : memref<1x80xi32, #tpu.memory_space<hbm>> -> memref<80xi32, #tpu.memory_space<hbm>>
    %dma_start3A_223 = arith.constant 0 : i32
    %dma_start3A_224 = tpu.memref_slice %arg8[%dma_start3A_216, %dma_start3A_217, %dma_start3A_223] : memref<3x5x80xi32, #tpu.memory_space<vmem>> -> memref<1x1x80xi32, #tpu.memory_space<vmem>>
    %dma_start3A_225 = tpu.memref_squeeze %dma_start3A_224 : memref<1x1x80xi32, #tpu.memory_space<vmem>> -> memref<80xi32, #tpu.memory_space<vmem>>
    %dma_start3A_226 = tpu.memref_slice %arg3[%dma_start3A_215, %add3A_214] : memref<2x320000xi32, #tpu.memory_space<hbm>> -> memref<1x80xi32, #tpu.memory_space<hbm>>
    %dma_start3A_227 = tpu.memref_squeeze %dma_start3A_226 : memref<1x80xi32, #tpu.memory_space<hbm>> -> memref<80xi32, #tpu.memory_space<hbm>>
    tpu.enqueue_dma source(%dma_start3A_227 : memref<80xi32, #tpu.memory_space<hbm>>) target(%dma_start3A_225 : memref<80xi32, #tpu.memory_space<vmem>>) target_semaphore(%arg13 : memref<!tpu.dma_semaphore, #tpu.memory_space<semaphore_mem>>)
    %dma_start3A_228 = arith.constant 1 : i32
    %dma_start3A_229 = arith.constant 3 : i32
    %dma_start3A_230 = arith.constant 0 : i32
    %dma_start3A_231 = arith.constant 0 : i32
    %dma_start3A_232 = tpu.memref_slice %arg9[%dma_start3A_228, %dma_start3A_229, %dma_start3A_230, %dma_start3A_231] : memref<3x5x80x64xf32, #tpu.memory_space<vmem>> -> memref<1x1x80x64xf32, #tpu.memory_space<vmem>>
    %dma_start3A_233 = tpu.memref_squeeze %dma_start3A_232 : memref<1x1x80x64xf32, #tpu.memory_space<vmem>> -> memref<80x64xf32, #tpu.memory_space<vmem>>
    %dma_start3A_234 = arith.constant 640 : i32
    %dma_start3A_235 = tpu.memref_slice %arg7[%dma_start3A_234] : memref<10000xi32, #tpu.memory_space<vmem>> -> memref<80xi32, #tpu.memory_space<vmem>>
    %dma_start3A_236 = arith.constant 0 : i32
    %dma_start3A_237 = arith.constant 0 : i32
    %dma_start3A_238 = tpu.memref_slice %arg2[%dma_start3A_236, %dma_start3A_237] : memref<10000x64xf32, #tpu.memory_space<hbm>> -> memref<10000x64xf32, #tpu.memory_space<hbm>>
    tpu.enqueue_indirect_dma source(%dma_start3A_238 : memref<10000x64xf32, #tpu.memory_space<hbm>>) target(%dma_start3A_233 : memref<80x64xf32, #tpu.memory_space<vmem>>) offsets(%dma_start3A_235 : memref<80xi32, #tpu.memory_space<vmem>>) semaphore(%arg11 : memref<!tpu.dma_semaphore, #tpu.memory_space<semaphore_mem>>)
    %add3A_239 = arith.constant 640 : i32
    %add3A_240 = arith.addi %mul3A_2, %add3A_239 : i32
    %dma_start3A_241 = arith.constant 1 : i32
    %dma_start3A_242 = arith.constant 1 : i32
    %dma_start3A_243 = arith.constant 3 : i32
    %dma_start3A_244 = arith.constant 0 : i32
    %dma_start3A_245 = tpu.memref_slice %arg8[%dma_start3A_242, %dma_start3A_243, %dma_start3A_244] : memref<3x5x80xi32, #tpu.memory_space<vmem>> -> memref<1x1x80xi32, #tpu.memory_space<vmem>>
    %dma_start3A_246 = tpu.memref_squeeze %dma_start3A_245 : memref<1x1x80xi32, #tpu.memory_space<vmem>> -> memref<80xi32, #tpu.memory_space<vmem>>
    %dma_start3A_247 = tpu.memref_slice %arg3[%dma_start3A_241, %add3A_240] : memref<2x320000xi32, #tpu.memory_space<hbm>> -> memref<1x80xi32, #tpu.memory_space<hbm>>
    %dma_start3A_248 = tpu.memref_squeeze %dma_start3A_247 : memref<1x80xi32, #tpu.memory_space<hbm>> -> memref<80xi32, #tpu.memory_space<hbm>>
    %dma_start3A_249 = arith.constant 0 : i32
    %dma_start3A_250 = tpu.memref_slice %arg8[%dma_start3A_242, %dma_start3A_243, %dma_start3A_249] : memref<3x5x80xi32, #tpu.memory_space<vmem>> -> memref<1x1x80xi32, #tpu.memory_space<vmem>>
    %dma_start3A_251 = tpu.memref_squeeze %dma_start3A_250 : memref<1x1x80xi32, #tpu.memory_space<vmem>> -> memref<80xi32, #tpu.memory_space<vmem>>
    %dma_start3A_252 = tpu.memref_slice %arg3[%dma_start3A_241, %add3A_240] : memref<2x320000xi32, #tpu.memory_space<hbm>> -> memref<1x80xi32, #tpu.memory_space<hbm>>
    %dma_start3A_253 = tpu.memref_squeeze %dma_start3A_252 : memref<1x80xi32, #tpu.memory_space<hbm>> -> memref<80xi32, #tpu.memory_space<hbm>>
    tpu.enqueue_dma source(%dma_start3A_253 : memref<80xi32, #tpu.memory_space<hbm>>) target(%dma_start3A_251 : memref<80xi32, #tpu.memory_space<vmem>>) target_semaphore(%arg13 : memref<!tpu.dma_semaphore, #tpu.memory_space<semaphore_mem>>)
    %dma_start3A_254 = arith.constant 1 : i32
    %dma_start3A_255 = arith.constant 4 : i32
    %dma_start3A_256 = arith.constant 0 : i32
    %dma_start3A_257 = arith.constant 0 : i32
    %dma_start3A_258 = tpu.memref_slice %arg9[%dma_start3A_254, %dma_start3A_255, %dma_start3A_256, %dma_start3A_257] : memref<3x5x80x64xf32, #tpu.memory_space<vmem>> -> memref<1x1x80x64xf32, #tpu.memory_space<vmem>>
    %dma_start3A_259 = tpu.memref_squeeze %dma_start3A_258 : memref<1x1x80x64xf32, #tpu.memory_space<vmem>> -> memref<80x64xf32, #tpu.memory_space<vmem>>
    %dma_start3A_260 = arith.constant 720 : i32
    %dma_start3A_261 = tpu.memref_slice %arg7[%dma_start3A_260] : memref<10000xi32, #tpu.memory_space<vmem>> -> memref<80xi32, #tpu.memory_space<vmem>>
    %dma_start3A_262 = arith.constant 0 : i32
    %dma_start3A_263 = arith.constant 0 : i32
    %dma_start3A_264 = tpu.memref_slice %arg2[%dma_start3A_262, %dma_start3A_263] : memref<10000x64xf32, #tpu.memory_space<hbm>> -> memref<10000x64xf32, #tpu.memory_space<hbm>>
    tpu.enqueue_indirect_dma source(%dma_start3A_264 : memref<10000x64xf32, #tpu.memory_space<hbm>>) target(%dma_start3A_259 : memref<80x64xf32, #tpu.memory_space<vmem>>) offsets(%dma_start3A_261 : memref<80xi32, #tpu.memory_space<vmem>>) semaphore(%arg11 : memref<!tpu.dma_semaphore, #tpu.memory_space<semaphore_mem>>)
    %add3A_265 = arith.constant 720 : i32
    %add3A_266 = arith.addi %mul3A_2, %add3A_265 : i32
    %dma_start3A_267 = arith.constant 1 : i32
    %dma_start3A_268 = arith.constant 1 : i32
    %dma_start3A_269 = arith.constant 4 : i32
    %dma_start3A_270 = arith.constant 0 : i32
    %dma_start3A_271 = tpu.memref_slice %arg8[%dma_start3A_268, %dma_start3A_269, %dma_start3A_270] : memref<3x5x80xi32, #tpu.memory_space<vmem>> -> memref<1x1x80xi32, #tpu.memory_space<vmem>>
    %dma_start3A_272 = tpu.memref_squeeze %dma_start3A_271 : memref<1x1x80xi32, #tpu.memory_space<vmem>> -> memref<80xi32, #tpu.memory_space<vmem>>
    %dma_start3A_273 = tpu.memref_slice %arg3[%dma_start3A_267, %add3A_266] : memref<2x320000xi32, #tpu.memory_space<hbm>> -> memref<1x80xi32, #tpu.memory_space<hbm>>
    %dma_start3A_274 = tpu.memref_squeeze %dma_start3A_273 : memref<1x80xi32, #tpu.memory_space<hbm>> -> memref<80xi32, #tpu.memory_space<hbm>>
    %dma_start3A_275 = arith.constant 0 : i32
    %dma_start3A_276 = tpu.memref_slice %arg8[%dma_start3A_268, %dma_start3A_269, %dma_start3A_275] : memref<3x5x80xi32, #tpu.memory_space<vmem>> -> memref<1x1x80xi32, #tpu.memory_space<vmem>>
    %dma_start3A_277 = tpu.memref_squeeze %dma_start3A_276 : memref<1x1x80xi32, #tpu.memory_space<vmem>> -> memref<80xi32, #tpu.memory_space<vmem>>
    %dma_start3A_278 = tpu.memref_slice %arg3[%dma_start3A_267, %add3A_266] : memref<2x320000xi32, #tpu.memory_space<hbm>> -> memref<1x80xi32, #tpu.memory_space<hbm>>
    %dma_start3A_279 = tpu.memref_squeeze %dma_start3A_278 : memref<1x80xi32, #tpu.memory_space<hbm>> -> memref<80xi32, #tpu.memory_space<hbm>>
    tpu.enqueue_dma source(%dma_start3A_279 : memref<80xi32, #tpu.memory_space<hbm>>) target(%dma_start3A_277 : memref<80xi32, #tpu.memory_space<vmem>>) target_semaphore(%arg13 : memref<!tpu.dma_semaphore, #tpu.memory_space<semaphore_mem>>)
    %scan3A_280 = arith.constant 0 : i32
    %scan3A_281 = arith.constant 0 : i32
    %scan3A_282 = arith.constant 25 : i32
    %scan3A_283 = arith.addi %scan3A_281, %scan3A_282 : i32
    %scan3A_284 = arith.constant 1 : i32
    scf.for %scan3A_363 = %scan3A_281 to %scan3A_283 step %scan3A_284  : i32 {
      %rem3A = arith.constant 3 : i32
      %rem3A_364 = arith.remsi %scan3A_363, %rem3A : i32
      %add3A_365 = arith.constant 2 : i32
      %add3A_366 = arith.addi %scan3A_363, %add3A_365 : i32
      %rem3A_367 = arith.constant 3 : i32
      %rem3A_368 = arith.remsi %add3A_366, %rem3A_367 : i32
      %ge3A = arith.constant 1 : i32
      %ge3A_369 = arith.cmpi sge, %scan3A_363, %ge3A : i32
      %convert_element_type3A_370 = arith.extui %ge3A_369 : i1 to i32
      %cond3A_371 = arith.constant 0 : i32
      %cond3A_372 = arith.cmpi ne, %convert_element_type3A_370, %cond3A_371 : i32
      scf.if %cond3A_372 {
        %dma_wait3A_549 = arith.constant 0 : i32
        %dma_wait3A_550 = arith.constant 0 : i32
        %dma_wait3A_551 = arith.constant 0 : i32
        %dma_wait3A_552 = arith.constant 0 : i32
        %dma_wait3A_553 = tpu.memref_slice %arg9[%rem3A_368, %dma_wait3A_549, %dma_wait3A_551, %dma_wait3A_552] : memref<3x5x80x64xf32, #tpu.memory_space<vmem>> -> memref<1x1x80x64xf32, #tpu.memory_space<vmem>>
        %dma_wait3A_554 = tpu.memref_squeeze %dma_wait3A_553 : memref<1x1x80x64xf32, #tpu.memory_space<vmem>> -> memref<80x64xf32, #tpu.memory_space<vmem>>
        %dma_wait3A_555 = arith.constant 0 : i32
        %dma_wait3A_556 = tpu.memref_slice %arg8[%rem3A_368, %dma_wait3A_550, %dma_wait3A_555] : memref<3x5x80xi32, #tpu.memory_space<vmem>> -> memref<1x1x80xi32, #tpu.memory_space<vmem>>
        %dma_wait3A_557 = tpu.memref_squeeze %dma_wait3A_556 : memref<1x1x80xi32, #tpu.memory_space<vmem>> -> memref<80xi32, #tpu.memory_space<vmem>>
        %dma_wait3A_558 = arith.constant 0 : i32
        %dma_wait3A_559 = arith.constant 0 : i32
        %dma_wait3A_560 = tpu.memref_slice %arg6[%dma_wait3A_558, %dma_wait3A_559] : memref<10240x64xf32, #tpu.memory_space<vmem_shared>> -> memref<10240x64xf32, #tpu.memory_space<vmem_shared>>
        tpu.wait_indirect_dma semaphore(%arg12 : memref<!tpu.dma_semaphore, #tpu.memory_space<semaphore_mem>>) src(%dma_wait3A_554 : memref<80x64xf32, #tpu.memory_space<vmem>>) dst(%dma_wait3A_560 : memref<10240x64xf32, #tpu.memory_space<vmem_shared>>)
        %dma_wait3A_561 = arith.constant 1 : i32
        %dma_wait3A_562 = arith.constant 1 : i32
        %dma_wait3A_563 = arith.constant 0 : i32
        %dma_wait3A_564 = arith.constant 0 : i32
        %dma_wait3A_565 = tpu.memref_slice %arg9[%rem3A_368, %dma_wait3A_561, %dma_wait3A_563, %dma_wait3A_564] : memref<3x5x80x64xf32, #tpu.memory_space<vmem>> -> memref<1x1x80x64xf32, #tpu.memory_space<vmem>>
        %dma_wait3A_566 = tpu.memref_squeeze %dma_wait3A_565 : memref<1x1x80x64xf32, #tpu.memory_space<vmem>> -> memref<80x64xf32, #tpu.memory_space<vmem>>
        %dma_wait3A_567 = arith.constant 0 : i32
        %dma_wait3A_568 = tpu.memref_slice %arg8[%rem3A_368, %dma_wait3A_562, %dma_wait3A_567] : memref<3x5x80xi32, #tpu.memory_space<vmem>> -> memref<1x1x80xi32, #tpu.memory_space<vmem>>
        %dma_wait3A_569 = tpu.memref_squeeze %dma_wait3A_568 : memref<1x1x80xi32, #tpu.memory_space<vmem>> -> memref<80xi32, #tpu.memory_space<vmem>>
        %dma_wait3A_570 = arith.constant 0 : i32
        %dma_wait3A_571 = arith.constant 0 : i32
        %dma_wait3A_572 = tpu.memref_slice %arg6[%dma_wait3A_570, %dma_wait3A_571] : memref<10240x64xf32, #tpu.memory_space<vmem_shared>> -> memref<10240x64xf32, #tpu.memory_space<vmem_shared>>
        tpu.wait_indirect_dma semaphore(%arg12 : memref<!tpu.dma_semaphore, #tpu.memory_space<semaphore_mem>>) src(%dma_wait3A_566 : memref<80x64xf32, #tpu.memory_space<vmem>>) dst(%dma_wait3A_572 : memref<10240x64xf32, #tpu.memory_space<vmem_shared>>)
        %dma_wait3A_573 = arith.constant 2 : i32
        %dma_wait3A_574 = arith.constant 2 : i32
        %dma_wait3A_575 = arith.constant 0 : i32
        %dma_wait3A_576 = arith.constant 0 : i32
        %dma_wait3A_577 = tpu.memref_slice %arg9[%rem3A_368, %dma_wait3A_573, %dma_wait3A_575, %dma_wait3A_576] : memref<3x5x80x64xf32, #tpu.memory_space<vmem>> -> memref<1x1x80x64xf32, #tpu.memory_space<vmem>>
        %dma_wait3A_578 = tpu.memref_squeeze %dma_wait3A_577 : memref<1x1x80x64xf32, #tpu.memory_space<vmem>> -> memref<80x64xf32, #tpu.memory_space<vmem>>
        %dma_wait3A_579 = arith.constant 0 : i32
        %dma_wait3A_580 = tpu.memref_slice %arg8[%rem3A_368, %dma_wait3A_574, %dma_wait3A_579] : memref<3x5x80xi32, #tpu.memory_space<vmem>> -> memref<1x1x80xi32, #tpu.memory_space<vmem>>
        %dma_wait3A_581 = tpu.memref_squeeze %dma_wait3A_580 : memref<1x1x80xi32, #tpu.memory_space<vmem>> -> memref<80xi32, #tpu.memory_space<vmem>>
        %dma_wait3A_582 = arith.constant 0 : i32
        %dma_wait3A_583 = arith.constant 0 : i32
        %dma_wait3A_584 = tpu.memref_slice %arg6[%dma_wait3A_582, %dma_wait3A_583] : memref<10240x64xf32, #tpu.memory_space<vmem_shared>> -> memref<10240x64xf32, #tpu.memory_space<vmem_shared>>
        tpu.wait_indirect_dma semaphore(%arg12 : memref<!tpu.dma_semaphore, #tpu.memory_space<semaphore_mem>>) src(%dma_wait3A_578 : memref<80x64xf32, #tpu.memory_space<vmem>>) dst(%dma_wait3A_584 : memref<10240x64xf32, #tpu.memory_space<vmem_shared>>)
        %dma_wait3A_585 = arith.constant 3 : i32
        %dma_wait3A_586 = arith.constant 3 : i32
        %dma_wait3A_587 = arith.constant 0 : i32
        %dma_wait3A_588 = arith.constant 0 : i32
        %dma_wait3A_589 = tpu.memref_slice %arg9[%rem3A_368, %dma_wait3A_585, %dma_wait3A_587, %dma_wait3A_588] : memref<3x5x80x64xf32, #tpu.memory_space<vmem>> -> memref<1x1x80x64xf32, #tpu.memory_space<vmem>>
        %dma_wait3A_590 = tpu.memref_squeeze %dma_wait3A_589 : memref<1x1x80x64xf32, #tpu.memory_space<vmem>> -> memref<80x64xf32, #tpu.memory_space<vmem>>
        %dma_wait3A_591 = arith.constant 0 : i32
        %dma_wait3A_592 = tpu.memref_slice %arg8[%rem3A_368, %dma_wait3A_586, %dma_wait3A_591] : memref<3x5x80xi32, #tpu.memory_space<vmem>> -> memref<1x1x80xi32, #tpu.memory_space<vmem>>
        %dma_wait3A_593 = tpu.memref_squeeze %dma_wait3A_592 : memref<1x1x80xi32, #tpu.memory_space<vmem>> -> memref<80xi32, #tpu.memory_space<vmem>>
        %dma_wait3A_594 = arith.constant 0 : i32
        %dma_wait3A_595 = arith.constant 0 : i32
        %dma_wait3A_596 = tpu.memref_slice %arg6[%dma_wait3A_594, %dma_wait3A_595] : memref<10240x64xf32, #tpu.memory_space<vmem_shared>> -> memref<10240x64xf32, #tpu.memory_space<vmem_shared>>
        tpu.wait_indirect_dma semaphore(%arg12 : memref<!tpu.dma_semaphore, #tpu.memory_space<semaphore_mem>>) src(%dma_wait3A_590 : memref<80x64xf32, #tpu.memory_space<vmem>>) dst(%dma_wait3A_596 : memref<10240x64xf32, #tpu.memory_space<vmem_shared>>)
        %dma_wait3A_597 = arith.constant 4 : i32
        %dma_wait3A_598 = arith.constant 4 : i32
        %dma_wait3A_599 = arith.constant 0 : i32
        %dma_wait3A_600 = arith.constant 0 : i32
        %dma_wait3A_601 = tpu.memref_slice %arg9[%rem3A_368, %dma_wait3A_597, %dma_wait3A_599, %dma_wait3A_600] : memref<3x5x80x64xf32, #tpu.memory_space<vmem>> -> memref<1x1x80x64xf32, #tpu.memory_space<vmem>>
        %dma_wait3A_602 = tpu.memref_squeeze %dma_wait3A_601 : memref<1x1x80x64xf32, #tpu.memory_space<vmem>> -> memref<80x64xf32, #tpu.memory_space<vmem>>
        %dma_wait3A_603 = arith.constant 0 : i32
        %dma_wait3A_604 = tpu.memref_slice %arg8[%rem3A_368, %dma_wait3A_598, %dma_wait3A_603] : memref<3x5x80xi32, #tpu.memory_space<vmem>> -> memref<1x1x80xi32, #tpu.memory_space<vmem>>
        %dma_wait3A_605 = tpu.memref_squeeze %dma_wait3A_604 : memref<1x1x80xi32, #tpu.memory_space<vmem>> -> memref<80xi32, #tpu.memory_space<vmem>>
        %dma_wait3A_606 = arith.constant 0 : i32
        %dma_wait3A_607 = arith.constant 0 : i32
        %dma_wait3A_608 = tpu.memref_slice %arg6[%dma_wait3A_606, %dma_wait3A_607] : memref<10240x64xf32, #tpu.memory_space<vmem_shared>> -> memref<10240x64xf32, #tpu.memory_space<vmem_shared>>
        tpu.wait_indirect_dma semaphore(%arg12 : memref<!tpu.dma_semaphore, #tpu.memory_space<semaphore_mem>>) src(%dma_wait3A_602 : memref<80x64xf32, #tpu.memory_space<vmem>>) dst(%dma_wait3A_608 : memref<10240x64xf32, #tpu.memory_space<vmem_shared>>)
      } else {
      }
      %add3A_373 = arith.constant 2 : i32
      %add3A_374 = arith.addi %scan3A_363, %add3A_373 : i32
      %lt3A = arith.constant 25 : i32
      %lt3A_375 = arith.cmpi slt, %add3A_374, %lt3A : i32
      %convert_element_type3A_376 = arith.extui %lt3A_375 : i1 to i32
      %cond3A_377 = arith.constant 0 : i32
      %cond3A_378 = arith.cmpi ne, %convert_element_type3A_376, %cond3A_377 : i32
      scf.if %cond3A_378 {
        %add3A_549 = arith.constant 2 : i32
        %add3A_550 = arith.addi %scan3A_363, %add3A_549 : i32
        %mul3A_551 = arith.constant 5 : i32
        %mul3A_552 = arith.muli %add3A_550, %mul3A_551 : i32
        %add3A_553 = arith.constant 0 : i32
        %add3A_554 = arith.addi %mul3A_552, %add3A_553 : i32
        %mul3A_555 = arith.constant 80 : i32
        %mul3A_556 = arith.muli %add3A_554, %mul3A_555 : i32
        %dma_start3A_557 = arith.constant 0 : i32
        %dma_start3A_558 = arith.constant 0 : i32
        %dma_start3A_559 = arith.constant 0 : i32
        %dma_start3A_560 = tpu.memref_slice %arg9[%rem3A_368, %dma_start3A_557, %dma_start3A_558, %dma_start3A_559] : memref<3x5x80x64xf32, #tpu.memory_space<vmem>> -> memref<1x1x80x64xf32, #tpu.memory_space<vmem>>
        %dma_start3A_561 = tpu.memref_squeeze %dma_start3A_560 : memref<1x1x80x64xf32, #tpu.memory_space<vmem>> -> memref<80x64xf32, #tpu.memory_space<vmem>>
        %dma_start3A_562 = tpu.memref_slice %arg7[%mul3A_556] : memref<10000xi32, #tpu.memory_space<vmem>> -> memref<80xi32, #tpu.memory_space<vmem>>
        %dma_start3A_563 = arith.constant 0 : i32
        %dma_start3A_564 = arith.constant 0 : i32
        %dma_start3A_565 = tpu.memref_slice %arg2[%dma_start3A_563, %dma_start3A_564] : memref<10000x64xf32, #tpu.memory_space<hbm>> -> memref<10000x64xf32, #tpu.memory_space<hbm>>
        tpu.enqueue_indirect_dma source(%dma_start3A_565 : memref<10000x64xf32, #tpu.memory_space<hbm>>) target(%dma_start3A_561 : memref<80x64xf32, #tpu.memory_space<vmem>>) offsets(%dma_start3A_562 : memref<80xi32, #tpu.memory_space<vmem>>) semaphore(%arg11 : memref<!tpu.dma_semaphore, #tpu.memory_space<semaphore_mem>>)
        %mul3A_566 = arith.constant 80 : i32
        %mul3A_567 = arith.muli %add3A_554, %mul3A_566 : i32
        %add3A_568 = arith.addi %mul3A_2, %mul3A_567 : i32
        %dma_start3A_569 = arith.constant 1 : i32
        %dma_start3A_570 = arith.constant 0 : i32
        %dma_start3A_571 = arith.constant 0 : i32
        %dma_start3A_572 = tpu.memref_slice %arg8[%rem3A_368, %dma_start3A_570, %dma_start3A_571] : memref<3x5x80xi32, #tpu.memory_space<vmem>> -> memref<1x1x80xi32, #tpu.memory_space<vmem>>
        %dma_start3A_573 = tpu.memref_squeeze %dma_start3A_572 : memref<1x1x80xi32, #tpu.memory_space<vmem>> -> memref<80xi32, #tpu.memory_space<vmem>>
        %dma_start3A_574 = tpu.memref_slice %arg3[%dma_start3A_569, %add3A_568] : memref<2x320000xi32, #tpu.memory_space<hbm>> -> memref<1x80xi32, #tpu.memory_space<hbm>>
        %dma_start3A_575 = tpu.memref_squeeze %dma_start3A_574 : memref<1x80xi32, #tpu.memory_space<hbm>> -> memref<80xi32, #tpu.memory_space<hbm>>
        %dma_start3A_576 = arith.constant 0 : i32
        %dma_start3A_577 = tpu.memref_slice %arg8[%rem3A_368, %dma_start3A_570, %dma_start3A_576] : memref<3x5x80xi32, #tpu.memory_space<vmem>> -> memref<1x1x80xi32, #tpu.memory_space<vmem>>
        %dma_start3A_578 = tpu.memref_squeeze %dma_start3A_577 : memref<1x1x80xi32, #tpu.memory_space<vmem>> -> memref<80xi32, #tpu.memory_space<vmem>>
        %dma_start3A_579 = tpu.memref_slice %arg3[%dma_start3A_569, %add3A_568] : memref<2x320000xi32, #tpu.memory_space<hbm>> -> memref<1x80xi32, #tpu.memory_space<hbm>>
        %dma_start3A_580 = tpu.memref_squeeze %dma_start3A_579 : memref<1x80xi32, #tpu.memory_space<hbm>> -> memref<80xi32, #tpu.memory_space<hbm>>
        tpu.enqueue_dma source(%dma_start3A_580 : memref<80xi32, #tpu.memory_space<hbm>>) target(%dma_start3A_578 : memref<80xi32, #tpu.memory_space<vmem>>) target_semaphore(%arg13 : memref<!tpu.dma_semaphore, #tpu.memory_space<semaphore_mem>>)
        %mul3A_581 = arith.constant 5 : i32
        %mul3A_582 = arith.muli %add3A_550, %mul3A_581 : i32
        %add3A_583 = arith.constant 1 : i32
        %add3A_584 = arith.addi %mul3A_582, %add3A_583 : i32
        %mul3A_585 = arith.constant 80 : i32
        %mul3A_586 = arith.muli %add3A_584, %mul3A_585 : i32
        %dma_start3A_587 = arith.constant 1 : i32
        %dma_start3A_588 = arith.constant 0 : i32
        %dma_start3A_589 = arith.constant 0 : i32
        %dma_start3A_590 = tpu.memref_slice %arg9[%rem3A_368, %dma_start3A_587, %dma_start3A_588, %dma_start3A_589] : memref<3x5x80x64xf32, #tpu.memory_space<vmem>> -> memref<1x1x80x64xf32, #tpu.memory_space<vmem>>
        %dma_start3A_591 = tpu.memref_squeeze %dma_start3A_590 : memref<1x1x80x64xf32, #tpu.memory_space<vmem>> -> memref<80x64xf32, #tpu.memory_space<vmem>>
        %dma_start3A_592 = tpu.memref_slice %arg7[%mul3A_586] : memref<10000xi32, #tpu.memory_space<vmem>> -> memref<80xi32, #tpu.memory_space<vmem>>
        %dma_start3A_593 = arith.constant 0 : i32
        %dma_start3A_594 = arith.constant 0 : i32
        %dma_start3A_595 = tpu.memref_slice %arg2[%dma_start3A_593, %dma_start3A_594] : memref<10000x64xf32, #tpu.memory_space<hbm>> -> memref<10000x64xf32, #tpu.memory_space<hbm>>
        tpu.enqueue_indirect_dma source(%dma_start3A_595 : memref<10000x64xf32, #tpu.memory_space<hbm>>) target(%dma_start3A_591 : memref<80x64xf32, #tpu.memory_space<vmem>>) offsets(%dma_start3A_592 : memref<80xi32, #tpu.memory_space<vmem>>) semaphore(%arg11 : memref<!tpu.dma_semaphore, #tpu.memory_space<semaphore_mem>>)
        %mul3A_596 = arith.constant 80 : i32
        %mul3A_597 = arith.muli %add3A_584, %mul3A_596 : i32
        %add3A_598 = arith.addi %mul3A_2, %mul3A_597 : i32
        %dma_start3A_599 = arith.constant 1 : i32
        %dma_start3A_600 = arith.constant 1 : i32
        %dma_start3A_601 = arith.constant 0 : i32
        %dma_start3A_602 = tpu.memref_slice %arg8[%rem3A_368, %dma_start3A_600, %dma_start3A_601] : memref<3x5x80xi32, #tpu.memory_space<vmem>> -> memref<1x1x80xi32, #tpu.memory_space<vmem>>
        %dma_start3A_603 = tpu.memref_squeeze %dma_start3A_602 : memref<1x1x80xi32, #tpu.memory_space<vmem>> -> memref<80xi32, #tpu.memory_space<vmem>>
        %dma_start3A_604 = tpu.memref_slice %arg3[%dma_start3A_599, %add3A_598] : memref<2x320000xi32, #tpu.memory_space<hbm>> -> memref<1x80xi32, #tpu.memory_space<hbm>>
        %dma_start3A_605 = tpu.memref_squeeze %dma_start3A_604 : memref<1x80xi32, #tpu.memory_space<hbm>> -> memref<80xi32, #tpu.memory_space<hbm>>
        %dma_start3A_606 = arith.constant 0 : i32
        %dma_start3A_607 = tpu.memref_slice %arg8[%rem3A_368, %dma_start3A_600, %dma_start3A_606] : memref<3x5x80xi32, #tpu.memory_space<vmem>> -> memref<1x1x80xi32, #tpu.memory_space<vmem>>
        %dma_start3A_608 = tpu.memref_squeeze %dma_start3A_607 : memref<1x1x80xi32, #tpu.memory_space<vmem>> -> memref<80xi32, #tpu.memory_space<vmem>>
        %dma_start3A_609 = tpu.memref_slice %arg3[%dma_start3A_599, %add3A_598] : memref<2x320000xi32, #tpu.memory_space<hbm>> -> memref<1x80xi32, #tpu.memory_space<hbm>>
        %dma_start3A_610 = tpu.memref_squeeze %dma_start3A_609 : memref<1x80xi32, #tpu.memory_space<hbm>> -> memref<80xi32, #tpu.memory_space<hbm>>
        tpu.enqueue_dma source(%dma_start3A_610 : memref<80xi32, #tpu.memory_space<hbm>>) target(%dma_start3A_608 : memref<80xi32, #tpu.memory_space<vmem>>) target_semaphore(%arg13 : memref<!tpu.dma_semaphore, #tpu.memory_space<semaphore_mem>>)
        %mul3A_611 = arith.constant 5 : i32
        %mul3A_612 = arith.muli %add3A_550, %mul3A_611 : i32
        %add3A_613 = arith.constant 2 : i32
        %add3A_614 = arith.addi %mul3A_612, %add3A_613 : i32
        %mul3A_615 = arith.constant 80 : i32
        %mul3A_616 = arith.muli %add3A_614, %mul3A_615 : i32
        %dma_start3A_617 = arith.constant 2 : i32
        %dma_start3A_618 = arith.constant 0 : i32
        %dma_start3A_619 = arith.constant 0 : i32
        %dma_start3A_620 = tpu.memref_slice %arg9[%rem3A_368, %dma_start3A_617, %dma_start3A_618, %dma_start3A_619] : memref<3x5x80x64xf32, #tpu.memory_space<vmem>> -> memref<1x1x80x64xf32, #tpu.memory_space<vmem>>
        %dma_start3A_621 = tpu.memref_squeeze %dma_start3A_620 : memref<1x1x80x64xf32, #tpu.memory_space<vmem>> -> memref<80x64xf32, #tpu.memory_space<vmem>>
        %dma_start3A_622 = tpu.memref_slice %arg7[%mul3A_616] : memref<10000xi32, #tpu.memory_space<vmem>> -> memref<80xi32, #tpu.memory_space<vmem>>
        %dma_start3A_623 = arith.constant 0 : i32
        %dma_start3A_624 = arith.constant 0 : i32
        %dma_start3A_625 = tpu.memref_slice %arg2[%dma_start3A_623, %dma_start3A_624] : memref<10000x64xf32, #tpu.memory_space<hbm>> -> memref<10000x64xf32, #tpu.memory_space<hbm>>
        tpu.enqueue_indirect_dma source(%dma_start3A_625 : memref<10000x64xf32, #tpu.memory_space<hbm>>) target(%dma_start3A_621 : memref<80x64xf32, #tpu.memory_space<vmem>>) offsets(%dma_start3A_622 : memref<80xi32, #tpu.memory_space<vmem>>) semaphore(%arg11 : memref<!tpu.dma_semaphore, #tpu.memory_space<semaphore_mem>>)
        %mul3A_626 = arith.constant 80 : i32
        %mul3A_627 = arith.muli %add3A_614, %mul3A_626 : i32
        %add3A_628 = arith.addi %mul3A_2, %mul3A_627 : i32
        %dma_start3A_629 = arith.constant 1 : i32
        %dma_start3A_630 = arith.constant 2 : i32
        %dma_start3A_631 = arith.constant 0 : i32
        %dma_start3A_632 = tpu.memref_slice %arg8[%rem3A_368, %dma_start3A_630, %dma_start3A_631] : memref<3x5x80xi32, #tpu.memory_space<vmem>> -> memref<1x1x80xi32, #tpu.memory_space<vmem>>
        %dma_start3A_633 = tpu.memref_squeeze %dma_start3A_632 : memref<1x1x80xi32, #tpu.memory_space<vmem>> -> memref<80xi32, #tpu.memory_space<vmem>>
        %dma_start3A_634 = tpu.memref_slice %arg3[%dma_start3A_629, %add3A_628] : memref<2x320000xi32, #tpu.memory_space<hbm>> -> memref<1x80xi32, #tpu.memory_space<hbm>>
        %dma_start3A_635 = tpu.memref_squeeze %dma_start3A_634 : memref<1x80xi32, #tpu.memory_space<hbm>> -> memref<80xi32, #tpu.memory_space<hbm>>
        %dma_start3A_636 = arith.constant 0 : i32
        %dma_start3A_637 = tpu.memref_slice %arg8[%rem3A_368, %dma_start3A_630, %dma_start3A_636] : memref<3x5x80xi32, #tpu.memory_space<vmem>> -> memref<1x1x80xi32, #tpu.memory_space<vmem>>
        %dma_start3A_638 = tpu.memref_squeeze %dma_start3A_637 : memref<1x1x80xi32, #tpu.memory_space<vmem>> -> memref<80xi32, #tpu.memory_space<vmem>>
        %dma_start3A_639 = tpu.memref_slice %arg3[%dma_start3A_629, %add3A_628] : memref<2x320000xi32, #tpu.memory_space<hbm>> -> memref<1x80xi32, #tpu.memory_space<hbm>>
        %dma_start3A_640 = tpu.memref_squeeze %dma_start3A_639 : memref<1x80xi32, #tpu.memory_space<hbm>> -> memref<80xi32, #tpu.memory_space<hbm>>
        tpu.enqueue_dma source(%dma_start3A_640 : memref<80xi32, #tpu.memory_space<hbm>>) target(%dma_start3A_638 : memref<80xi32, #tpu.memory_space<vmem>>) target_semaphore(%arg13 : memref<!tpu.dma_semaphore, #tpu.memory_space<semaphore_mem>>)
        %mul3A_641 = arith.constant 5 : i32
        %mul3A_642 = arith.muli %add3A_550, %mul3A_641 : i32
        %add3A_643 = arith.constant 3 : i32
        %add3A_644 = arith.addi %mul3A_642, %add3A_643 : i32
        %mul3A_645 = arith.constant 80 : i32
        %mul3A_646 = arith.muli %add3A_644, %mul3A_645 : i32
        %dma_start3A_647 = arith.constant 3 : i32
        %dma_start3A_648 = arith.constant 0 : i32
        %dma_start3A_649 = arith.constant 0 : i32
        %dma_start3A_650 = tpu.memref_slice %arg9[%rem3A_368, %dma_start3A_647, %dma_start3A_648, %dma_start3A_649] : memref<3x5x80x64xf32, #tpu.memory_space<vmem>> -> memref<1x1x80x64xf32, #tpu.memory_space<vmem>>
        %dma_start3A_651 = tpu.memref_squeeze %dma_start3A_650 : memref<1x1x80x64xf32, #tpu.memory_space<vmem>> -> memref<80x64xf32, #tpu.memory_space<vmem>>
        %dma_start3A_652 = tpu.memref_slice %arg7[%mul3A_646] : memref<10000xi32, #tpu.memory_space<vmem>> -> memref<80xi32, #tpu.memory_space<vmem>>
        %dma_start3A_653 = arith.constant 0 : i32
        %dma_start3A_654 = arith.constant 0 : i32
        %dma_start3A_655 = tpu.memref_slice %arg2[%dma_start3A_653, %dma_start3A_654] : memref<10000x64xf32, #tpu.memory_space<hbm>> -> memref<10000x64xf32, #tpu.memory_space<hbm>>
        tpu.enqueue_indirect_dma source(%dma_start3A_655 : memref<10000x64xf32, #tpu.memory_space<hbm>>) target(%dma_start3A_651 : memref<80x64xf32, #tpu.memory_space<vmem>>) offsets(%dma_start3A_652 : memref<80xi32, #tpu.memory_space<vmem>>) semaphore(%arg11 : memref<!tpu.dma_semaphore, #tpu.memory_space<semaphore_mem>>)
        %mul3A_656 = arith.constant 80 : i32
        %mul3A_657 = arith.muli %add3A_644, %mul3A_656 : i32
        %add3A_658 = arith.addi %mul3A_2, %mul3A_657 : i32
        %dma_start3A_659 = arith.constant 1 : i32
        %dma_start3A_660 = arith.constant 3 : i32
        %dma_start3A_661 = arith.constant 0 : i32
        %dma_start3A_662 = tpu.memref_slice %arg8[%rem3A_368, %dma_start3A_660, %dma_start3A_661] : memref<3x5x80xi32, #tpu.memory_space<vmem>> -> memref<1x1x80xi32, #tpu.memory_space<vmem>>
        %dma_start3A_663 = tpu.memref_squeeze %dma_start3A_662 : memref<1x1x80xi32, #tpu.memory_space<vmem>> -> memref<80xi32, #tpu.memory_space<vmem>>
        %dma_start3A_664 = tpu.memref_slice %arg3[%dma_start3A_659, %add3A_658] : memref<2x320000xi32, #tpu.memory_space<hbm>> -> memref<1x80xi32, #tpu.memory_space<hbm>>
        %dma_start3A_665 = tpu.memref_squeeze %dma_start3A_664 : memref<1x80xi32, #tpu.memory_space<hbm>> -> memref<80xi32, #tpu.memory_space<hbm>>
        %dma_start3A_666 = arith.constant 0 : i32
        %dma_start3A_667 = tpu.memref_slice %arg8[%rem3A_368, %dma_start3A_660, %dma_start3A_666] : memref<3x5x80xi32, #tpu.memory_space<vmem>> -> memref<1x1x80xi32, #tpu.memory_space<vmem>>
        %dma_start3A_668 = tpu.memref_squeeze %dma_start3A_667 : memref<1x1x80xi32, #tpu.memory_space<vmem>> -> memref<80xi32, #tpu.memory_space<vmem>>
        %dma_start3A_669 = tpu.memref_slice %arg3[%dma_start3A_659, %add3A_658] : memref<2x320000xi32, #tpu.memory_space<hbm>> -> memref<1x80xi32, #tpu.memory_space<hbm>>
        %dma_start3A_670 = tpu.memref_squeeze %dma_start3A_669 : memref<1x80xi32, #tpu.memory_space<hbm>> -> memref<80xi32, #tpu.memory_space<hbm>>
        tpu.enqueue_dma source(%dma_start3A_670 : memref<80xi32, #tpu.memory_space<hbm>>) target(%dma_start3A_668 : memref<80xi32, #tpu.memory_space<vmem>>) target_semaphore(%arg13 : memref<!tpu.dma_semaphore, #tpu.memory_space<semaphore_mem>>)
        %mul3A_671 = arith.constant 5 : i32
        %mul3A_672 = arith.muli %add3A_550, %mul3A_671 : i32
        %add3A_673 = arith.constant 4 : i32
        %add3A_674 = arith.addi %mul3A_672, %add3A_673 : i32
        %mul3A_675 = arith.constant 80 : i32
        %mul3A_676 = arith.muli %add3A_674, %mul3A_675 : i32
        %dma_start3A_677 = arith.constant 4 : i32
        %dma_start3A_678 = arith.constant 0 : i32
        %dma_start3A_679 = arith.constant 0 : i32
        %dma_start3A_680 = tpu.memref_slice %arg9[%rem3A_368, %dma_start3A_677, %dma_start3A_678, %dma_start3A_679] : memref<3x5x80x64xf32, #tpu.memory_space<vmem>> -> memref<1x1x80x64xf32, #tpu.memory_space<vmem>>
        %dma_start3A_681 = tpu.memref_squeeze %dma_start3A_680 : memref<1x1x80x64xf32, #tpu.memory_space<vmem>> -> memref<80x64xf32, #tpu.memory_space<vmem>>
        %dma_start3A_682 = tpu.memref_slice %arg7[%mul3A_676] : memref<10000xi32, #tpu.memory_space<vmem>> -> memref<80xi32, #tpu.memory_space<vmem>>
        %dma_start3A_683 = arith.constant 0 : i32
        %dma_start3A_684 = arith.constant 0 : i32
        %dma_start3A_685 = tpu.memref_slice %arg2[%dma_start3A_683, %dma_start3A_684] : memref<10000x64xf32, #tpu.memory_space<hbm>> -> memref<10000x64xf32, #tpu.memory_space<hbm>>
        tpu.enqueue_indirect_dma source(%dma_start3A_685 : memref<10000x64xf32, #tpu.memory_space<hbm>>) target(%dma_start3A_681 : memref<80x64xf32, #tpu.memory_space<vmem>>) offsets(%dma_start3A_682 : memref<80xi32, #tpu.memory_space<vmem>>) semaphore(%arg11 : memref<!tpu.dma_semaphore, #tpu.memory_space<semaphore_mem>>)
        %mul3A_686 = arith.constant 80 : i32
        %mul3A_687 = arith.muli %add3A_674, %mul3A_686 : i32
        %add3A_688 = arith.addi %mul3A_2, %mul3A_687 : i32
        %dma_start3A_689 = arith.constant 1 : i32
        %dma_start3A_690 = arith.constant 4 : i32
        %dma_start3A_691 = arith.constant 0 : i32
        %dma_start3A_692 = tpu.memref_slice %arg8[%rem3A_368, %dma_start3A_690, %dma_start3A_691] : memref<3x5x80xi32, #tpu.memory_space<vmem>> -> memref<1x1x80xi32, #tpu.memory_space<vmem>>
        %dma_start3A_693 = tpu.memref_squeeze %dma_start3A_692 : memref<1x1x80xi32, #tpu.memory_space<vmem>> -> memref<80xi32, #tpu.memory_space<vmem>>
        %dma_start3A_694 = tpu.memref_slice %arg3[%dma_start3A_689, %add3A_688] : memref<2x320000xi32, #tpu.memory_space<hbm>> -> memref<1x80xi32, #tpu.memory_space<hbm>>
        %dma_start3A_695 = tpu.memref_squeeze %dma_start3A_694 : memref<1x80xi32, #tpu.memory_space<hbm>> -> memref<80xi32, #tpu.memory_space<hbm>>
        %dma_start3A_696 = arith.constant 0 : i32
        %dma_start3A_697 = tpu.memref_slice %arg8[%rem3A_368, %dma_start3A_690, %dma_start3A_696] : memref<3x5x80xi32, #tpu.memory_space<vmem>> -> memref<1x1x80xi32, #tpu.memory_space<vmem>>
        %dma_start3A_698 = tpu.memref_squeeze %dma_start3A_697 : memref<1x1x80xi32, #tpu.memory_space<vmem>> -> memref<80xi32, #tpu.memory_space<vmem>>
        %dma_start3A_699 = tpu.memref_slice %arg3[%dma_start3A_689, %add3A_688] : memref<2x320000xi32, #tpu.memory_space<hbm>> -> memref<1x80xi32, #tpu.memory_space<hbm>>
        %dma_start3A_700 = tpu.memref_squeeze %dma_start3A_699 : memref<1x80xi32, #tpu.memory_space<hbm>> -> memref<80xi32, #tpu.memory_space<hbm>>
        tpu.enqueue_dma source(%dma_start3A_700 : memref<80xi32, #tpu.memory_space<hbm>>) target(%dma_start3A_698 : memref<80xi32, #tpu.memory_space<vmem>>) target_semaphore(%arg13 : memref<!tpu.dma_semaphore, #tpu.memory_space<semaphore_mem>>)
      } else {
      }
      %dma_wait3A_379 = arith.constant 0 : i32
      %dma_wait3A_380 = arith.constant 0 : i32
      %dma_wait3A_381 = arith.constant 0 : i32
      %dma_wait3A_382 = tpu.memref_slice %arg9[%rem3A_364, %dma_wait3A_379, %dma_wait3A_380, %dma_wait3A_381] : memref<3x5x80x64xf32, #tpu.memory_space<vmem>> -> memref<1x1x80x64xf32, #tpu.memory_space<vmem>>
      %dma_wait3A_383 = tpu.memref_squeeze %dma_wait3A_382 : memref<1x1x80x64xf32, #tpu.memory_space<vmem>> -> memref<80x64xf32, #tpu.memory_space<vmem>>
      %dma_wait3A_384 = arith.constant 0 : i32
      %dma_wait3A_385 = tpu.memref_slice %arg7[%dma_wait3A_384] : memref<10000xi32, #tpu.memory_space<vmem>> -> memref<80xi32, #tpu.memory_space<vmem>>
      %dma_wait3A_386 = arith.constant 0 : i32
      %dma_wait3A_387 = arith.constant 0 : i32
      %dma_wait3A_388 = tpu.memref_slice %arg2[%dma_wait3A_386, %dma_wait3A_387] : memref<10000x64xf32, #tpu.memory_space<hbm>> -> memref<10000x64xf32, #tpu.memory_space<hbm>>
      tpu.wait_indirect_dma semaphore(%arg11 : memref<!tpu.dma_semaphore, #tpu.memory_space<semaphore_mem>>) src(%dma_wait3A_388 : memref<10000x64xf32, #tpu.memory_space<hbm>>) dst(%dma_wait3A_383 : memref<80x64xf32, #tpu.memory_space<vmem>>)
      %dma_wait3A_389 = arith.constant 1 : i32
      %dma_wait3A_390 = arith.constant 0 : i32
      %dma_wait3A_391 = arith.constant 0 : i32
      %dma_wait3A_392 = tpu.memref_slice %arg8[%rem3A_364, %dma_wait3A_390, %dma_wait3A_391] : memref<3x5x80xi32, #tpu.memory_space<vmem>> -> memref<1x1x80xi32, #tpu.memory_space<vmem>>
      %dma_wait3A_393 = tpu.memref_squeeze %dma_wait3A_392 : memref<1x1x80xi32, #tpu.memory_space<vmem>> -> memref<80xi32, #tpu.memory_space<vmem>>
      %dma_wait3A_394 = tpu.memref_slice %arg3[%dma_wait3A_389, %mul3A_2] : memref<2x320000xi32, #tpu.memory_space<hbm>> -> memref<1x80xi32, #tpu.memory_space<hbm>>
      %dma_wait3A_395 = tpu.memref_squeeze %dma_wait3A_394 : memref<1x80xi32, #tpu.memory_space<hbm>> -> memref<80xi32, #tpu.memory_space<hbm>>
      %dma_wait3A_396 = arith.constant 0 : i32
      %dma_wait3A_397 = tpu.memref_slice %arg8[%rem3A_364, %dma_wait3A_390, %dma_wait3A_396] : memref<3x5x80xi32, #tpu.memory_space<vmem>> -> memref<1x1x80xi32, #tpu.memory_space<vmem>>
      %dma_wait3A_398 = tpu.memref_squeeze %dma_wait3A_397 : memref<1x1x80xi32, #tpu.memory_space<vmem>> -> memref<80xi32, #tpu.memory_space<vmem>>
      %dma_wait3A_399 = tpu.memref_slice %arg3[%dma_wait3A_389, %mul3A_2] : memref<2x320000xi32, #tpu.memory_space<hbm>> -> memref<1x80xi32, #tpu.memory_space<hbm>>
      %dma_wait3A_400 = tpu.memref_squeeze %dma_wait3A_399 : memref<1x80xi32, #tpu.memory_space<hbm>> -> memref<80xi32, #tpu.memory_space<hbm>>
      tpu.wait_dma2 semaphore(%arg13 : memref<!tpu.dma_semaphore, #tpu.memory_space<semaphore_mem>>) src(%dma_wait3A_400 : memref<80xi32, #tpu.memory_space<hbm>>) dst(%dma_wait3A_398 : memref<80xi32, #tpu.memory_space<vmem>>)
      %dma_wait3A_401 = arith.constant 1 : i32
      %dma_wait3A_402 = arith.constant 0 : i32
      %dma_wait3A_403 = arith.constant 0 : i32
      %dma_wait3A_404 = tpu.memref_slice %arg9[%rem3A_364, %dma_wait3A_401, %dma_wait3A_402, %dma_wait3A_403] : memref<3x5x80x64xf32, #tpu.memory_space<vmem>> -> memref<1x1x80x64xf32, #tpu.memory_space<vmem>>
      %dma_wait3A_405 = tpu.memref_squeeze %dma_wait3A_404 : memref<1x1x80x64xf32, #tpu.memory_space<vmem>> -> memref<80x64xf32, #tpu.memory_space<vmem>>
      %dma_wait3A_406 = arith.constant 80 : i32
      %dma_wait3A_407 = tpu.memref_slice %arg7[%dma_wait3A_406] : memref<10000xi32, #tpu.memory_space<vmem>> -> memref<80xi32, #tpu.memory_space<vmem>>
      %dma_wait3A_408 = arith.constant 0 : i32
      %dma_wait3A_409 = arith.constant 0 : i32
      %dma_wait3A_410 = tpu.memref_slice %arg2[%dma_wait3A_408, %dma_wait3A_409] : memref<10000x64xf32, #tpu.memory_space<hbm>> -> memref<10000x64xf32, #tpu.memory_space<hbm>>
      tpu.wait_indirect_dma semaphore(%arg11 : memref<!tpu.dma_semaphore, #tpu.memory_space<semaphore_mem>>) src(%dma_wait3A_410 : memref<10000x64xf32, #tpu.memory_space<hbm>>) dst(%dma_wait3A_405 : memref<80x64xf32, #tpu.memory_space<vmem>>)
      %dma_wait3A_411 = arith.constant 1 : i32
      %dma_wait3A_412 = arith.constant 1 : i32
      %dma_wait3A_413 = arith.constant 0 : i32
      %dma_wait3A_414 = tpu.memref_slice %arg8[%rem3A_364, %dma_wait3A_412, %dma_wait3A_413] : memref<3x5x80xi32, #tpu.memory_space<vmem>> -> memref<1x1x80xi32, #tpu.memory_space<vmem>>
      %dma_wait3A_415 = tpu.memref_squeeze %dma_wait3A_414 : memref<1x1x80xi32, #tpu.memory_space<vmem>> -> memref<80xi32, #tpu.memory_space<vmem>>
      %dma_wait3A_416 = tpu.memref_slice %arg3[%dma_wait3A_411, %mul3A_2] : memref<2x320000xi32, #tpu.memory_space<hbm>> -> memref<1x80xi32, #tpu.memory_space<hbm>>
      %dma_wait3A_417 = tpu.memref_squeeze %dma_wait3A_416 : memref<1x80xi32, #tpu.memory_space<hbm>> -> memref<80xi32, #tpu.memory_space<hbm>>
      %dma_wait3A_418 = arith.constant 0 : i32
      %dma_wait3A_419 = tpu.memref_slice %arg8[%rem3A_364, %dma_wait3A_412, %dma_wait3A_418] : memref<3x5x80xi32, #tpu.memory_space<vmem>> -> memref<1x1x80xi32, #tpu.memory_space<vmem>>
      %dma_wait3A_420 = tpu.memref_squeeze %dma_wait3A_419 : memref<1x1x80xi32, #tpu.memory_space<vmem>> -> memref<80xi32, #tpu.memory_space<vmem>>
      %dma_wait3A_421 = tpu.memref_slice %arg3[%dma_wait3A_411, %mul3A_2] : memref<2x320000xi32, #tpu.memory_space<hbm>> -> memref<1x80xi32, #tpu.memory_space<hbm>>
      %dma_wait3A_422 = tpu.memref_squeeze %dma_wait3A_421 : memref<1x80xi32, #tpu.memory_space<hbm>> -> memref<80xi32, #tpu.memory_space<hbm>>
      tpu.wait_dma2 semaphore(%arg13 : memref<!tpu.dma_semaphore, #tpu.memory_space<semaphore_mem>>) src(%dma_wait3A_422 : memref<80xi32, #tpu.memory_space<hbm>>) dst(%dma_wait3A_420 : memref<80xi32, #tpu.memory_space<vmem>>)
      %dma_wait3A_423 = arith.constant 2 : i32
      %dma_wait3A_424 = arith.constant 0 : i32
      %dma_wait3A_425 = arith.constant 0 : i32
      %dma_wait3A_426 = tpu.memref_slice %arg9[%rem3A_364, %dma_wait3A_423, %dma_wait3A_424, %dma_wait3A_425] : memref<3x5x80x64xf32, #tpu.memory_space<vmem>> -> memref<1x1x80x64xf32, #tpu.memory_space<vmem>>
      %dma_wait3A_427 = tpu.memref_squeeze %dma_wait3A_426 : memref<1x1x80x64xf32, #tpu.memory_space<vmem>> -> memref<80x64xf32, #tpu.memory_space<vmem>>
      %dma_wait3A_428 = arith.constant 160 : i32
      %dma_wait3A_429 = tpu.memref_slice %arg7[%dma_wait3A_428] : memref<10000xi32, #tpu.memory_space<vmem>> -> memref<80xi32, #tpu.memory_space<vmem>>
      %dma_wait3A_430 = arith.constant 0 : i32
      %dma_wait3A_431 = arith.constant 0 : i32
      %dma_wait3A_432 = tpu.memref_slice %arg2[%dma_wait3A_430, %dma_wait3A_431] : memref<10000x64xf32, #tpu.memory_space<hbm>> -> memref<10000x64xf32, #tpu.memory_space<hbm>>
      tpu.wait_indirect_dma semaphore(%arg11 : memref<!tpu.dma_semaphore, #tpu.memory_space<semaphore_mem>>) src(%dma_wait3A_432 : memref<10000x64xf32, #tpu.memory_space<hbm>>) dst(%dma_wait3A_427 : memref<80x64xf32, #tpu.memory_space<vmem>>)
      %dma_wait3A_433 = arith.constant 1 : i32
      %dma_wait3A_434 = arith.constant 2 : i32
      %dma_wait3A_435 = arith.constant 0 : i32
      %dma_wait3A_436 = tpu.memref_slice %arg8[%rem3A_364, %dma_wait3A_434, %dma_wait3A_435] : memref<3x5x80xi32, #tpu.memory_space<vmem>> -> memref<1x1x80xi32, #tpu.memory_space<vmem>>
      %dma_wait3A_437 = tpu.memref_squeeze %dma_wait3A_436 : memref<1x1x80xi32, #tpu.memory_space<vmem>> -> memref<80xi32, #tpu.memory_space<vmem>>
      %dma_wait3A_438 = tpu.memref_slice %arg3[%dma_wait3A_433, %mul3A_2] : memref<2x320000xi32, #tpu.memory_space<hbm>> -> memref<1x80xi32, #tpu.memory_space<hbm>>
      %dma_wait3A_439 = tpu.memref_squeeze %dma_wait3A_438 : memref<1x80xi32, #tpu.memory_space<hbm>> -> memref<80xi32, #tpu.memory_space<hbm>>
      %dma_wait3A_440 = arith.constant 0 : i32
      %dma_wait3A_441 = tpu.memref_slice %arg8[%rem3A_364, %dma_wait3A_434, %dma_wait3A_440] : memref<3x5x80xi32, #tpu.memory_space<vmem>> -> memref<1x1x80xi32, #tpu.memory_space<vmem>>
      %dma_wait3A_442 = tpu.memref_squeeze %dma_wait3A_441 : memref<1x1x80xi32, #tpu.memory_space<vmem>> -> memref<80xi32, #tpu.memory_space<vmem>>
      %dma_wait3A_443 = tpu.memref_slice %arg3[%dma_wait3A_433, %mul3A_2] : memref<2x320000xi32, #tpu.memory_space<hbm>> -> memref<1x80xi32, #tpu.memory_space<hbm>>
      %dma_wait3A_444 = tpu.memref_squeeze %dma_wait3A_443 : memref<1x80xi32, #tpu.memory_space<hbm>> -> memref<80xi32, #tpu.memory_space<hbm>>
      tpu.wait_dma2 semaphore(%arg13 : memref<!tpu.dma_semaphore, #tpu.memory_space<semaphore_mem>>) src(%dma_wait3A_444 : memref<80xi32, #tpu.memory_space<hbm>>) dst(%dma_wait3A_442 : memref<80xi32, #tpu.memory_space<vmem>>)
      %dma_wait3A_445 = arith.constant 3 : i32
      %dma_wait3A_446 = arith.constant 0 : i32
      %dma_wait3A_447 = arith.constant 0 : i32
      %dma_wait3A_448 = tpu.memref_slice %arg9[%rem3A_364, %dma_wait3A_445, %dma_wait3A_446, %dma_wait3A_447] : memref<3x5x80x64xf32, #tpu.memory_space<vmem>> -> memref<1x1x80x64xf32, #tpu.memory_space<vmem>>
      %dma_wait3A_449 = tpu.memref_squeeze %dma_wait3A_448 : memref<1x1x80x64xf32, #tpu.memory_space<vmem>> -> memref<80x64xf32, #tpu.memory_space<vmem>>
      %dma_wait3A_450 = arith.constant 240 : i32
      %dma_wait3A_451 = tpu.memref_slice %arg7[%dma_wait3A_450] : memref<10000xi32, #tpu.memory_space<vmem>> -> memref<80xi32, #tpu.memory_space<vmem>>
      %dma_wait3A_452 = arith.constant 0 : i32
      %dma_wait3A_453 = arith.constant 0 : i32
      %dma_wait3A_454 = tpu.memref_slice %arg2[%dma_wait3A_452, %dma_wait3A_453] : memref<10000x64xf32, #tpu.memory_space<hbm>> -> memref<10000x64xf32, #tpu.memory_space<hbm>>
      tpu.wait_indirect_dma semaphore(%arg11 : memref<!tpu.dma_semaphore, #tpu.memory_space<semaphore_mem>>) src(%dma_wait3A_454 : memref<10000x64xf32, #tpu.memory_space<hbm>>) dst(%dma_wait3A_449 : memref<80x64xf32, #tpu.memory_space<vmem>>)
      %dma_wait3A_455 = arith.constant 1 : i32
      %dma_wait3A_456 = arith.constant 3 : i32
      %dma_wait3A_457 = arith.constant 0 : i32
      %dma_wait3A_458 = tpu.memref_slice %arg8[%rem3A_364, %dma_wait3A_456, %dma_wait3A_457] : memref<3x5x80xi32, #tpu.memory_space<vmem>> -> memref<1x1x80xi32, #tpu.memory_space<vmem>>
      %dma_wait3A_459 = tpu.memref_squeeze %dma_wait3A_458 : memref<1x1x80xi32, #tpu.memory_space<vmem>> -> memref<80xi32, #tpu.memory_space<vmem>>
      %dma_wait3A_460 = tpu.memref_slice %arg3[%dma_wait3A_455, %mul3A_2] : memref<2x320000xi32, #tpu.memory_space<hbm>> -> memref<1x80xi32, #tpu.memory_space<hbm>>
      %dma_wait3A_461 = tpu.memref_squeeze %dma_wait3A_460 : memref<1x80xi32, #tpu.memory_space<hbm>> -> memref<80xi32, #tpu.memory_space<hbm>>
      %dma_wait3A_462 = arith.constant 0 : i32
      %dma_wait3A_463 = tpu.memref_slice %arg8[%rem3A_364, %dma_wait3A_456, %dma_wait3A_462] : memref<3x5x80xi32, #tpu.memory_space<vmem>> -> memref<1x1x80xi32, #tpu.memory_space<vmem>>
      %dma_wait3A_464 = tpu.memref_squeeze %dma_wait3A_463 : memref<1x1x80xi32, #tpu.memory_space<vmem>> -> memref<80xi32, #tpu.memory_space<vmem>>
      %dma_wait3A_465 = tpu.memref_slice %arg3[%dma_wait3A_455, %mul3A_2] : memref<2x320000xi32, #tpu.memory_space<hbm>> -> memref<1x80xi32, #tpu.memory_space<hbm>>
      %dma_wait3A_466 = tpu.memref_squeeze %dma_wait3A_465 : memref<1x80xi32, #tpu.memory_space<hbm>> -> memref<80xi32, #tpu.memory_space<hbm>>
      tpu.wait_dma2 semaphore(%arg13 : memref<!tpu.dma_semaphore, #tpu.memory_space<semaphore_mem>>) src(%dma_wait3A_466 : memref<80xi32, #tpu.memory_space<hbm>>) dst(%dma_wait3A_464 : memref<80xi32, #tpu.memory_space<vmem>>)
      %dma_wait3A_467 = arith.constant 4 : i32
      %dma_wait3A_468 = arith.constant 0 : i32
      %dma_wait3A_469 = arith.constant 0 : i32
      %dma_wait3A_470 = tpu.memref_slice %arg9[%rem3A_364, %dma_wait3A_467, %dma_wait3A_468, %dma_wait3A_469] : memref<3x5x80x64xf32, #tpu.memory_space<vmem>> -> memref<1x1x80x64xf32, #tpu.memory_space<vmem>>
      %dma_wait3A_471 = tpu.memref_squeeze %dma_wait3A_470 : memref<1x1x80x64xf32, #tpu.memory_space<vmem>> -> memref<80x64xf32, #tpu.memory_space<vmem>>
      %dma_wait3A_472 = arith.constant 320 : i32
      %dma_wait3A_473 = tpu.memref_slice %arg7[%dma_wait3A_472] : memref<10000xi32, #tpu.memory_space<vmem>> -> memref<80xi32, #tpu.memory_space<vmem>>
      %dma_wait3A_474 = arith.constant 0 : i32
      %dma_wait3A_475 = arith.constant 0 : i32
      %dma_wait3A_476 = tpu.memref_slice %arg2[%dma_wait3A_474, %dma_wait3A_475] : memref<10000x64xf32, #tpu.memory_space<hbm>> -> memref<10000x64xf32, #tpu.memory_space<hbm>>
      tpu.wait_indirect_dma semaphore(%arg11 : memref<!tpu.dma_semaphore, #tpu.memory_space<semaphore_mem>>) src(%dma_wait3A_476 : memref<10000x64xf32, #tpu.memory_space<hbm>>) dst(%dma_wait3A_471 : memref<80x64xf32, #tpu.memory_space<vmem>>)
      %dma_wait3A_477 = arith.constant 1 : i32
      %dma_wait3A_478 = arith.constant 4 : i32
      %dma_wait3A_479 = arith.constant 0 : i32
      %dma_wait3A_480 = tpu.memref_slice %arg8[%rem3A_364, %dma_wait3A_478, %dma_wait3A_479] : memref<3x5x80xi32, #tpu.memory_space<vmem>> -> memref<1x1x80xi32, #tpu.memory_space<vmem>>
      %dma_wait3A_481 = tpu.memref_squeeze %dma_wait3A_480 : memref<1x1x80xi32, #tpu.memory_space<vmem>> -> memref<80xi32, #tpu.memory_space<vmem>>
      %dma_wait3A_482 = tpu.memref_slice %arg3[%dma_wait3A_477, %mul3A_2] : memref<2x320000xi32, #tpu.memory_space<hbm>> -> memref<1x80xi32, #tpu.memory_space<hbm>>
      %dma_wait3A_483 = tpu.memref_squeeze %dma_wait3A_482 : memref<1x80xi32, #tpu.memory_space<hbm>> -> memref<80xi32, #tpu.memory_space<hbm>>
      %dma_wait3A_484 = arith.constant 0 : i32
      %dma_wait3A_485 = tpu.memref_slice %arg8[%rem3A_364, %dma_wait3A_478, %dma_wait3A_484] : memref<3x5x80xi32, #tpu.memory_space<vmem>> -> memref<1x1x80xi32, #tpu.memory_space<vmem>>
      %dma_wait3A_486 = tpu.memref_squeeze %dma_wait3A_485 : memref<1x1x80xi32, #tpu.memory_space<vmem>> -> memref<80xi32, #tpu.memory_space<vmem>>
      %dma_wait3A_487 = tpu.memref_slice %arg3[%dma_wait3A_477, %mul3A_2] : memref<2x320000xi32, #tpu.memory_space<hbm>> -> memref<1x80xi32, #tpu.memory_space<hbm>>
      %dma_wait3A_488 = tpu.memref_squeeze %dma_wait3A_487 : memref<1x80xi32, #tpu.memory_space<hbm>> -> memref<80xi32, #tpu.memory_space<hbm>>
      tpu.wait_dma2 semaphore(%arg13 : memref<!tpu.dma_semaphore, #tpu.memory_space<semaphore_mem>>) src(%dma_wait3A_488 : memref<80xi32, #tpu.memory_space<hbm>>) dst(%dma_wait3A_486 : memref<80xi32, #tpu.memory_space<vmem>>)
      %dma_start3A_489 = arith.constant 0 : i32
      %dma_start3A_490 = arith.constant 0 : i32
      %dma_start3A_491 = arith.constant 0 : i32
      %dma_start3A_492 = arith.constant 0 : i32
      %dma_start3A_493 = tpu.memref_slice %arg9[%rem3A_364, %dma_start3A_489, %dma_start3A_491, %dma_start3A_492] : memref<3x5x80x64xf32, #tpu.memory_space<vmem>> -> memref<1x1x80x64xf32, #tpu.memory_space<vmem>>
      %dma_start3A_494 = tpu.memref_squeeze %dma_start3A_493 : memref<1x1x80x64xf32, #tpu.memory_space<vmem>> -> memref<80x64xf32, #tpu.memory_space<vmem>>
      %dma_start3A_495 = arith.constant 0 : i32
      %dma_start3A_496 = tpu.memref_slice %arg8[%rem3A_364, %dma_start3A_490, %dma_start3A_495] : memref<3x5x80xi32, #tpu.memory_space<vmem>> -> memref<1x1x80xi32, #tpu.memory_space<vmem>>
      %dma_start3A_497 = tpu.memref_squeeze %dma_start3A_496 : memref<1x1x80xi32, #tpu.memory_space<vmem>> -> memref<80xi32, #tpu.memory_space<vmem>>
      %dma_start3A_498 = arith.constant 0 : i32
      %dma_start3A_499 = arith.constant 0 : i32
      %dma_start3A_500 = tpu.memref_slice %arg6[%dma_start3A_498, %dma_start3A_499] : memref<10240x64xf32, #tpu.memory_space<vmem_shared>> -> memref<10240x64xf32, #tpu.memory_space<vmem_shared>>
      tpu.enqueue_indirect_dma source(%dma_start3A_494 : memref<80x64xf32, #tpu.memory_space<vmem>>) target(%dma_start3A_500 : memref<10240x64xf32, #tpu.memory_space<vmem_shared>>) offsets(%dma_start3A_497 : memref<80xi32, #tpu.memory_space<vmem>>) semaphore(%arg12 : memref<!tpu.dma_semaphore, #tpu.memory_space<semaphore_mem>>) {add = true}
      %dma_start3A_501 = arith.constant 1 : i32
      %dma_start3A_502 = arith.constant 1 : i32
      %dma_start3A_503 = arith.constant 0 : i32
      %dma_start3A_504 = arith.constant 0 : i32
      %dma_start3A_505 = tpu.memref_slice %arg9[%rem3A_364, %dma_start3A_501, %dma_start3A_503, %dma_start3A_504] : memref<3x5x80x64xf32, #tpu.memory_space<vmem>> -> memref<1x1x80x64xf32, #tpu.memory_space<vmem>>
      %dma_start3A_506 = tpu.memref_squeeze %dma_start3A_505 : memref<1x1x80x64xf32, #tpu.memory_space<vmem>> -> memref<80x64xf32, #tpu.memory_space<vmem>>
      %dma_start3A_507 = arith.constant 0 : i32
      %dma_start3A_508 = tpu.memref_slice %arg8[%rem3A_364, %dma_start3A_502, %dma_start3A_507] : memref<3x5x80xi32, #tpu.memory_space<vmem>> -> memref<1x1x80xi32, #tpu.memory_space<vmem>>
      %dma_start3A_509 = tpu.memref_squeeze %dma_start3A_508 : memref<1x1x80xi32, #tpu.memory_space<vmem>> -> memref<80xi32, #tpu.memory_space<vmem>>
      %dma_start3A_510 = arith.constant 0 : i32
      %dma_start3A_511 = arith.constant 0 : i32
      %dma_start3A_512 = tpu.memref_slice %arg6[%dma_start3A_510, %dma_start3A_511] : memref<10240x64xf32, #tpu.memory_space<vmem_shared>> -> memref<10240x64xf32, #tpu.memory_space<vmem_shared>>
      tpu.enqueue_indirect_dma source(%dma_start3A_506 : memref<80x64xf32, #tpu.memory_space<vmem>>) target(%dma_start3A_512 : memref<10240x64xf32, #tpu.memory_space<vmem_shared>>) offsets(%dma_start3A_509 : memref<80xi32, #tpu.memory_space<vmem>>) semaphore(%arg12 : memref<!tpu.dma_semaphore, #tpu.memory_space<semaphore_mem>>) {add = true}
      %dma_start3A_513 = arith.constant 2 : i32
      %dma_start3A_514 = arith.constant 2 : i32
      %dma_start3A_515 = arith.constant 0 : i32
      %dma_start3A_516 = arith.constant 0 : i32
      %dma_start3A_517 = tpu.memref_slice %arg9[%rem3A_364, %dma_start3A_513, %dma_start3A_515, %dma_start3A_516] : memref<3x5x80x64xf32, #tpu.memory_space<vmem>> -> memref<1x1x80x64xf32, #tpu.memory_space<vmem>>
      %dma_start3A_518 = tpu.memref_squeeze %dma_start3A_517 : memref<1x1x80x64xf32, #tpu.memory_space<vmem>> -> memref<80x64xf32, #tpu.memory_space<vmem>>
      %dma_start3A_519 = arith.constant 0 : i32
      %dma_start3A_520 = tpu.memref_slice %arg8[%rem3A_364, %dma_start3A_514, %dma_start3A_519] : memref<3x5x80xi32, #tpu.memory_space<vmem>> -> memref<1x1x80xi32, #tpu.memory_space<vmem>>
      %dma_start3A_521 = tpu.memref_squeeze %dma_start3A_520 : memref<1x1x80xi32, #tpu.memory_space<vmem>> -> memref<80xi32, #tpu.memory_space<vmem>>
      %dma_start3A_522 = arith.constant 0 : i32
      %dma_start3A_523 = arith.constant 0 : i32
      %dma_start3A_524 = tpu.memref_slice %arg6[%dma_start3A_522, %dma_start3A_523] : memref<10240x64xf32, #tpu.memory_space<vmem_shared>> -> memref<10240x64xf32, #tpu.memory_space<vmem_shared>>
      tpu.enqueue_indirect_dma source(%dma_start3A_518 : memref<80x64xf32, #tpu.memory_space<vmem>>) target(%dma_start3A_524 : memref<10240x64xf32, #tpu.memory_space<vmem_shared>>) offsets(%dma_start3A_521 : memref<80xi32, #tpu.memory_space<vmem>>) semaphore(%arg12 : memref<!tpu.dma_semaphore, #tpu.memory_space<semaphore_mem>>) {add = true}
      %dma_start3A_525 = arith.constant 3 : i32
      %dma_start3A_526 = arith.constant 3 : i32
      %dma_start3A_527 = arith.constant 0 : i32
      %dma_start3A_528 = arith.constant 0 : i32
      %dma_start3A_529 = tpu.memref_slice %arg9[%rem3A_364, %dma_start3A_525, %dma_start3A_527, %dma_start3A_528] : memref<3x5x80x64xf32, #tpu.memory_space<vmem>> -> memref<1x1x80x64xf32, #tpu.memory_space<vmem>>
      %dma_start3A_530 = tpu.memref_squeeze %dma_start3A_529 : memref<1x1x80x64xf32, #tpu.memory_space<vmem>> -> memref<80x64xf32, #tpu.memory_space<vmem>>
      %dma_start3A_531 = arith.constant 0 : i32
      %dma_start3A_532 = tpu.memref_slice %arg8[%rem3A_364, %dma_start3A_526, %dma_start3A_531] : memref<3x5x80xi32, #tpu.memory_space<vmem>> -> memref<1x1x80xi32, #tpu.memory_space<vmem>>
      %dma_start3A_533 = tpu.memref_squeeze %dma_start3A_532 : memref<1x1x80xi32, #tpu.memory_space<vmem>> -> memref<80xi32, #tpu.memory_space<vmem>>
      %dma_start3A_534 = arith.constant 0 : i32
      %dma_start3A_535 = arith.constant 0 : i32
      %dma_start3A_536 = tpu.memref_slice %arg6[%dma_start3A_534, %dma_start3A_535] : memref<10240x64xf32, #tpu.memory_space<vmem_shared>> -> memref<10240x64xf32, #tpu.memory_space<vmem_shared>>
      tpu.enqueue_indirect_dma source(%dma_start3A_530 : memref<80x64xf32, #tpu.memory_space<vmem>>) target(%dma_start3A_536 : memref<10240x64xf32, #tpu.memory_space<vmem_shared>>) offsets(%dma_start3A_533 : memref<80xi32, #tpu.memory_space<vmem>>) semaphore(%arg12 : memref<!tpu.dma_semaphore, #tpu.memory_space<semaphore_mem>>) {add = true}
      %dma_start3A_537 = arith.constant 4 : i32
      %dma_start3A_538 = arith.constant 4 : i32
      %dma_start3A_539 = arith.constant 0 : i32
      %dma_start3A_540 = arith.constant 0 : i32
      %dma_start3A_541 = tpu.memref_slice %arg9[%rem3A_364, %dma_start3A_537, %dma_start3A_539, %dma_start3A_540] : memref<3x5x80x64xf32, #tpu.memory_space<vmem>> -> memref<1x1x80x64xf32, #tpu.memory_space<vmem>>
      %dma_start3A_542 = tpu.memref_squeeze %dma_start3A_541 : memref<1x1x80x64xf32, #tpu.memory_space<vmem>> -> memref<80x64xf32, #tpu.memory_space<vmem>>
      %dma_start3A_543 = arith.constant 0 : i32
      %dma_start3A_544 = tpu.memref_slice %arg8[%rem3A_364, %dma_start3A_538, %dma_start3A_543] : memref<3x5x80xi32, #tpu.memory_space<vmem>> -> memref<1x1x80xi32, #tpu.memory_space<vmem>>
      %dma_start3A_545 = tpu.memref_squeeze %dma_start3A_544 : memref<1x1x80xi32, #tpu.memory_space<vmem>> -> memref<80xi32, #tpu.memory_space<vmem>>
      %dma_start3A_546 = arith.constant 0 : i32
      %dma_start3A_547 = arith.constant 0 : i32
      %dma_start3A_548 = tpu.memref_slice %arg6[%dma_start3A_546, %dma_start3A_547] : memref<10240x64xf32, #tpu.memory_space<vmem_shared>> -> memref<10240x64xf32, #tpu.memory_space<vmem_shared>>
      tpu.enqueue_indirect_dma source(%dma_start3A_542 : memref<80x64xf32, #tpu.memory_space<vmem>>) target(%dma_start3A_548 : memref<10240x64xf32, #tpu.memory_space<vmem_shared>>) offsets(%dma_start3A_545 : memref<80xi32, #tpu.memory_space<vmem>>) semaphore(%arg12 : memref<!tpu.dma_semaphore, #tpu.memory_space<semaphore_mem>>) {add = true}
    }
    %scan3A_285 = arith.constant 25 : i32
    %dma_wait3A = arith.constant 0 : i32
    %dma_wait3A_286 = arith.constant 0 : i32
    %dma_wait3A_287 = arith.constant 0 : i32
    %dma_wait3A_288 = arith.constant 0 : i32
    %dma_wait3A_289 = arith.constant 0 : i32
    %dma_wait3A_290 = arith.constant 0 : i32
    %dma_wait3A_291 = tpu.memref_slice %arg9[%dma_wait3A, %dma_wait3A_286, %dma_wait3A_289, %dma_wait3A_290] : memref<3x5x80x64xf32, #tpu.memory_space<vmem>> -> memref<1x1x80x64xf32, #tpu.memory_space<vmem>>
    %dma_wait3A_292 = tpu.memref_squeeze %dma_wait3A_291 : memref<1x1x80x64xf32, #tpu.memory_space<vmem>> -> memref<80x64xf32, #tpu.memory_space<vmem>>
    %dma_wait3A_293 = arith.constant 0 : i32
    %dma_wait3A_294 = tpu.memref_slice %arg8[%dma_wait3A_287, %dma_wait3A_288, %dma_wait3A_293] : memref<3x5x80xi32, #tpu.memory_space<vmem>> -> memref<1x1x80xi32, #tpu.memory_space<vmem>>
    %dma_wait3A_295 = tpu.memref_squeeze %dma_wait3A_294 : memref<1x1x80xi32, #tpu.memory_space<vmem>> -> memref<80xi32, #tpu.memory_space<vmem>>
    %dma_wait3A_296 = arith.constant 0 : i32
    %dma_wait3A_297 = arith.constant 0 : i32
    %dma_wait3A_298 = tpu.memref_slice %arg6[%dma_wait3A_296, %dma_wait3A_297] : memref<10240x64xf32, #tpu.memory_space<vmem_shared>> -> memref<10240x64xf32, #tpu.memory_space<vmem_shared>>
    tpu.wait_indirect_dma semaphore(%arg12 : memref<!tpu.dma_semaphore, #tpu.memory_space<semaphore_mem>>) src(%dma_wait3A_292 : memref<80x64xf32, #tpu.memory_space<vmem>>) dst(%dma_wait3A_298 : memref<10240x64xf32, #tpu.memory_space<vmem_shared>>)
    %dma_wait3A_299 = arith.constant 0 : i32
    %dma_wait3A_300 = arith.constant 1 : i32
    %dma_wait3A_301 = arith.constant 0 : i32
    %dma_wait3A_302 = arith.constant 1 : i32
    %dma_wait3A_303 = arith.constant 0 : i32
    %dma_wait3A_304 = arith.constant 0 : i32
    %dma_wait3A_305 = tpu.memref_slice %arg9[%dma_wait3A_299, %dma_wait3A_300, %dma_wait3A_303, %dma_wait3A_304] : memref<3x5x80x64xf32, #tpu.memory_space<vmem>> -> memref<1x1x80x64xf32, #tpu.memory_space<vmem>>
    %dma_wait3A_306 = tpu.memref_squeeze %dma_wait3A_305 : memref<1x1x80x64xf32, #tpu.memory_space<vmem>> -> memref<80x64xf32, #tpu.memory_space<vmem>>
    %dma_wait3A_307 = arith.constant 0 : i32
    %dma_wait3A_308 = tpu.memref_slice %arg8[%dma_wait3A_301, %dma_wait3A_302, %dma_wait3A_307] : memref<3x5x80xi32, #tpu.memory_space<vmem>> -> memref<1x1x80xi32, #tpu.memory_space<vmem>>
    %dma_wait3A_309 = tpu.memref_squeeze %dma_wait3A_308 : memref<1x1x80xi32, #tpu.memory_space<vmem>> -> memref<80xi32, #tpu.memory_space<vmem>>
    %dma_wait3A_310 = arith.constant 0 : i32
    %dma_wait3A_311 = arith.constant 0 : i32
    %dma_wait3A_312 = tpu.memref_slice %arg6[%dma_wait3A_310, %dma_wait3A_311] : memref<10240x64xf32, #tpu.memory_space<vmem_shared>> -> memref<10240x64xf32, #tpu.memory_space<vmem_shared>>
    tpu.wait_indirect_dma semaphore(%arg12 : memref<!tpu.dma_semaphore, #tpu.memory_space<semaphore_mem>>) src(%dma_wait3A_306 : memref<80x64xf32, #tpu.memory_space<vmem>>) dst(%dma_wait3A_312 : memref<10240x64xf32, #tpu.memory_space<vmem_shared>>)
    %dma_wait3A_313 = arith.constant 0 : i32
    %dma_wait3A_314 = arith.constant 2 : i32
    %dma_wait3A_315 = arith.constant 0 : i32
    %dma_wait3A_316 = arith.constant 2 : i32
    %dma_wait3A_317 = arith.constant 0 : i32
    %dma_wait3A_318 = arith.constant 0 : i32
    %dma_wait3A_319 = tpu.memref_slice %arg9[%dma_wait3A_313, %dma_wait3A_314, %dma_wait3A_317, %dma_wait3A_318] : memref<3x5x80x64xf32, #tpu.memory_space<vmem>> -> memref<1x1x80x64xf32, #tpu.memory_space<vmem>>
    %dma_wait3A_320 = tpu.memref_squeeze %dma_wait3A_319 : memref<1x1x80x64xf32, #tpu.memory_space<vmem>> -> memref<80x64xf32, #tpu.memory_space<vmem>>
    %dma_wait3A_321 = arith.constant 0 : i32
    %dma_wait3A_322 = tpu.memref_slice %arg8[%dma_wait3A_315, %dma_wait3A_316, %dma_wait3A_321] : memref<3x5x80xi32, #tpu.memory_space<vmem>> -> memref<1x1x80xi32, #tpu.memory_space<vmem>>
    %dma_wait3A_323 = tpu.memref_squeeze %dma_wait3A_322 : memref<1x1x80xi32, #tpu.memory_space<vmem>> -> memref<80xi32, #tpu.memory_space<vmem>>
    %dma_wait3A_324 = arith.constant 0 : i32
    %dma_wait3A_325 = arith.constant 0 : i32
    %dma_wait3A_326 = tpu.memref_slice %arg6[%dma_wait3A_324, %dma_wait3A_325] : memref<10240x64xf32, #tpu.memory_space<vmem_shared>> -> memref<10240x64xf32, #tpu.memory_space<vmem_shared>>
    tpu.wait_indirect_dma semaphore(%arg12 : memref<!tpu.dma_semaphore, #tpu.memory_space<semaphore_mem>>) src(%dma_wait3A_320 : memref<80x64xf32, #tpu.memory_space<vmem>>) dst(%dma_wait3A_326 : memref<10240x64xf32, #tpu.memory_space<vmem_shared>>)
    %dma_wait3A_327 = arith.constant 0 : i32
    %dma_wait3A_328 = arith.constant 3 : i32
    %dma_wait3A_329 = arith.constant 0 : i32
    %dma_wait3A_330 = arith.constant 3 : i32
    %dma_wait3A_331 = arith.constant 0 : i32
    %dma_wait3A_332 = arith.constant 0 : i32
    %dma_wait3A_333 = tpu.memref_slice %arg9[%dma_wait3A_327, %dma_wait3A_328, %dma_wait3A_331, %dma_wait3A_332] : memref<3x5x80x64xf32, #tpu.memory_space<vmem>> -> memref<1x1x80x64xf32, #tpu.memory_space<vmem>>
    %dma_wait3A_334 = tpu.memref_squeeze %dma_wait3A_333 : memref<1x1x80x64xf32, #tpu.memory_space<vmem>> -> memref<80x64xf32, #tpu.memory_space<vmem>>
    %dma_wait3A_335 = arith.constant 0 : i32
    %dma_wait3A_336 = tpu.memref_slice %arg8[%dma_wait3A_329, %dma_wait3A_330, %dma_wait3A_335] : memref<3x5x80xi32, #tpu.memory_space<vmem>> -> memref<1x1x80xi32, #tpu.memory_space<vmem>>
    %dma_wait3A_337 = tpu.memref_squeeze %dma_wait3A_336 : memref<1x1x80xi32, #tpu.memory_space<vmem>> -> memref<80xi32, #tpu.memory_space<vmem>>
    %dma_wait3A_338 = arith.constant 0 : i32
    %dma_wait3A_339 = arith.constant 0 : i32
    %dma_wait3A_340 = tpu.memref_slice %arg6[%dma_wait3A_338, %dma_wait3A_339] : memref<10240x64xf32, #tpu.memory_space<vmem_shared>> -> memref<10240x64xf32, #tpu.memory_space<vmem_shared>>
    tpu.wait_indirect_dma semaphore(%arg12 : memref<!tpu.dma_semaphore, #tpu.memory_space<semaphore_mem>>) src(%dma_wait3A_334 : memref<80x64xf32, #tpu.memory_space<vmem>>) dst(%dma_wait3A_340 : memref<10240x64xf32, #tpu.memory_space<vmem_shared>>)
    %dma_wait3A_341 = arith.constant 0 : i32
    %dma_wait3A_342 = arith.constant 4 : i32
    %dma_wait3A_343 = arith.constant 0 : i32
    %dma_wait3A_344 = arith.constant 4 : i32
    %dma_wait3A_345 = arith.constant 0 : i32
    %dma_wait3A_346 = arith.constant 0 : i32
    %dma_wait3A_347 = tpu.memref_slice %arg9[%dma_wait3A_341, %dma_wait3A_342, %dma_wait3A_345, %dma_wait3A_346] : memref<3x5x80x64xf32, #tpu.memory_space<vmem>> -> memref<1x1x80x64xf32, #tpu.memory_space<vmem>>
    %dma_wait3A_348 = tpu.memref_squeeze %dma_wait3A_347 : memref<1x1x80x64xf32, #tpu.memory_space<vmem>> -> memref<80x64xf32, #tpu.memory_space<vmem>>
    %dma_wait3A_349 = arith.constant 0 : i32
    %dma_wait3A_350 = tpu.memref_slice %arg8[%dma_wait3A_343, %dma_wait3A_344, %dma_wait3A_349] : memref<3x5x80xi32, #tpu.memory_space<vmem>> -> memref<1x1x80xi32, #tpu.memory_space<vmem>>
    %dma_wait3A_351 = tpu.memref_squeeze %dma_wait3A_350 : memref<1x1x80xi32, #tpu.memory_space<vmem>> -> memref<80xi32, #tpu.memory_space<vmem>>
    %dma_wait3A_352 = arith.constant 0 : i32
    %dma_wait3A_353 = arith.constant 0 : i32
    %dma_wait3A_354 = tpu.memref_slice %arg6[%dma_wait3A_352, %dma_wait3A_353] : memref<10240x64xf32, #tpu.memory_space<vmem_shared>> -> memref<10240x64xf32, #tpu.memory_space<vmem_shared>>
    tpu.wait_indirect_dma semaphore(%arg12 : memref<!tpu.dma_semaphore, #tpu.memory_space<semaphore_mem>>) src(%dma_wait3A_348 : memref<80x64xf32, #tpu.memory_space<vmem>>) dst(%dma_wait3A_354 : memref<10240x64xf32, #tpu.memory_space<vmem_shared>>)
    %barrier3A_355 = arith.constant 0 : index
    tpu.barrier barrier_id(%barrier3A_355)
    %eq3A = arith.constant 0 : i32
    %eq3A_356 = arith.cmpi eq, %arg0, %eq3A : i32
    %convert_element_type3A = arith.extui %eq3A_356 : i1 to i32
    %cond3A = arith.constant 0 : i32
    %cond3A_357 = arith.cmpi ne, %convert_element_type3A, %cond3A : i32
    scf.if %cond3A_357 {
      %mul3A_363 = arith.constant 640 : i32
      %mul3A_364 = arith.muli %arg1, %mul3A_363 : i32
      %mul3A_365 = arith.constant 640 : i32
      %mul3A_366 = arith.muli %arg1, %mul3A_365 : i32
      "tpu.region"() ({
        %run_scoped3A_367 = tpu.sem_alloc : memref<!tpu.dma_semaphore, #tpu.memory_space<semaphore_mem>>
        %dma_start3A_368 = arith.constant 0 : i32
        %dma_start3A_369 = tpu.memref_slice %arg4[%mul3A_366, %dma_start3A_368] : memref<10240x64xf32, #tpu.memory_space<hbm>> -> memref<640x64xf32, #tpu.memory_space<hbm>>
        %dma_start3A_370 = arith.constant 0 : i32
        %dma_start3A_371 = tpu.memref_slice %arg6[%mul3A_364, %dma_start3A_370] : memref<10240x64xf32, #tpu.memory_space<vmem_shared>> -> memref<640x64xf32, #tpu.memory_space<vmem_shared>>
        tpu.enqueue_dma source(%dma_start3A_371 : memref<640x64xf32, #tpu.memory_space<vmem_shared>>) target(%dma_start3A_369 : memref<640x64xf32, #tpu.memory_space<hbm>>) target_semaphore(%run_scoped3A_367 : memref<!tpu.dma_semaphore, #tpu.memory_space<semaphore_mem>>)
        %dma_wait3A_372 = arith.constant 0 : i32
        %dma_wait3A_373 = tpu.memref_slice %arg4[%mul3A_366, %dma_wait3A_372] : memref<10240x64xf32, #tpu.memory_space<hbm>> -> memref<640x64xf32, #tpu.memory_space<hbm>>
        %dma_wait3A_374 = arith.constant 0 : i32
        %dma_wait3A_375 = tpu.memref_slice %arg6[%mul3A_364, %dma_wait3A_374] : memref<10240x64xf32, #tpu.memory_space<vmem_shared>> -> memref<640x64xf32, #tpu.memory_space<vmem_shared>>
        tpu.wait_dma2 semaphore(%run_scoped3A_367 : memref<!tpu.dma_semaphore, #tpu.memory_space<semaphore_mem>>) src(%dma_wait3A_375 : memref<640x64xf32, #tpu.memory_space<vmem_shared>>) dst(%dma_wait3A_373 : memref<640x64xf32, #tpu.memory_space<hbm>>)
        tpu.yield
      }) : () -> ()
    } else {
    }
    %eq3A_358 = arith.constant 1 : i32
    %eq3A_359 = arith.cmpi eq, %arg0, %eq3A_358 : i32
    %convert_element_type3A_360 = arith.extui %eq3A_359 : i1 to i32
    %cond3A_361 = arith.constant 0 : i32
    %cond3A_362 = arith.cmpi ne, %convert_element_type3A_360, %cond3A_361 : i32
    scf.if %cond3A_362 {
      %mul3A_363 = arith.constant 640 : i32
      %mul3A_364 = arith.muli %arg1, %mul3A_363 : i32
      %mul3A_365 = arith.constant 640 : i32
      %mul3A_366 = arith.muli %arg1, %mul3A_365 : i32
      "tpu.region"() ({
        %run_scoped3A_367 = tpu.sem_alloc : memref<!tpu.dma_semaphore, #tpu.memory_space<semaphore_mem>>
        %dma_start3A_368 = arith.constant 0 : i32
        %dma_start3A_369 = tpu.memref_slice %arg5[%mul3A_366, %dma_start3A_368] : memref<10240x64xf32, #tpu.memory_space<hbm>> -> memref<640x64xf32, #tpu.memory_space<hbm>>
        %dma_start3A_370 = arith.constant 0 : i32
        %dma_start3A_371 = tpu.memref_slice %arg6[%mul3A_364, %dma_start3A_370] : memref<10240x64xf32, #tpu.memory_space<vmem_shared>> -> memref<640x64xf32, #tpu.memory_space<vmem_shared>>
        tpu.enqueue_dma source(%dma_start3A_371 : memref<640x64xf32, #tpu.memory_space<vmem_shared>>) target(%dma_start3A_369 : memref<640x64xf32, #tpu.memory_space<hbm>>) target_semaphore(%run_scoped3A_367 : memref<!tpu.dma_semaphore, #tpu.memory_space<semaphore_mem>>)
        %dma_wait3A_372 = arith.constant 0 : i32
        %dma_wait3A_373 = tpu.memref_slice %arg5[%mul3A_366, %dma_wait3A_372] : memref<10240x64xf32, #tpu.memory_space<hbm>> -> memref<640x64xf32, #tpu.memory_space<hbm>>
        %dma_wait3A_374 = arith.constant 0 : i32
        %dma_wait3A_375 = tpu.memref_slice %arg6[%mul3A_364, %dma_wait3A_374] : memref<10240x64xf32, #tpu.memory_space<vmem_shared>> -> memref<640x64xf32, #tpu.memory_space<vmem_shared>>
        tpu.wait_dma2 semaphore(%run_scoped3A_367 : memref<!tpu.dma_semaphore, #tpu.memory_space<semaphore_mem>>) src(%dma_wait3A_375 : memref<640x64xf32, #tpu.memory_space<vmem_shared>>) dst(%dma_wait3A_373 : memref<640x64xf32, #tpu.memory_space<hbm>>)
        tpu.yield
      }) : () -> ()
    } else {
    }
    return
  }
}

#map = affine_map<(d0, d1) -> (0, 0)>
module attributes {stable_mosaic.version = 14 : i64} {
  func.func @_seg_sum_body(%arg0: i32, %arg1: i32, %arg2: memref<10000x64xf32, #tpu.memory_space<hbm>>, %arg3: memref<2x320000xi32, #tpu.memory_space<hbm>>, %arg4: memref<10240x64xf32, #tpu.memory_space<hbm>>, %arg5: memref<10240x64xf32, #tpu.memory_space<hbm>>, %arg6: memref<10240x64xf32, #tpu.memory_space<vmem_shared>>, %arg7: memref<10000xi32, #tpu.memory_space<vmem>>, %arg8: memref<3x5x80xi32, #tpu.memory_space<vmem>>, %arg9: memref<3x5x80x64xf32, #tpu.memory_space<vmem>>, %arg10: memref<32x64xf32, #tpu.memory_space<vmem>>, %arg11: memref<!tpu.dma_semaphore, #tpu.memory_space<semaphore_mem>>, %arg12: memref<!tpu.dma_semaphore, #tpu.memory_space<semaphore_mem>>, %arg13: memref<!tpu.dma_semaphore, #tpu.memory_space<semaphore_mem>>) attributes {dimension_semantics = [#tpu.dimension_semantics<core_parallel>, #tpu.dimension_semantics<subcore_parallel>], iteration_bounds = array<i64: 2, 16>, scalar_prefetch = 0 : i64, scratch_operands = 8 : i64, tpu.core_type = #tpu.core_type<sc_vector_subcore>, window_params = [{transform_indices = #map}, {transform_indices = #map}, {transform_indices = #map}, {transform_indices = #map}]} {
    %mul3A = arith.constant 16 : i32
    %mul3A_0 = arith.muli %arg0, %mul3A : i32
    %add3A = arith.addi %mul3A_0, %arg1 : i32
    %mul3A_1 = arith.constant 10000 : i32
    %mul3A_2 = arith.muli %add3A, %mul3A_1 : i32
    %run_scoped3A = arith.constant 0 : i32
    "tpu.region"() ({
      %run_scoped3A_363 = tpu.sem_alloc : memref<!tpu.dma_semaphore, #tpu.memory_space<semaphore_mem>>
      %dma_start3A_364 = tpu.memref_slice %arg3[%run_scoped3A, %mul3A_2] : memref<2x320000xi32, #tpu.memory_space<hbm>> -> memref<1x10000xi32, #tpu.memory_space<hbm>>
      %dma_start3A_365 = tpu.memref_squeeze %dma_start3A_364 : memref<1x10000xi32, #tpu.memory_space<hbm>> -> memref<10000xi32, #tpu.memory_space<hbm>>
      %dma_start3A_366 = tpu.memref_slice %arg3[%run_scoped3A, %mul3A_2] : memref<2x320000xi32, #tpu.memory_space<hbm>> -> memref<1x10000xi32, #tpu.memory_space<hbm>>
      %dma_start3A_367 = tpu.memref_squeeze %dma_start3A_366 : memref<1x10000xi32, #tpu.memory_space<hbm>> -> memref<10000xi32, #tpu.memory_space<hbm>>
      tpu.enqueue_dma source(%dma_start3A_367 : memref<10000xi32, #tpu.memory_space<hbm>>) target(%arg7 : memref<10000xi32, #tpu.memory_space<vmem>>) target_semaphore(%run_scoped3A_363 : memref<!tpu.dma_semaphore, #tpu.memory_space<semaphore_mem>>)
      %dma_wait3A_368 = tpu.memref_slice %arg3[%run_scoped3A, %mul3A_2] : memref<2x320000xi32, #tpu.memory_space<hbm>> -> memref<1x10000xi32, #tpu.memory_space<hbm>>
      %dma_wait3A_369 = tpu.memref_squeeze %dma_wait3A_368 : memref<1x10000xi32, #tpu.memory_space<hbm>> -> memref<10000xi32, #tpu.memory_space<hbm>>
      %dma_wait3A_370 = tpu.memref_slice %arg3[%run_scoped3A, %mul3A_2] : memref<2x320000xi32, #tpu.memory_space<hbm>> -> memref<1x10000xi32, #tpu.memory_space<hbm>>
      %dma_wait3A_371 = tpu.memref_squeeze %dma_wait3A_370 : memref<1x10000xi32, #tpu.memory_space<hbm>> -> memref<10000xi32, #tpu.memory_space<hbm>>
      tpu.wait_dma2 semaphore(%run_scoped3A_363 : memref<!tpu.dma_semaphore, #tpu.memory_space<semaphore_mem>>) src(%dma_wait3A_371 : memref<10000xi32, #tpu.memory_space<hbm>>) dst(%arg7 : memref<10000xi32, #tpu.memory_space<vmem>>)
      tpu.yield
    }) : () -> ()
    %broadcast_in_dim3A = arith.constant 0.000000e+00 : f32
    %broadcast_in_dim3A_3 = vector.broadcast %broadcast_in_dim3A : f32 to vector<16xf32>
    %scan3A = arith.constant 0 : i32
    %scan3A_4 = arith.constant 0 : i32
    %scan3A_5 = arith.constant 32 : i32
    %scan3A_6 = arith.addi %scan3A_4, %scan3A_5 : i32
    %scan3A_7 = arith.constant 1 : i32
    scf.for %scan3A_363 = %scan3A_4 to %scan3A_6 step %scan3A_7  : i32 {
      %swap3A = arith.index_cast %scan3A_363 : i32 to index
      %swap3A_364 = arith.constant 0 : index
      %swap3A_365 = tpu.vector_load %arg10[%swap3A, %swap3A_364] {strides = array<i32>} : memref<32x64xf32, #tpu.memory_space<vmem>>, vector<1x16xf32>,
      %swap3A_366 = vector.shape_cast %swap3A_365 : vector<1x16xf32> to vector<16xf32>
      %swap3A_367 = vector.shape_cast %broadcast_in_dim3A_3 : vector<16xf32> to vector<1x16xf32>
      tpu.vector_store %arg10[%swap3A, %swap3A_364], %swap3A_367 {strides = array<i32>} : memref<32x64xf32, #tpu.memory_space<vmem>>, vector<1x16xf32>,
      %swap3A_368 = arith.index_cast %scan3A_363 : i32 to index
      %swap3A_369 = arith.constant 16 : index
      %swap3A_370 = tpu.vector_load %arg10[%swap3A_368, %swap3A_369] {strides = array<i32>} : memref<32x64xf32, #tpu.memory_space<vmem>>, vector<1x16xf32>,
      %swap3A_371 = vector.shape_cast %swap3A_370 : vector<1x16xf32> to vector<16xf32>
      %swap3A_372 = vector.shape_cast %broadcast_in_dim3A_3 : vector<16xf32> to vector<1x16xf32>
      tpu.vector_store %arg10[%swap3A_368, %swap3A_369], %swap3A_372 {strides = array<i32>} : memref<32x64xf32, #tpu.memory_space<vmem>>, vector<1x16xf32>,
      %swap3A_373 = arith.index_cast %scan3A_363 : i32 to index
      %swap3A_374 = arith.constant 32 : index
      %swap3A_375 = tpu.vector_load %arg10[%swap3A_373, %swap3A_374] {strides = array<i32>} : memref<32x64xf32, #tpu.memory_space<vmem>>, vector<1x16xf32>,
      %swap3A_376 = vector.shape_cast %swap3A_375 : vector<1x16xf32> to vector<16xf32>
      %swap3A_377 = vector.shape_cast %broadcast_in_dim3A_3 : vector<16xf32> to vector<1x16xf32>
      tpu.vector_store %arg10[%swap3A_373, %swap3A_374], %swap3A_377 {strides = array<i32>} : memref<32x64xf32, #tpu.memory_space<vmem>>, vector<1x16xf32>,
      %swap3A_378 = arith.index_cast %scan3A_363 : i32 to index
      %swap3A_379 = arith.constant 48 : index
      %swap3A_380 = tpu.vector_load %arg10[%swap3A_378, %swap3A_379] {strides = array<i32>} : memref<32x64xf32, #tpu.memory_space<vmem>>, vector<1x16xf32>,
      %swap3A_381 = vector.shape_cast %swap3A_380 : vector<1x16xf32> to vector<16xf32>
      %swap3A_382 = vector.shape_cast %broadcast_in_dim3A_3 : vector<16xf32> to vector<1x16xf32>
      tpu.vector_store %arg10[%swap3A_378, %swap3A_379], %swap3A_382 {strides = array<i32>} : memref<32x64xf32, #tpu.memory_space<vmem>>, vector<1x16xf32>,
    }
    %scan3A_8 = arith.constant 32 : i32
    %scan3A_9 = arith.constant 0 : i32
    %scan3A_10 = arith.constant 0 : i32
    %scan3A_11 = arith.constant 20 : i32
    %scan3A_12 = arith.addi %scan3A_10, %scan3A_11 : i32
    %scan3A_13 = arith.constant 1 : i32
    scf.for %scan3A_363 = %scan3A_10 to %scan3A_12 step %scan3A_13  : i32 {
      %mul3A_364 = arith.constant 640 : i32
      %mul3A_365 = arith.muli %arg1, %mul3A_364 : i32
      %mul3A_366 = arith.constant 32 : i32
      %mul3A_367 = arith.muli %scan3A_363, %mul3A_366 : i32
      %add3A_368 = arith.addi %mul3A_365, %mul3A_367 : i32
      %dma_start3A_369 = arith.constant 0 : i32
      %dma_start3A_370 = tpu.memref_slice %arg6[%add3A_368, %dma_start3A_369] : memref<10240x64xf32, #tpu.memory_space<vmem_shared>> -> memref<32x64xf32, #tpu.memory_space<vmem_shared>>
      %dma_start3A_371 = arith.constant 0 : i32
      %dma_start3A_372 = tpu.memref_slice %arg6[%add3A_368, %dma_start3A_371] : memref<10240x64xf32, #tpu.memory_space<vmem_shared>> -> memref<32x64xf32, #tpu.memory_space<vmem_shared>>
      tpu.enqueue_dma source(%arg10 : memref<32x64xf32, #tpu.memory_space<vmem>>) target(%dma_start3A_372 : memref<32x64xf32, #tpu.memory_space<vmem_shared>>) target_semaphore(%arg12 : memref<!tpu.dma_semaphore, #tpu.memory_space<semaphore_mem>>)
    }
    %scan3A_14 = arith.constant 20 : i32
    %scan3A_15 = arith.constant 0 : i32
    %scan3A_16 = arith.constant 0 : i32
    %scan3A_17 = arith.constant 20 : i32
    %scan3A_18 = arith.addi %scan3A_16, %scan3A_17 : i32
    %scan3A_19 = arith.constant 1 : i32
    scf.for %scan3A_363 = %scan3A_16 to %scan3A_18 step %scan3A_19  : i32 {
      %mul3A_364 = arith.constant 640 : i32
      %mul3A_365 = arith.muli %arg1, %mul3A_364 : i32
      %dma_wait3A_366 = arith.constant 0 : i32
      %dma_wait3A_367 = tpu.memref_slice %arg6[%mul3A_365, %dma_wait3A_366] : memref<10240x64xf32, #tpu.memory_space<vmem_shared>> -> memref<32x64xf32, #tpu.memory_space<vmem_shared>>
      %dma_wait3A_368 = arith.constant 0 : i32
      %dma_wait3A_369 = tpu.memref_slice %arg6[%mul3A_365, %dma_wait3A_368] : memref<10240x64xf32, #tpu.memory_space<vmem_shared>> -> memref<32x64xf32, #tpu.memory_space<vmem_shared>>
      tpu.wait_dma2 semaphore(%arg12 : memref<!tpu.dma_semaphore, #tpu.memory_space<semaphore_mem>>) src(%arg10 : memref<32x64xf32, #tpu.memory_space<vmem>>) dst(%dma_wait3A_369 : memref<32x64xf32, #tpu.memory_space<vmem_shared>>)
    }
    %scan3A_20 = arith.constant 20 : i32
    %barrier3A = arith.constant 0 : index
    tpu.barrier barrier_id(%barrier3A)
    %dma_start3A = arith.constant 0 : i32
    %dma_start3A_21 = arith.constant 0 : i32
    %dma_start3A_22 = arith.constant 0 : i32
    %dma_start3A_23 = arith.constant 0 : i32
    %dma_start3A_24 = tpu.memref_slice %arg9[%dma_start3A, %dma_start3A_21, %dma_start3A_22, %dma_start3A_23] : memref<3x5x80x64xf32, #tpu.memory_space<vmem>> -> memref<1x1x80x64xf32, #tpu.memory_space<vmem>>
    %dma_start3A_25 = tpu.memref_squeeze %dma_start3A_24 : memref<1x1x80x64xf32, #tpu.memory_space<vmem>> -> memref<80x64xf32, #tpu.memory_space<vmem>>
    %dma_start3A_26 = arith.constant 0 : i32
    %dma_start3A_27 = tpu.memref_slice %arg7[%dma_start3A_26] : memref<10000xi32, #tpu.memory_space<vmem>> -> memref<80xi32, #tpu.memory_space<vmem>>
    %dma_start3A_28 = arith.constant 0 : i32
    %dma_start3A_29 = arith.constant 0 : i32
    %dma_start3A_30 = tpu.memref_slice %arg2[%dma_start3A_28, %dma_start3A_29] : memref<10000x64xf32, #tpu.memory_space<hbm>> -> memref<10000x64xf32, #tpu.memory_space<hbm>>
    tpu.enqueue_indirect_dma source(%dma_start3A_30 : memref<10000x64xf32, #tpu.memory_space<hbm>>) target(%dma_start3A_25 : memref<80x64xf32, #tpu.memory_space<vmem>>) offsets(%dma_start3A_27 : memref<80xi32, #tpu.memory_space<vmem>>) semaphore(%arg11 : memref<!tpu.dma_semaphore, #tpu.memory_space<semaphore_mem>>)
    %add3A_31 = arith.constant 0 : i32
    %add3A_32 = arith.addi %mul3A_2, %add3A_31 : i32
    %dma_start3A_33 = arith.constant 1 : i32
    %dma_start3A_34 = arith.constant 0 : i32
    %dma_start3A_35 = arith.constant 0 : i32
    %dma_start3A_36 = arith.constant 0 : i32
    %dma_start3A_37 = tpu.memref_slice %arg8[%dma_start3A_34, %dma_start3A_35, %dma_start3A_36] : memref<3x5x80xi32, #tpu.memory_space<vmem>> -> memref<1x1x80xi32, #tpu.memory_space<vmem>>
    %dma_start3A_38 = tpu.memref_squeeze %dma_start3A_37 : memref<1x1x80xi32, #tpu.memory_space<vmem>> -> memref<80xi32, #tpu.memory_space<vmem>>
    %dma_start3A_39 = tpu.memref_slice %arg3[%dma_start3A_33, %add3A_32] : memref<2x320000xi32, #tpu.memory_space<hbm>> -> memref<1x80xi32, #tpu.memory_space<hbm>>
    %dma_start3A_40 = tpu.memref_squeeze %dma_start3A_39 : memref<1x80xi32, #tpu.memory_space<hbm>> -> memref<80xi32, #tpu.memory_space<hbm>>
    %dma_start3A_41 = arith.constant 0 : i32
    %dma_start3A_42 = tpu.memref_slice %arg8[%dma_start3A_34, %dma_start3A_35, %dma_start3A_41] : memref<3x5x80xi32, #tpu.memory_space<vmem>> -> memref<1x1x80xi32, #tpu.memory_space<vmem>>
    %dma_start3A_43 = tpu.memref_squeeze %dma_start3A_42 : memref<1x1x80xi32, #tpu.memory_space<vmem>> -> memref<80xi32, #tpu.memory_space<vmem>>
    %dma_start3A_44 = tpu.memref_slice %arg3[%dma_start3A_33, %add3A_32] : memref<2x320000xi32, #tpu.memory_space<hbm>> -> memref<1x80xi32, #tpu.memory_space<hbm>>
    %dma_start3A_45 = tpu.memref_squeeze %dma_start3A_44 : memref<1x80xi32, #tpu.memory_space<hbm>> -> memref<80xi32, #tpu.memory_space<hbm>>
    tpu.enqueue_dma source(%dma_start3A_45 : memref<80xi32, #tpu.memory_space<hbm>>) target(%dma_start3A_43 : memref<80xi32, #tpu.memory_space<vmem>>) target_semaphore(%arg13 : memref<!tpu.dma_semaphore, #tpu.memory_space<semaphore_mem>>)
    %dma_start3A_46 = arith.constant 0 : i32
    %dma_start3A_47 = arith.constant 1 : i32
    %dma_start3A_48 = arith.constant 0 : i32
    %dma_start3A_49 = arith.constant 0 : i32
    %dma_start3A_50 = tpu.memref_slice %arg9[%dma_start3A_46, %dma_start3A_47, %dma_start3A_48, %dma_start3A_49] : memref<3x5x80x64xf32, #tpu.memory_space<vmem>> -> memref<1x1x80x64xf32, #tpu.memory_space<vmem>>
    %dma_start3A_51 = tpu.memref_squeeze %dma_start3A_50 : memref<1x1x80x64xf32, #tpu.memory_space<vmem>> -> memref<80x64xf32, #tpu.memory_space<vmem>>
    %dma_start3A_52 = arith.constant 80 : i32
    %dma_start3A_53 = tpu.memref_slice %arg7[%dma_start3A_52] : memref<10000xi32, #tpu.memory_space<vmem>> -> memref<80xi32, #tpu.memory_space<vmem>>
    %dma_start3A_54 = arith.constant 0 : i32
    %dma_start3A_55 = arith.constant 0 : i32
    %dma_start3A_56 = tpu.memref_slice %arg2[%dma_start3A_54, %dma_start3A_55] : memref<10000x64xf32, #tpu.memory_space<hbm>> -> memref<10000x64xf32, #tpu.memory_space<hbm>>
    tpu.enqueue_indirect_dma source(%dma_start3A_56 : memref<10000x64xf32, #tpu.memory_space<hbm>>) target(%dma_start3A_51 : memref<80x64xf32, #tpu.memory_space<vmem>>) offsets(%dma_start3A_53 : memref<80xi32, #tpu.memory_space<vmem>>) semaphore(%arg11 : memref<!tpu.dma_semaphore, #tpu.memory_space<semaphore_mem>>)
    %add3A_57 = arith.constant 80 : i32
    %add3A_58 = arith.addi %mul3A_2, %add3A_57 : i32
    %dma_start3A_59 = arith.constant 1 : i32
    %dma_start3A_60 = arith.constant 0 : i32
    %dma_start3A_61 = arith.constant 1 : i32
    %dma_start3A_62 = arith.constant 0 : i32
    %dma_start3A_63 = tpu.memref_slice %arg8[%dma_start3A_60, %dma_start3A_61, %dma_start3A_62] : memref<3x5x80xi32, #tpu.memory_space<vmem>> -> memref<1x1x80xi32, #tpu.memory_space<vmem>>
    %dma_start3A_64 = tpu.memref_squeeze %dma_start3A_63 : memref<1x1x80xi32, #tpu.memory_space<vmem>> -> memref<80xi32, #tpu.memory_space<vmem>>
    %dma_start3A_65 = tpu.memref_slice %arg3[%dma_start3A_59, %add3A_58] : memref<2x320000xi32, #tpu.memory_space<hbm>> -> memref<1x80xi32, #tpu.memory_space<hbm>>
    %dma_start3A_66 = tpu.memref_squeeze %dma_start3A_65 : memref<1x80xi32, #tpu.memory_space<hbm>> -> memref<80xi32, #tpu.memory_space<hbm>>
    %dma_start3A_67 = arith.constant 0 : i32
    %dma_start3A_68 = tpu.memref_slice %arg8[%dma_start3A_60, %dma_start3A_61, %dma_start3A_67] : memref<3x5x80xi32, #tpu.memory_space<vmem>> -> memref<1x1x80xi32, #tpu.memory_space<vmem>>
    %dma_start3A_69 = tpu.memref_squeeze %dma_start3A_68 : memref<1x1x80xi32, #tpu.memory_space<vmem>> -> memref<80xi32, #tpu.memory_space<vmem>>
    %dma_start3A_70 = tpu.memref_slice %arg3[%dma_start3A_59, %add3A_58] : memref<2x320000xi32, #tpu.memory_space<hbm>> -> memref<1x80xi32, #tpu.memory_space<hbm>>
    %dma_start3A_71 = tpu.memref_squeeze %dma_start3A_70 : memref<1x80xi32, #tpu.memory_space<hbm>> -> memref<80xi32, #tpu.memory_space<hbm>>
    tpu.enqueue_dma source(%dma_start3A_71 : memref<80xi32, #tpu.memory_space<hbm>>) target(%dma_start3A_69 : memref<80xi32, #tpu.memory_space<vmem>>) target_semaphore(%arg13 : memref<!tpu.dma_semaphore, #tpu.memory_space<semaphore_mem>>)
    %dma_start3A_72 = arith.constant 0 : i32
    %dma_start3A_73 = arith.constant 2 : i32
    %dma_start3A_74 = arith.constant 0 : i32
    %dma_start3A_75 = arith.constant 0 : i32
    %dma_start3A_76 = tpu.memref_slice %arg9[%dma_start3A_72, %dma_start3A_73, %dma_start3A_74, %dma_start3A_75] : memref<3x5x80x64xf32, #tpu.memory_space<vmem>> -> memref<1x1x80x64xf32, #tpu.memory_space<vmem>>
    %dma_start3A_77 = tpu.memref_squeeze %dma_start3A_76 : memref<1x1x80x64xf32, #tpu.memory_space<vmem>> -> memref<80x64xf32, #tpu.memory_space<vmem>>
    %dma_start3A_78 = arith.constant 160 : i32
    %dma_start3A_79 = tpu.memref_slice %arg7[%dma_start3A_78] : memref<10000xi32, #tpu.memory_space<vmem>> -> memref<80xi32, #tpu.memory_space<vmem>>
    %dma_start3A_80 = arith.constant 0 : i32
    %dma_start3A_81 = arith.constant 0 : i32
    %dma_start3A_82 = tpu.memref_slice %arg2[%dma_start3A_80, %dma_start3A_81] : memref<10000x64xf32, #tpu.memory_space<hbm>> -> memref<10000x64xf32, #tpu.memory_space<hbm>>
    tpu.enqueue_indirect_dma source(%dma_start3A_82 : memref<10000x64xf32, #tpu.memory_space<hbm>>) target(%dma_start3A_77 : memref<80x64xf32, #tpu.memory_space<vmem>>) offsets(%dma_start3A_79 : memref<80xi32, #tpu.memory_space<vmem>>) semaphore(%arg11 : memref<!tpu.dma_semaphore, #tpu.memory_space<semaphore_mem>>)
    %add3A_83 = arith.constant 160 : i32
    %add3A_84 = arith.addi %mul3A_2, %add3A_83 : i32
    %dma_start3A_85 = arith.constant 1 : i32
    %dma_start3A_86 = arith.constant 0 : i32
    %dma_start3A_87 = arith.constant 2 : i32
    %dma_start3A_88 = arith.constant 0 : i32
    %dma_start3A_89 = tpu.memref_slice %arg8[%dma_start3A_86, %dma_start3A_87, %dma_start3A_88] : memref<3x5x80xi32, #tpu.memory_space<vmem>> -> memref<1x1x80xi32, #tpu.memory_space<vmem>>
    %dma_start3A_90 = tpu.memref_squeeze %dma_start3A_89 : memref<1x1x80xi32, #tpu.memory_space<vmem>> -> memref<80xi32, #tpu.memory_space<vmem>>
    %dma_start3A_91 = tpu.memref_slice %arg3[%dma_start3A_85, %add3A_84] : memref<2x320000xi32, #tpu.memory_space<hbm>> -> memref<1x80xi32, #tpu.memory_space<hbm>>
    %dma_start3A_92 = tpu.memref_squeeze %dma_start3A_91 : memref<1x80xi32, #tpu.memory_space<hbm>> -> memref<80xi32, #tpu.memory_space<hbm>>
    %dma_start3A_93 = arith.constant 0 : i32
    %dma_start3A_94 = tpu.memref_slice %arg8[%dma_start3A_86, %dma_start3A_87, %dma_start3A_93] : memref<3x5x80xi32, #tpu.memory_space<vmem>> -> memref<1x1x80xi32, #tpu.memory_space<vmem>>
    %dma_start3A_95 = tpu.memref_squeeze %dma_start3A_94 : memref<1x1x80xi32, #tpu.memory_space<vmem>> -> memref<80xi32, #tpu.memory_space<vmem>>
    %dma_start3A_96 = tpu.memref_slice %arg3[%dma_start3A_85, %add3A_84] : memref<2x320000xi32, #tpu.memory_space<hbm>> -> memref<1x80xi32, #tpu.memory_space<hbm>>
    %dma_start3A_97 = tpu.memref_squeeze %dma_start3A_96 : memref<1x80xi32, #tpu.memory_space<hbm>> -> memref<80xi32, #tpu.memory_space<hbm>>
    tpu.enqueue_dma source(%dma_start3A_97 : memref<80xi32, #tpu.memory_space<hbm>>) target(%dma_start3A_95 : memref<80xi32, #tpu.memory_space<vmem>>) target_semaphore(%arg13 : memref<!tpu.dma_semaphore, #tpu.memory_space<semaphore_mem>>)
    %dma_start3A_98 = arith.constant 0 : i32
    %dma_start3A_99 = arith.constant 3 : i32
    %dma_start3A_100 = arith.constant 0 : i32
    %dma_start3A_101 = arith.constant 0 : i32
    %dma_start3A_102 = tpu.memref_slice %arg9[%dma_start3A_98, %dma_start3A_99, %dma_start3A_100, %dma_start3A_101] : memref<3x5x80x64xf32, #tpu.memory_space<vmem>> -> memref<1x1x80x64xf32, #tpu.memory_space<vmem>>
    %dma_start3A_103 = tpu.memref_squeeze %dma_start3A_102 : memref<1x1x80x64xf32, #tpu.memory_space<vmem>> -> memref<80x64xf32, #tpu.memory_space<vmem>>
    %dma_start3A_104 = arith.constant 240 : i32
    %dma_start3A_105 = tpu.memref_slice %arg7[%dma_start3A_104] : memref<10000xi32, #tpu.memory_space<vmem>> -> memref<80xi32, #tpu.memory_space<vmem>>
    %dma_start3A_106 = arith.constant 0 : i32
    %dma_start3A_107 = arith.constant 0 : i32
    %dma_start3A_108 = tpu.memref_slice %arg2[%dma_start3A_106, %dma_start3A_107] : memref<10000x64xf32, #tpu.memory_space<hbm>> -> memref<10000x64xf32, #tpu.memory_space<hbm>>
    tpu.enqueue_indirect_dma source(%dma_start3A_108 : memref<10000x64xf32, #tpu.memory_space<hbm>>) target(%dma_start3A_103 : memref<80x64xf32, #tpu.memory_space<vmem>>) offsets(%dma_start3A_105 : memref<80xi32, #tpu.memory_space<vmem>>) semaphore(%arg11 : memref<!tpu.dma_semaphore, #tpu.memory_space<semaphore_mem>>)
    %add3A_109 = arith.constant 240 : i32
    %add3A_110 = arith.addi %mul3A_2, %add3A_109 : i32
    %dma_start3A_111 = arith.constant 1 : i32
    %dma_start3A_112 = arith.constant 0 : i32
    %dma_start3A_113 = arith.constant 3 : i32
    %dma_start3A_114 = arith.constant 0 : i32
    %dma_start3A_115 = tpu.memref_slice %arg8[%dma_start3A_112, %dma_start3A_113, %dma_start3A_114] : memref<3x5x80xi32, #tpu.memory_space<vmem>> -> memref<1x1x80xi32, #tpu.memory_space<vmem>>
    %dma_start3A_116 = tpu.memref_squeeze %dma_start3A_115 : memref<1x1x80xi32, #tpu.memory_space<vmem>> -> memref<80xi32, #tpu.memory_space<vmem>>
    %dma_start3A_117 = tpu.memref_slice %arg3[%dma_start3A_111, %add3A_110] : memref<2x320000xi32, #tpu.memory_space<hbm>> -> memref<1x80xi32, #tpu.memory_space<hbm>>
    %dma_start3A_118 = tpu.memref_squeeze %dma_start3A_117 : memref<1x80xi32, #tpu.memory_space<hbm>> -> memref<80xi32, #tpu.memory_space<hbm>>
    %dma_start3A_119 = arith.constant 0 : i32
    %dma_start3A_120 = tpu.memref_slice %arg8[%dma_start3A_112, %dma_start3A_113, %dma_start3A_119] : memref<3x5x80xi32, #tpu.memory_space<vmem>> -> memref<1x1x80xi32, #tpu.memory_space<vmem>>
    %dma_start3A_121 = tpu.memref_squeeze %dma_start3A_120 : memref<1x1x80xi32, #tpu.memory_space<vmem>> -> memref<80xi32, #tpu.memory_space<vmem>>
    %dma_start3A_122 = tpu.memref_slice %arg3[%dma_start3A_111, %add3A_110] : memref<2x320000xi32, #tpu.memory_space<hbm>> -> memref<1x80xi32, #tpu.memory_space<hbm>>
    %dma_start3A_123 = tpu.memref_squeeze %dma_start3A_122 : memref<1x80xi32, #tpu.memory_space<hbm>> -> memref<80xi32, #tpu.memory_space<hbm>>
    tpu.enqueue_dma source(%dma_start3A_123 : memref<80xi32, #tpu.memory_space<hbm>>) target(%dma_start3A_121 : memref<80xi32, #tpu.memory_space<vmem>>) target_semaphore(%arg13 : memref<!tpu.dma_semaphore, #tpu.memory_space<semaphore_mem>>)
    %dma_start3A_124 = arith.constant 0 : i32
    %dma_start3A_125 = arith.constant 4 : i32
    %dma_start3A_126 = arith.constant 0 : i32
    %dma_start3A_127 = arith.constant 0 : i32
    %dma_start3A_128 = tpu.memref_slice %arg9[%dma_start3A_124, %dma_start3A_125, %dma_start3A_126, %dma_start3A_127] : memref<3x5x80x64xf32, #tpu.memory_space<vmem>> -> memref<1x1x80x64xf32, #tpu.memory_space<vmem>>
    %dma_start3A_129 = tpu.memref_squeeze %dma_start3A_128 : memref<1x1x80x64xf32, #tpu.memory_space<vmem>> -> memref<80x64xf32, #tpu.memory_space<vmem>>
    %dma_start3A_130 = arith.constant 320 : i32
    %dma_start3A_131 = tpu.memref_slice %arg7[%dma_start3A_130] : memref<10000xi32, #tpu.memory_space<vmem>> -> memref<80xi32, #tpu.memory_space<vmem>>
    %dma_start3A_132 = arith.constant 0 : i32
    %dma_start3A_133 = arith.constant 0 : i32
    %dma_start3A_134 = tpu.memref_slice %arg2[%dma_start3A_132, %dma_start3A_133] : memref<10000x64xf32, #tpu.memory_space<hbm>> -> memref<10000x64xf32, #tpu.memory_space<hbm>>
    tpu.enqueue_indirect_dma source(%dma_start3A_134 : memref<10000x64xf32, #tpu.memory_space<hbm>>) target(%dma_start3A_129 : memref<80x64xf32, #tpu.memory_space<vmem>>) offsets(%dma_start3A_131 : memref<80xi32, #tpu.memory_space<vmem>>) semaphore(%arg11 : memref<!tpu.dma_semaphore, #tpu.memory_space<semaphore_mem>>)
    %add3A_135 = arith.constant 320 : i32
    %add3A_136 = arith.addi %mul3A_2, %add3A_135 : i32
    %dma_start3A_137 = arith.constant 1 : i32
    %dma_start3A_138 = arith.constant 0 : i32
    %dma_start3A_139 = arith.constant 4 : i32
    %dma_start3A_140 = arith.constant 0 : i32
    %dma_start3A_141 = tpu.memref_slice %arg8[%dma_start3A_138, %dma_start3A_139, %dma_start3A_140] : memref<3x5x80xi32, #tpu.memory_space<vmem>> -> memref<1x1x80xi32, #tpu.memory_space<vmem>>
    %dma_start3A_142 = tpu.memref_squeeze %dma_start3A_141 : memref<1x1x80xi32, #tpu.memory_space<vmem>> -> memref<80xi32, #tpu.memory_space<vmem>>
    %dma_start3A_143 = tpu.memref_slice %arg3[%dma_start3A_137, %add3A_136] : memref<2x320000xi32, #tpu.memory_space<hbm>> -> memref<1x80xi32, #tpu.memory_space<hbm>>
    %dma_start3A_144 = tpu.memref_squeeze %dma_start3A_143 : memref<1x80xi32, #tpu.memory_space<hbm>> -> memref<80xi32, #tpu.memory_space<hbm>>
    %dma_start3A_145 = arith.constant 0 : i32
    %dma_start3A_146 = tpu.memref_slice %arg8[%dma_start3A_138, %dma_start3A_139, %dma_start3A_145] : memref<3x5x80xi32, #tpu.memory_space<vmem>> -> memref<1x1x80xi32, #tpu.memory_space<vmem>>
    %dma_start3A_147 = tpu.memref_squeeze %dma_start3A_146 : memref<1x1x80xi32, #tpu.memory_space<vmem>> -> memref<80xi32, #tpu.memory_space<vmem>>
    %dma_start3A_148 = tpu.memref_slice %arg3[%dma_start3A_137, %add3A_136] : memref<2x320000xi32, #tpu.memory_space<hbm>> -> memref<1x80xi32, #tpu.memory_space<hbm>>
    %dma_start3A_149 = tpu.memref_squeeze %dma_start3A_148 : memref<1x80xi32, #tpu.memory_space<hbm>> -> memref<80xi32, #tpu.memory_space<hbm>>
    tpu.enqueue_dma source(%dma_start3A_149 : memref<80xi32, #tpu.memory_space<hbm>>) target(%dma_start3A_147 : memref<80xi32, #tpu.memory_space<vmem>>) target_semaphore(%arg13 : memref<!tpu.dma_semaphore, #tpu.memory_space<semaphore_mem>>)
    %dma_start3A_150 = arith.constant 1 : i32
    %dma_start3A_151 = arith.constant 0 : i32
    %dma_start3A_152 = arith.constant 0 : i32
    %dma_start3A_153 = arith.constant 0 : i32
    %dma_start3A_154 = tpu.memref_slice %arg9[%dma_start3A_150, %dma_start3A_151, %dma_start3A_152, %dma_start3A_153] : memref<3x5x80x64xf32, #tpu.memory_space<vmem>> -> memref<1x1x80x64xf32, #tpu.memory_space<vmem>>
    %dma_start3A_155 = tpu.memref_squeeze %dma_start3A_154 : memref<1x1x80x64xf32, #tpu.memory_space<vmem>> -> memref<80x64xf32, #tpu.memory_space<vmem>>
    %dma_start3A_156 = arith.constant 400 : i32
    %dma_start3A_157 = tpu.memref_slice %arg7[%dma_start3A_156] : memref<10000xi32, #tpu.memory_space<vmem>> -> memref<80xi32, #tpu.memory_space<vmem>>
    %dma_start3A_158 = arith.constant 0 : i32
    %dma_start3A_159 = arith.constant 0 : i32
    %dma_start3A_160 = tpu.memref_slice %arg2[%dma_start3A_158, %dma_start3A_159] : memref<10000x64xf32, #tpu.memory_space<hbm>> -> memref<10000x64xf32, #tpu.memory_space<hbm>>
    tpu.enqueue_indirect_dma source(%dma_start3A_160 : memref<10000x64xf32, #tpu.memory_space<hbm>>) target(%dma_start3A_155 : memref<80x64xf32, #tpu.memory_space<vmem>>) offsets(%dma_start3A_157 : memref<80xi32, #tpu.memory_space<vmem>>) semaphore(%arg11 : memref<!tpu.dma_semaphore, #tpu.memory_space<semaphore_mem>>)
    %add3A_161 = arith.constant 400 : i32
    %add3A_162 = arith.addi %mul3A_2, %add3A_161 : i32
    %dma_start3A_163 = arith.constant 1 : i32
    %dma_start3A_164 = arith.constant 1 : i32
    %dma_start3A_165 = arith.constant 0 : i32
    %dma_start3A_166 = arith.constant 0 : i32
    %dma_start3A_167 = tpu.memref_slice %arg8[%dma_start3A_164, %dma_start3A_165, %dma_start3A_166] : memref<3x5x80xi32, #tpu.memory_space<vmem>> -> memref<1x1x80xi32, #tpu.memory_space<vmem>>
    %dma_start3A_168 = tpu.memref_squeeze %dma_start3A_167 : memref<1x1x80xi32, #tpu.memory_space<vmem>> -> memref<80xi32, #tpu.memory_space<vmem>>
    %dma_start3A_169 = tpu.memref_slice %arg3[%dma_start3A_163, %add3A_162] : memref<2x320000xi32, #tpu.memory_space<hbm>> -> memref<1x80xi32, #tpu.memory_space<hbm>>
    %dma_start3A_170 = tpu.memref_squeeze %dma_start3A_169 : memref<1x80xi32, #tpu.memory_space<hbm>> -> memref<80xi32, #tpu.memory_space<hbm>>
    %dma_start3A_171 = arith.constant 0 : i32
    %dma_start3A_172 = tpu.memref_slice %arg8[%dma_start3A_164, %dma_start3A_165, %dma_start3A_171] : memref<3x5x80xi32, #tpu.memory_space<vmem>> -> memref<1x1x80xi32, #tpu.memory_space<vmem>>
    %dma_start3A_173 = tpu.memref_squeeze %dma_start3A_172 : memref<1x1x80xi32, #tpu.memory_space<vmem>> -> memref<80xi32, #tpu.memory_space<vmem>>
    %dma_start3A_174 = tpu.memref_slice %arg3[%dma_start3A_163, %add3A_162] : memref<2x320000xi32, #tpu.memory_space<hbm>> -> memref<1x80xi32, #tpu.memory_space<hbm>>
    %dma_start3A_175 = tpu.memref_squeeze %dma_start3A_174 : memref<1x80xi32, #tpu.memory_space<hbm>> -> memref<80xi32, #tpu.memory_space<hbm>>
    tpu.enqueue_dma source(%dma_start3A_175 : memref<80xi32, #tpu.memory_space<hbm>>) target(%dma_start3A_173 : memref<80xi32, #tpu.memory_space<vmem>>) target_semaphore(%arg13 : memref<!tpu.dma_semaphore, #tpu.memory_space<semaphore_mem>>)
    %dma_start3A_176 = arith.constant 1 : i32
    %dma_start3A_177 = arith.constant 1 : i32
    %dma_start3A_178 = arith.constant 0 : i32
    %dma_start3A_179 = arith.constant 0 : i32
    %dma_start3A_180 = tpu.memref_slice %arg9[%dma_start3A_176, %dma_start3A_177, %dma_start3A_178, %dma_start3A_179] : memref<3x5x80x64xf32, #tpu.memory_space<vmem>> -> memref<1x1x80x64xf32, #tpu.memory_space<vmem>>
    %dma_start3A_181 = tpu.memref_squeeze %dma_start3A_180 : memref<1x1x80x64xf32, #tpu.memory_space<vmem>> -> memref<80x64xf32, #tpu.memory_space<vmem>>
    %dma_start3A_182 = arith.constant 480 : i32
    %dma_start3A_183 = tpu.memref_slice %arg7[%dma_start3A_182] : memref<10000xi32, #tpu.memory_space<vmem>> -> memref<80xi32, #tpu.memory_space<vmem>>
    %dma_start3A_184 = arith.constant 0 : i32
    %dma_start3A_185 = arith.constant 0 : i32
    %dma_start3A_186 = tpu.memref_slice %arg2[%dma_start3A_184, %dma_start3A_185] : memref<10000x64xf32, #tpu.memory_space<hbm>> -> memref<10000x64xf32, #tpu.memory_space<hbm>>
    tpu.enqueue_indirect_dma source(%dma_start3A_186 : memref<10000x64xf32, #tpu.memory_space<hbm>>) target(%dma_start3A_181 : memref<80x64xf32, #tpu.memory_space<vmem>>) offsets(%dma_start3A_183 : memref<80xi32, #tpu.memory_space<vmem>>) semaphore(%arg11 : memref<!tpu.dma_semaphore, #tpu.memory_space<semaphore_mem>>)
    %add3A_187 = arith.constant 480 : i32
    %add3A_188 = arith.addi %mul3A_2, %add3A_187 : i32
    %dma_start3A_189 = arith.constant 1 : i32
    %dma_start3A_190 = arith.constant 1 : i32
    %dma_start3A_191 = arith.constant 1 : i32
    %dma_start3A_192 = arith.constant 0 : i32
    %dma_start3A_193 = tpu.memref_slice %arg8[%dma_start3A_190, %dma_start3A_191, %dma_start3A_192] : memref<3x5x80xi32, #tpu.memory_space<vmem>> -> memref<1x1x80xi32, #tpu.memory_space<vmem>>
    %dma_start3A_194 = tpu.memref_squeeze %dma_start3A_193 : memref<1x1x80xi32, #tpu.memory_space<vmem>> -> memref<80xi32, #tpu.memory_space<vmem>>
    %dma_start3A_195 = tpu.memref_slice %arg3[%dma_start3A_189, %add3A_188] : memref<2x320000xi32, #tpu.memory_space<hbm>> -> memref<1x80xi32, #tpu.memory_space<hbm>>
    %dma_start3A_196 = tpu.memref_squeeze %dma_start3A_195 : memref<1x80xi32, #tpu.memory_space<hbm>> -> memref<80xi32, #tpu.memory_space<hbm>>
    %dma_start3A_197 = arith.constant 0 : i32
    %dma_start3A_198 = tpu.memref_slice %arg8[%dma_start3A_190, %dma_start3A_191, %dma_start3A_197] : memref<3x5x80xi32, #tpu.memory_space<vmem>> -> memref<1x1x80xi32, #tpu.memory_space<vmem>>
    %dma_start3A_199 = tpu.memref_squeeze %dma_start3A_198 : memref<1x1x80xi32, #tpu.memory_space<vmem>> -> memref<80xi32, #tpu.memory_space<vmem>>
    %dma_start3A_200 = tpu.memref_slice %arg3[%dma_start3A_189, %add3A_188] : memref<2x320000xi32, #tpu.memory_space<hbm>> -> memref<1x80xi32, #tpu.memory_space<hbm>>
    %dma_start3A_201 = tpu.memref_squeeze %dma_start3A_200 : memref<1x80xi32, #tpu.memory_space<hbm>> -> memref<80xi32, #tpu.memory_space<hbm>>
    tpu.enqueue_dma source(%dma_start3A_201 : memref<80xi32, #tpu.memory_space<hbm>>) target(%dma_start3A_199 : memref<80xi32, #tpu.memory_space<vmem>>) target_semaphore(%arg13 : memref<!tpu.dma_semaphore, #tpu.memory_space<semaphore_mem>>)
    %dma_start3A_202 = arith.constant 1 : i32
    %dma_start3A_203 = arith.constant 2 : i32
    %dma_start3A_204 = arith.constant 0 : i32
    %dma_start3A_205 = arith.constant 0 : i32
    %dma_start3A_206 = tpu.memref_slice %arg9[%dma_start3A_202, %dma_start3A_203, %dma_start3A_204, %dma_start3A_205] : memref<3x5x80x64xf32, #tpu.memory_space<vmem>> -> memref<1x1x80x64xf32, #tpu.memory_space<vmem>>
    %dma_start3A_207 = tpu.memref_squeeze %dma_start3A_206 : memref<1x1x80x64xf32, #tpu.memory_space<vmem>> -> memref<80x64xf32, #tpu.memory_space<vmem>>
    %dma_start3A_208 = arith.constant 560 : i32
    %dma_start3A_209 = tpu.memref_slice %arg7[%dma_start3A_208] : memref<10000xi32, #tpu.memory_space<vmem>> -> memref<80xi32, #tpu.memory_space<vmem>>
    %dma_start3A_210 = arith.constant 0 : i32
    %dma_start3A_211 = arith.constant 0 : i32
    %dma_start3A_212 = tpu.memref_slice %arg2[%dma_start3A_210, %dma_start3A_211] : memref<10000x64xf32, #tpu.memory_space<hbm>> -> memref<10000x64xf32, #tpu.memory_space<hbm>>
    tpu.enqueue_indirect_dma source(%dma_start3A_212 : memref<10000x64xf32, #tpu.memory_space<hbm>>) target(%dma_start3A_207 : memref<80x64xf32, #tpu.memory_space<vmem>>) offsets(%dma_start3A_209 : memref<80xi32, #tpu.memory_space<vmem>>) semaphore(%arg11 : memref<!tpu.dma_semaphore, #tpu.memory_space<semaphore_mem>>)
    %add3A_213 = arith.constant 560 : i32
    %add3A_214 = arith.addi %mul3A_2, %add3A_213 : i32
    %dma_start3A_215 = arith.constant 1 : i32
    %dma_start3A_216 = arith.constant 1 : i32
    %dma_start3A_217 = arith.constant 2 : i32
    %dma_start3A_218 = arith.constant 0 : i32
    %dma_start3A_219 = tpu.memref_slice %arg8[%dma_start3A_216, %dma_start3A_217, %dma_start3A_218] : memref<3x5x80xi32, #tpu.memory_space<vmem>> -> memref<1x1x80xi32, #tpu.memory_space<vmem>>
    %dma_start3A_220 = tpu.memref_squeeze %dma_start3A_219 : memref<1x1x80xi32, #tpu.memory_space<vmem>> -> memref<80xi32, #tpu.memory_space<vmem>>
    %dma_start3A_221 = tpu.memref_slice %arg3[%dma_start3A_215, %add3A_214] : memref<2x320000xi32, #tpu.memory_space<hbm>> -> memref<1x80xi32, #tpu.memory_space<hbm>>
    %dma_start3A_222 = tpu.memref_squeeze %dma_start3A_221 : memref<1x80xi32, #tpu.memory_space<hbm>> -> memref<80xi32, #tpu.memory_space<hbm>>
    %dma_start3A_223 = arith.constant 0 : i32
    %dma_start3A_224 = tpu.memref_slice %arg8[%dma_start3A_216, %dma_start3A_217, %dma_start3A_223] : memref<3x5x80xi32, #tpu.memory_space<vmem>> -> memref<1x1x80xi32, #tpu.memory_space<vmem>>
    %dma_start3A_225 = tpu.memref_squeeze %dma_start3A_224 : memref<1x1x80xi32, #tpu.memory_space<vmem>> -> memref<80xi32, #tpu.memory_space<vmem>>
    %dma_start3A_226 = tpu.memref_slice %arg3[%dma_start3A_215, %add3A_214] : memref<2x320000xi32, #tpu.memory_space<hbm>> -> memref<1x80xi32, #tpu.memory_space<hbm>>
    %dma_start3A_227 = tpu.memref_squeeze %dma_start3A_226 : memref<1x80xi32, #tpu.memory_space<hbm>> -> memref<80xi32, #tpu.memory_space<hbm>>
    tpu.enqueue_dma source(%dma_start3A_227 : memref<80xi32, #tpu.memory_space<hbm>>) target(%dma_start3A_225 : memref<80xi32, #tpu.memory_space<vmem>>) target_semaphore(%arg13 : memref<!tpu.dma_semaphore, #tpu.memory_space<semaphore_mem>>)
    %dma_start3A_228 = arith.constant 1 : i32
    %dma_start3A_229 = arith.constant 3 : i32
    %dma_start3A_230 = arith.constant 0 : i32
    %dma_start3A_231 = arith.constant 0 : i32
    %dma_start3A_232 = tpu.memref_slice %arg9[%dma_start3A_228, %dma_start3A_229, %dma_start3A_230, %dma_start3A_231] : memref<3x5x80x64xf32, #tpu.memory_space<vmem>> -> memref<1x1x80x64xf32, #tpu.memory_space<vmem>>
    %dma_start3A_233 = tpu.memref_squeeze %dma_start3A_232 : memref<1x1x80x64xf32, #tpu.memory_space<vmem>> -> memref<80x64xf32, #tpu.memory_space<vmem>>
    %dma_start3A_234 = arith.constant 640 : i32
    %dma_start3A_235 = tpu.memref_slice %arg7[%dma_start3A_234] : memref<10000xi32, #tpu.memory_space<vmem>> -> memref<80xi32, #tpu.memory_space<vmem>>
    %dma_start3A_236 = arith.constant 0 : i32
    %dma_start3A_237 = arith.constant 0 : i32
    %dma_start3A_238 = tpu.memref_slice %arg2[%dma_start3A_236, %dma_start3A_237] : memref<10000x64xf32, #tpu.memory_space<hbm>> -> memref<10000x64xf32, #tpu.memory_space<hbm>>
    tpu.enqueue_indirect_dma source(%dma_start3A_238 : memref<10000x64xf32, #tpu.memory_space<hbm>>) target(%dma_start3A_233 : memref<80x64xf32, #tpu.memory_space<vmem>>) offsets(%dma_start3A_235 : memref<80xi32, #tpu.memory_space<vmem>>) semaphore(%arg11 : memref<!tpu.dma_semaphore, #tpu.memory_space<semaphore_mem>>)
    %add3A_239 = arith.constant 640 : i32
    %add3A_240 = arith.addi %mul3A_2, %add3A_239 : i32
    %dma_start3A_241 = arith.constant 1 : i32
    %dma_start3A_242 = arith.constant 1 : i32
    %dma_start3A_243 = arith.constant 3 : i32
    %dma_start3A_244 = arith.constant 0 : i32
    %dma_start3A_245 = tpu.memref_slice %arg8[%dma_start3A_242, %dma_start3A_243, %dma_start3A_244] : memref<3x5x80xi32, #tpu.memory_space<vmem>> -> memref<1x1x80xi32, #tpu.memory_space<vmem>>
    %dma_start3A_246 = tpu.memref_squeeze %dma_start3A_245 : memref<1x1x80xi32, #tpu.memory_space<vmem>> -> memref<80xi32, #tpu.memory_space<vmem>>
    %dma_start3A_247 = tpu.memref_slice %arg3[%dma_start3A_241, %add3A_240] : memref<2x320000xi32, #tpu.memory_space<hbm>> -> memref<1x80xi32, #tpu.memory_space<hbm>>
    %dma_start3A_248 = tpu.memref_squeeze %dma_start3A_247 : memref<1x80xi32, #tpu.memory_space<hbm>> -> memref<80xi32, #tpu.memory_space<hbm>>
    %dma_start3A_249 = arith.constant 0 : i32
    %dma_start3A_250 = tpu.memref_slice %arg8[%dma_start3A_242, %dma_start3A_243, %dma_start3A_249] : memref<3x5x80xi32, #tpu.memory_space<vmem>> -> memref<1x1x80xi32, #tpu.memory_space<vmem>>
    %dma_start3A_251 = tpu.memref_squeeze %dma_start3A_250 : memref<1x1x80xi32, #tpu.memory_space<vmem>> -> memref<80xi32, #tpu.memory_space<vmem>>
    %dma_start3A_252 = tpu.memref_slice %arg3[%dma_start3A_241, %add3A_240] : memref<2x320000xi32, #tpu.memory_space<hbm>> -> memref<1x80xi32, #tpu.memory_space<hbm>>
    %dma_start3A_253 = tpu.memref_squeeze %dma_start3A_252 : memref<1x80xi32, #tpu.memory_space<hbm>> -> memref<80xi32, #tpu.memory_space<hbm>>
    tpu.enqueue_dma source(%dma_start3A_253 : memref<80xi32, #tpu.memory_space<hbm>>) target(%dma_start3A_251 : memref<80xi32, #tpu.memory_space<vmem>>) target_semaphore(%arg13 : memref<!tpu.dma_semaphore, #tpu.memory_space<semaphore_mem>>)
    %dma_start3A_254 = arith.constant 1 : i32
    %dma_start3A_255 = arith.constant 4 : i32
    %dma_start3A_256 = arith.constant 0 : i32
    %dma_start3A_257 = arith.constant 0 : i32
    %dma_start3A_258 = tpu.memref_slice %arg9[%dma_start3A_254, %dma_start3A_255, %dma_start3A_256, %dma_start3A_257] : memref<3x5x80x64xf32, #tpu.memory_space<vmem>> -> memref<1x1x80x64xf32, #tpu.memory_space<vmem>>
    %dma_start3A_259 = tpu.memref_squeeze %dma_start3A_258 : memref<1x1x80x64xf32, #tpu.memory_space<vmem>> -> memref<80x64xf32, #tpu.memory_space<vmem>>
    %dma_start3A_260 = arith.constant 720 : i32
    %dma_start3A_261 = tpu.memref_slice %arg7[%dma_start3A_260] : memref<10000xi32, #tpu.memory_space<vmem>> -> memref<80xi32, #tpu.memory_space<vmem>>
    %dma_start3A_262 = arith.constant 0 : i32
    %dma_start3A_263 = arith.constant 0 : i32
    %dma_start3A_264 = tpu.memref_slice %arg2[%dma_start3A_262, %dma_start3A_263] : memref<10000x64xf32, #tpu.memory_space<hbm>> -> memref<10000x64xf32, #tpu.memory_space<hbm>>
    tpu.enqueue_indirect_dma source(%dma_start3A_264 : memref<10000x64xf32, #tpu.memory_space<hbm>>) target(%dma_start3A_259 : memref<80x64xf32, #tpu.memory_space<vmem>>) offsets(%dma_start3A_261 : memref<80xi32, #tpu.memory_space<vmem>>) semaphore(%arg11 : memref<!tpu.dma_semaphore, #tpu.memory_space<semaphore_mem>>)
    %add3A_265 = arith.constant 720 : i32
    %add3A_266 = arith.addi %mul3A_2, %add3A_265 : i32
    %dma_start3A_267 = arith.constant 1 : i32
    %dma_start3A_268 = arith.constant 1 : i32
    %dma_start3A_269 = arith.constant 4 : i32
    %dma_start3A_270 = arith.constant 0 : i32
    %dma_start3A_271 = tpu.memref_slice %arg8[%dma_start3A_268, %dma_start3A_269, %dma_start3A_270] : memref<3x5x80xi32, #tpu.memory_space<vmem>> -> memref<1x1x80xi32, #tpu.memory_space<vmem>>
    %dma_start3A_272 = tpu.memref_squeeze %dma_start3A_271 : memref<1x1x80xi32, #tpu.memory_space<vmem>> -> memref<80xi32, #tpu.memory_space<vmem>>
    %dma_start3A_273 = tpu.memref_slice %arg3[%dma_start3A_267, %add3A_266] : memref<2x320000xi32, #tpu.memory_space<hbm>> -> memref<1x80xi32, #tpu.memory_space<hbm>>
    %dma_start3A_274 = tpu.memref_squeeze %dma_start3A_273 : memref<1x80xi32, #tpu.memory_space<hbm>> -> memref<80xi32, #tpu.memory_space<hbm>>
    %dma_start3A_275 = arith.constant 0 : i32
    %dma_start3A_276 = tpu.memref_slice %arg8[%dma_start3A_268, %dma_start3A_269, %dma_start3A_275] : memref<3x5x80xi32, #tpu.memory_space<vmem>> -> memref<1x1x80xi32, #tpu.memory_space<vmem>>
    %dma_start3A_277 = tpu.memref_squeeze %dma_start3A_276 : memref<1x1x80xi32, #tpu.memory_space<vmem>> -> memref<80xi32, #tpu.memory_space<vmem>>
    %dma_start3A_278 = tpu.memref_slice %arg3[%dma_start3A_267, %add3A_266] : memref<2x320000xi32, #tpu.memory_space<hbm>> -> memref<1x80xi32, #tpu.memory_space<hbm>>
    %dma_start3A_279 = tpu.memref_squeeze %dma_start3A_278 : memref<1x80xi32, #tpu.memory_space<hbm>> -> memref<80xi32, #tpu.memory_space<hbm>>
    tpu.enqueue_dma source(%dma_start3A_279 : memref<80xi32, #tpu.memory_space<hbm>>) target(%dma_start3A_277 : memref<80xi32, #tpu.memory_space<vmem>>) target_semaphore(%arg13 : memref<!tpu.dma_semaphore, #tpu.memory_space<semaphore_mem>>)
    %scan3A_280 = arith.constant 0 : i32
    %scan3A_281 = arith.constant 0 : i32
    %scan3A_282 = arith.constant 25 : i32
    %scan3A_283 = arith.addi %scan3A_281, %scan3A_282 : i32
    %scan3A_284 = arith.constant 1 : i32
    scf.for %scan3A_363 = %scan3A_281 to %scan3A_283 step %scan3A_284  : i32 {
      %rem3A = arith.constant 3 : i32
      %rem3A_364 = arith.remsi %scan3A_363, %rem3A : i32
      %add3A_365 = arith.constant 2 : i32
      %add3A_366 = arith.addi %scan3A_363, %add3A_365 : i32
      %rem3A_367 = arith.constant 3 : i32
      %rem3A_368 = arith.remsi %add3A_366, %rem3A_367 : i32
      %ge3A = arith.constant 1 : i32
      %ge3A_369 = arith.cmpi sge, %scan3A_363, %ge3A : i32
      %convert_element_type3A_370 = arith.extui %ge3A_369 : i1 to i32
      %cond3A_371 = arith.constant 0 : i32
      %cond3A_372 = arith.cmpi ne, %convert_element_type3A_370, %cond3A_371 : i32
      scf.if %cond3A_372 {
        %dma_wait3A_549 = arith.constant 0 : i32
        %dma_wait3A_550 = arith.constant 0 : i32
        %dma_wait3A_551 = arith.constant 0 : i32
        %dma_wait3A_552 = arith.constant 0 : i32
        %dma_wait3A_553 = tpu.memref_slice %arg9[%rem3A_368, %dma_wait3A_549, %dma_wait3A_551, %dma_wait3A_552] : memref<3x5x80x64xf32, #tpu.memory_space<vmem>> -> memref<1x1x80x64xf32, #tpu.memory_space<vmem>>
        %dma_wait3A_554 = tpu.memref_squeeze %dma_wait3A_553 : memref<1x1x80x64xf32, #tpu.memory_space<vmem>> -> memref<80x64xf32, #tpu.memory_space<vmem>>
        %dma_wait3A_555 = arith.constant 0 : i32
        %dma_wait3A_556 = tpu.memref_slice %arg8[%rem3A_368, %dma_wait3A_550, %dma_wait3A_555] : memref<3x5x80xi32, #tpu.memory_space<vmem>> -> memref<1x1x80xi32, #tpu.memory_space<vmem>>
        %dma_wait3A_557 = tpu.memref_squeeze %dma_wait3A_556 : memref<1x1x80xi32, #tpu.memory_space<vmem>> -> memref<80xi32, #tpu.memory_space<vmem>>
        %dma_wait3A_558 = arith.constant 0 : i32
        %dma_wait3A_559 = arith.constant 0 : i32
        %dma_wait3A_560 = tpu.memref_slice %arg6[%dma_wait3A_558, %dma_wait3A_559] : memref<10240x64xf32, #tpu.memory_space<vmem_shared>> -> memref<10240x64xf32, #tpu.memory_space<vmem_shared>>
        tpu.wait_indirect_dma semaphore(%arg12 : memref<!tpu.dma_semaphore, #tpu.memory_space<semaphore_mem>>) src(%dma_wait3A_554 : memref<80x64xf32, #tpu.memory_space<vmem>>) dst(%dma_wait3A_560 : memref<10240x64xf32, #tpu.memory_space<vmem_shared>>)
        %dma_wait3A_561 = arith.constant 1 : i32
        %dma_wait3A_562 = arith.constant 1 : i32
        %dma_wait3A_563 = arith.constant 0 : i32
        %dma_wait3A_564 = arith.constant 0 : i32
        %dma_wait3A_565 = tpu.memref_slice %arg9[%rem3A_368, %dma_wait3A_561, %dma_wait3A_563, %dma_wait3A_564] : memref<3x5x80x64xf32, #tpu.memory_space<vmem>> -> memref<1x1x80x64xf32, #tpu.memory_space<vmem>>
        %dma_wait3A_566 = tpu.memref_squeeze %dma_wait3A_565 : memref<1x1x80x64xf32, #tpu.memory_space<vmem>> -> memref<80x64xf32, #tpu.memory_space<vmem>>
        %dma_wait3A_567 = arith.constant 0 : i32
        %dma_wait3A_568 = tpu.memref_slice %arg8[%rem3A_368, %dma_wait3A_562, %dma_wait3A_567] : memref<3x5x80xi32, #tpu.memory_space<vmem>> -> memref<1x1x80xi32, #tpu.memory_space<vmem>>
        %dma_wait3A_569 = tpu.memref_squeeze %dma_wait3A_568 : memref<1x1x80xi32, #tpu.memory_space<vmem>> -> memref<80xi32, #tpu.memory_space<vmem>>
        %dma_wait3A_570 = arith.constant 0 : i32
        %dma_wait3A_571 = arith.constant 0 : i32
        %dma_wait3A_572 = tpu.memref_slice %arg6[%dma_wait3A_570, %dma_wait3A_571] : memref<10240x64xf32, #tpu.memory_space<vmem_shared>> -> memref<10240x64xf32, #tpu.memory_space<vmem_shared>>
        tpu.wait_indirect_dma semaphore(%arg12 : memref<!tpu.dma_semaphore, #tpu.memory_space<semaphore_mem>>) src(%dma_wait3A_566 : memref<80x64xf32, #tpu.memory_space<vmem>>) dst(%dma_wait3A_572 : memref<10240x64xf32, #tpu.memory_space<vmem_shared>>)
        %dma_wait3A_573 = arith.constant 2 : i32
        %dma_wait3A_574 = arith.constant 2 : i32
        %dma_wait3A_575 = arith.constant 0 : i32
        %dma_wait3A_576 = arith.constant 0 : i32
        %dma_wait3A_577 = tpu.memref_slice %arg9[%rem3A_368, %dma_wait3A_573, %dma_wait3A_575, %dma_wait3A_576] : memref<3x5x80x64xf32, #tpu.memory_space<vmem>> -> memref<1x1x80x64xf32, #tpu.memory_space<vmem>>
        %dma_wait3A_578 = tpu.memref_squeeze %dma_wait3A_577 : memref<1x1x80x64xf32, #tpu.memory_space<vmem>> -> memref<80x64xf32, #tpu.memory_space<vmem>>
        %dma_wait3A_579 = arith.constant 0 : i32
        %dma_wait3A_580 = tpu.memref_slice %arg8[%rem3A_368, %dma_wait3A_574, %dma_wait3A_579] : memref<3x5x80xi32, #tpu.memory_space<vmem>> -> memref<1x1x80xi32, #tpu.memory_space<vmem>>
        %dma_wait3A_581 = tpu.memref_squeeze %dma_wait3A_580 : memref<1x1x80xi32, #tpu.memory_space<vmem>> -> memref<80xi32, #tpu.memory_space<vmem>>
        %dma_wait3A_582 = arith.constant 0 : i32
        %dma_wait3A_583 = arith.constant 0 : i32
        %dma_wait3A_584 = tpu.memref_slice %arg6[%dma_wait3A_582, %dma_wait3A_583] : memref<10240x64xf32, #tpu.memory_space<vmem_shared>> -> memref<10240x64xf32, #tpu.memory_space<vmem_shared>>
        tpu.wait_indirect_dma semaphore(%arg12 : memref<!tpu.dma_semaphore, #tpu.memory_space<semaphore_mem>>) src(%dma_wait3A_578 : memref<80x64xf32, #tpu.memory_space<vmem>>) dst(%dma_wait3A_584 : memref<10240x64xf32, #tpu.memory_space<vmem_shared>>)
        %dma_wait3A_585 = arith.constant 3 : i32
        %dma_wait3A_586 = arith.constant 3 : i32
        %dma_wait3A_587 = arith.constant 0 : i32
        %dma_wait3A_588 = arith.constant 0 : i32
        %dma_wait3A_589 = tpu.memref_slice %arg9[%rem3A_368, %dma_wait3A_585, %dma_wait3A_587, %dma_wait3A_588] : memref<3x5x80x64xf32, #tpu.memory_space<vmem>> -> memref<1x1x80x64xf32, #tpu.memory_space<vmem>>
        %dma_wait3A_590 = tpu.memref_squeeze %dma_wait3A_589 : memref<1x1x80x64xf32, #tpu.memory_space<vmem>> -> memref<80x64xf32, #tpu.memory_space<vmem>>
        %dma_wait3A_591 = arith.constant 0 : i32
        %dma_wait3A_592 = tpu.memref_slice %arg8[%rem3A_368, %dma_wait3A_586, %dma_wait3A_591] : memref<3x5x80xi32, #tpu.memory_space<vmem>> -> memref<1x1x80xi32, #tpu.memory_space<vmem>>
        %dma_wait3A_593 = tpu.memref_squeeze %dma_wait3A_592 : memref<1x1x80xi32, #tpu.memory_space<vmem>> -> memref<80xi32, #tpu.memory_space<vmem>>
        %dma_wait3A_594 = arith.constant 0 : i32
        %dma_wait3A_595 = arith.constant 0 : i32
        %dma_wait3A_596 = tpu.memref_slice %arg6[%dma_wait3A_594, %dma_wait3A_595] : memref<10240x64xf32, #tpu.memory_space<vmem_shared>> -> memref<10240x64xf32, #tpu.memory_space<vmem_shared>>
        tpu.wait_indirect_dma semaphore(%arg12 : memref<!tpu.dma_semaphore, #tpu.memory_space<semaphore_mem>>) src(%dma_wait3A_590 : memref<80x64xf32, #tpu.memory_space<vmem>>) dst(%dma_wait3A_596 : memref<10240x64xf32, #tpu.memory_space<vmem_shared>>)
        %dma_wait3A_597 = arith.constant 4 : i32
        %dma_wait3A_598 = arith.constant 4 : i32
        %dma_wait3A_599 = arith.constant 0 : i32
        %dma_wait3A_600 = arith.constant 0 : i32
        %dma_wait3A_601 = tpu.memref_slice %arg9[%rem3A_368, %dma_wait3A_597, %dma_wait3A_599, %dma_wait3A_600] : memref<3x5x80x64xf32, #tpu.memory_space<vmem>> -> memref<1x1x80x64xf32, #tpu.memory_space<vmem>>
        %dma_wait3A_602 = tpu.memref_squeeze %dma_wait3A_601 : memref<1x1x80x64xf32, #tpu.memory_space<vmem>> -> memref<80x64xf32, #tpu.memory_space<vmem>>
        %dma_wait3A_603 = arith.constant 0 : i32
        %dma_wait3A_604 = tpu.memref_slice %arg8[%rem3A_368, %dma_wait3A_598, %dma_wait3A_603] : memref<3x5x80xi32, #tpu.memory_space<vmem>> -> memref<1x1x80xi32, #tpu.memory_space<vmem>>
        %dma_wait3A_605 = tpu.memref_squeeze %dma_wait3A_604 : memref<1x1x80xi32, #tpu.memory_space<vmem>> -> memref<80xi32, #tpu.memory_space<vmem>>
        %dma_wait3A_606 = arith.constant 0 : i32
        %dma_wait3A_607 = arith.constant 0 : i32
        %dma_wait3A_608 = tpu.memref_slice %arg6[%dma_wait3A_606, %dma_wait3A_607] : memref<10240x64xf32, #tpu.memory_space<vmem_shared>> -> memref<10240x64xf32, #tpu.memory_space<vmem_shared>>
        tpu.wait_indirect_dma semaphore(%arg12 : memref<!tpu.dma_semaphore, #tpu.memory_space<semaphore_mem>>) src(%dma_wait3A_602 : memref<80x64xf32, #tpu.memory_space<vmem>>) dst(%dma_wait3A_608 : memref<10240x64xf32, #tpu.memory_space<vmem_shared>>)
      } else {
      }
      %add3A_373 = arith.constant 2 : i32
      %add3A_374 = arith.addi %scan3A_363, %add3A_373 : i32
      %lt3A = arith.constant 25 : i32
      %lt3A_375 = arith.cmpi slt, %add3A_374, %lt3A : i32
      %convert_element_type3A_376 = arith.extui %lt3A_375 : i1 to i32
      %cond3A_377 = arith.constant 0 : i32
      %cond3A_378 = arith.cmpi ne, %convert_element_type3A_376, %cond3A_377 : i32
      scf.if %cond3A_378 {
        %add3A_549 = arith.constant 2 : i32
        %add3A_550 = arith.addi %scan3A_363, %add3A_549 : i32
        %mul3A_551 = arith.constant 5 : i32
        %mul3A_552 = arith.muli %add3A_550, %mul3A_551 : i32
        %add3A_553 = arith.constant 0 : i32
        %add3A_554 = arith.addi %mul3A_552, %add3A_553 : i32
        %mul3A_555 = arith.constant 80 : i32
        %mul3A_556 = arith.muli %add3A_554, %mul3A_555 : i32
        %dma_start3A_557 = arith.constant 0 : i32
        %dma_start3A_558 = arith.constant 0 : i32
        %dma_start3A_559 = arith.constant 0 : i32
        %dma_start3A_560 = tpu.memref_slice %arg9[%rem3A_368, %dma_start3A_557, %dma_start3A_558, %dma_start3A_559] : memref<3x5x80x64xf32, #tpu.memory_space<vmem>> -> memref<1x1x80x64xf32, #tpu.memory_space<vmem>>
        %dma_start3A_561 = tpu.memref_squeeze %dma_start3A_560 : memref<1x1x80x64xf32, #tpu.memory_space<vmem>> -> memref<80x64xf32, #tpu.memory_space<vmem>>
        %dma_start3A_562 = tpu.memref_slice %arg7[%mul3A_556] : memref<10000xi32, #tpu.memory_space<vmem>> -> memref<80xi32, #tpu.memory_space<vmem>>
        %dma_start3A_563 = arith.constant 0 : i32
        %dma_start3A_564 = arith.constant 0 : i32
        %dma_start3A_565 = tpu.memref_slice %arg2[%dma_start3A_563, %dma_start3A_564] : memref<10000x64xf32, #tpu.memory_space<hbm>> -> memref<10000x64xf32, #tpu.memory_space<hbm>>
        tpu.enqueue_indirect_dma source(%dma_start3A_565 : memref<10000x64xf32, #tpu.memory_space<hbm>>) target(%dma_start3A_561 : memref<80x64xf32, #tpu.memory_space<vmem>>) offsets(%dma_start3A_562 : memref<80xi32, #tpu.memory_space<vmem>>) semaphore(%arg11 : memref<!tpu.dma_semaphore, #tpu.memory_space<semaphore_mem>>)
        %mul3A_566 = arith.constant 80 : i32
        %mul3A_567 = arith.muli %add3A_554, %mul3A_566 : i32
        %add3A_568 = arith.addi %mul3A_2, %mul3A_567 : i32
        %dma_start3A_569 = arith.constant 1 : i32
        %dma_start3A_570 = arith.constant 0 : i32
        %dma_start3A_571 = arith.constant 0 : i32
        %dma_start3A_572 = tpu.memref_slice %arg8[%rem3A_368, %dma_start3A_570, %dma_start3A_571] : memref<3x5x80xi32, #tpu.memory_space<vmem>> -> memref<1x1x80xi32, #tpu.memory_space<vmem>>
        %dma_start3A_573 = tpu.memref_squeeze %dma_start3A_572 : memref<1x1x80xi32, #tpu.memory_space<vmem>> -> memref<80xi32, #tpu.memory_space<vmem>>
        %dma_start3A_574 = tpu.memref_slice %arg3[%dma_start3A_569, %add3A_568] : memref<2x320000xi32, #tpu.memory_space<hbm>> -> memref<1x80xi32, #tpu.memory_space<hbm>>
        %dma_start3A_575 = tpu.memref_squeeze %dma_start3A_574 : memref<1x80xi32, #tpu.memory_space<hbm>> -> memref<80xi32, #tpu.memory_space<hbm>>
        %dma_start3A_576 = arith.constant 0 : i32
        %dma_start3A_577 = tpu.memref_slice %arg8[%rem3A_368, %dma_start3A_570, %dma_start3A_576] : memref<3x5x80xi32, #tpu.memory_space<vmem>> -> memref<1x1x80xi32, #tpu.memory_space<vmem>>
        %dma_start3A_578 = tpu.memref_squeeze %dma_start3A_577 : memref<1x1x80xi32, #tpu.memory_space<vmem>> -> memref<80xi32, #tpu.memory_space<vmem>>
        %dma_start3A_579 = tpu.memref_slice %arg3[%dma_start3A_569, %add3A_568] : memref<2x320000xi32, #tpu.memory_space<hbm>> -> memref<1x80xi32, #tpu.memory_space<hbm>>
        %dma_start3A_580 = tpu.memref_squeeze %dma_start3A_579 : memref<1x80xi32, #tpu.memory_space<hbm>> -> memref<80xi32, #tpu.memory_space<hbm>>
        tpu.enqueue_dma source(%dma_start3A_580 : memref<80xi32, #tpu.memory_space<hbm>>) target(%dma_start3A_578 : memref<80xi32, #tpu.memory_space<vmem>>) target_semaphore(%arg13 : memref<!tpu.dma_semaphore, #tpu.memory_space<semaphore_mem>>)
        %mul3A_581 = arith.constant 5 : i32
        %mul3A_582 = arith.muli %add3A_550, %mul3A_581 : i32
        %add3A_583 = arith.constant 1 : i32
        %add3A_584 = arith.addi %mul3A_582, %add3A_583 : i32
        %mul3A_585 = arith.constant 80 : i32
        %mul3A_586 = arith.muli %add3A_584, %mul3A_585 : i32
        %dma_start3A_587 = arith.constant 1 : i32
        %dma_start3A_588 = arith.constant 0 : i32
        %dma_start3A_589 = arith.constant 0 : i32
        %dma_start3A_590 = tpu.memref_slice %arg9[%rem3A_368, %dma_start3A_587, %dma_start3A_588, %dma_start3A_589] : memref<3x5x80x64xf32, #tpu.memory_space<vmem>> -> memref<1x1x80x64xf32, #tpu.memory_space<vmem>>
        %dma_start3A_591 = tpu.memref_squeeze %dma_start3A_590 : memref<1x1x80x64xf32, #tpu.memory_space<vmem>> -> memref<80x64xf32, #tpu.memory_space<vmem>>
        %dma_start3A_592 = tpu.memref_slice %arg7[%mul3A_586] : memref<10000xi32, #tpu.memory_space<vmem>> -> memref<80xi32, #tpu.memory_space<vmem>>
        %dma_start3A_593 = arith.constant 0 : i32
        %dma_start3A_594 = arith.constant 0 : i32
        %dma_start3A_595 = tpu.memref_slice %arg2[%dma_start3A_593, %dma_start3A_594] : memref<10000x64xf32, #tpu.memory_space<hbm>> -> memref<10000x64xf32, #tpu.memory_space<hbm>>
        tpu.enqueue_indirect_dma source(%dma_start3A_595 : memref<10000x64xf32, #tpu.memory_space<hbm>>) target(%dma_start3A_591 : memref<80x64xf32, #tpu.memory_space<vmem>>) offsets(%dma_start3A_592 : memref<80xi32, #tpu.memory_space<vmem>>) semaphore(%arg11 : memref<!tpu.dma_semaphore, #tpu.memory_space<semaphore_mem>>)
        %mul3A_596 = arith.constant 80 : i32
        %mul3A_597 = arith.muli %add3A_584, %mul3A_596 : i32
        %add3A_598 = arith.addi %mul3A_2, %mul3A_597 : i32
        %dma_start3A_599 = arith.constant 1 : i32
        %dma_start3A_600 = arith.constant 1 : i32
        %dma_start3A_601 = arith.constant 0 : i32
        %dma_start3A_602 = tpu.memref_slice %arg8[%rem3A_368, %dma_start3A_600, %dma_start3A_601] : memref<3x5x80xi32, #tpu.memory_space<vmem>> -> memref<1x1x80xi32, #tpu.memory_space<vmem>>
        %dma_start3A_603 = tpu.memref_squeeze %dma_start3A_602 : memref<1x1x80xi32, #tpu.memory_space<vmem>> -> memref<80xi32, #tpu.memory_space<vmem>>
        %dma_start3A_604 = tpu.memref_slice %arg3[%dma_start3A_599, %add3A_598] : memref<2x320000xi32, #tpu.memory_space<hbm>> -> memref<1x80xi32, #tpu.memory_space<hbm>>
        %dma_start3A_605 = tpu.memref_squeeze %dma_start3A_604 : memref<1x80xi32, #tpu.memory_space<hbm>> -> memref<80xi32, #tpu.memory_space<hbm>>
        %dma_start3A_606 = arith.constant 0 : i32
        %dma_start3A_607 = tpu.memref_slice %arg8[%rem3A_368, %dma_start3A_600, %dma_start3A_606] : memref<3x5x80xi32, #tpu.memory_space<vmem>> -> memref<1x1x80xi32, #tpu.memory_space<vmem>>
        %dma_start3A_608 = tpu.memref_squeeze %dma_start3A_607 : memref<1x1x80xi32, #tpu.memory_space<vmem>> -> memref<80xi32, #tpu.memory_space<vmem>>
        %dma_start3A_609 = tpu.memref_slice %arg3[%dma_start3A_599, %add3A_598] : memref<2x320000xi32, #tpu.memory_space<hbm>> -> memref<1x80xi32, #tpu.memory_space<hbm>>
        %dma_start3A_610 = tpu.memref_squeeze %dma_start3A_609 : memref<1x80xi32, #tpu.memory_space<hbm>> -> memref<80xi32, #tpu.memory_space<hbm>>
        tpu.enqueue_dma source(%dma_start3A_610 : memref<80xi32, #tpu.memory_space<hbm>>) target(%dma_start3A_608 : memref<80xi32, #tpu.memory_space<vmem>>) target_semaphore(%arg13 : memref<!tpu.dma_semaphore, #tpu.memory_space<semaphore_mem>>)
        %mul3A_611 = arith.constant 5 : i32
        %mul3A_612 = arith.muli %add3A_550, %mul3A_611 : i32
        %add3A_613 = arith.constant 2 : i32
        %add3A_614 = arith.addi %mul3A_612, %add3A_613 : i32
        %mul3A_615 = arith.constant 80 : i32
        %mul3A_616 = arith.muli %add3A_614, %mul3A_615 : i32
        %dma_start3A_617 = arith.constant 2 : i32
        %dma_start3A_618 = arith.constant 0 : i32
        %dma_start3A_619 = arith.constant 0 : i32
        %dma_start3A_620 = tpu.memref_slice %arg9[%rem3A_368, %dma_start3A_617, %dma_start3A_618, %dma_start3A_619] : memref<3x5x80x64xf32, #tpu.memory_space<vmem>> -> memref<1x1x80x64xf32, #tpu.memory_space<vmem>>
        %dma_start3A_621 = tpu.memref_squeeze %dma_start3A_620 : memref<1x1x80x64xf32, #tpu.memory_space<vmem>> -> memref<80x64xf32, #tpu.memory_space<vmem>>
        %dma_start3A_622 = tpu.memref_slice %arg7[%mul3A_616] : memref<10000xi32, #tpu.memory_space<vmem>> -> memref<80xi32, #tpu.memory_space<vmem>>
        %dma_start3A_623 = arith.constant 0 : i32
        %dma_start3A_624 = arith.constant 0 : i32
        %dma_start3A_625 = tpu.memref_slice %arg2[%dma_start3A_623, %dma_start3A_624] : memref<10000x64xf32, #tpu.memory_space<hbm>> -> memref<10000x64xf32, #tpu.memory_space<hbm>>
        tpu.enqueue_indirect_dma source(%dma_start3A_625 : memref<10000x64xf32, #tpu.memory_space<hbm>>) target(%dma_start3A_621 : memref<80x64xf32, #tpu.memory_space<vmem>>) offsets(%dma_start3A_622 : memref<80xi32, #tpu.memory_space<vmem>>) semaphore(%arg11 : memref<!tpu.dma_semaphore, #tpu.memory_space<semaphore_mem>>)
        %mul3A_626 = arith.constant 80 : i32
        %mul3A_627 = arith.muli %add3A_614, %mul3A_626 : i32
        %add3A_628 = arith.addi %mul3A_2, %mul3A_627 : i32
        %dma_start3A_629 = arith.constant 1 : i32
        %dma_start3A_630 = arith.constant 2 : i32
        %dma_start3A_631 = arith.constant 0 : i32
        %dma_start3A_632 = tpu.memref_slice %arg8[%rem3A_368, %dma_start3A_630, %dma_start3A_631] : memref<3x5x80xi32, #tpu.memory_space<vmem>> -> memref<1x1x80xi32, #tpu.memory_space<vmem>>
        %dma_start3A_633 = tpu.memref_squeeze %dma_start3A_632 : memref<1x1x80xi32, #tpu.memory_space<vmem>> -> memref<80xi32, #tpu.memory_space<vmem>>
        %dma_start3A_634 = tpu.memref_slice %arg3[%dma_start3A_629, %add3A_628] : memref<2x320000xi32, #tpu.memory_space<hbm>> -> memref<1x80xi32, #tpu.memory_space<hbm>>
        %dma_start3A_635 = tpu.memref_squeeze %dma_start3A_634 : memref<1x80xi32, #tpu.memory_space<hbm>> -> memref<80xi32, #tpu.memory_space<hbm>>
        %dma_start3A_636 = arith.constant 0 : i32
        %dma_start3A_637 = tpu.memref_slice %arg8[%rem3A_368, %dma_start3A_630, %dma_start3A_636] : memref<3x5x80xi32, #tpu.memory_space<vmem>> -> memref<1x1x80xi32, #tpu.memory_space<vmem>>
        %dma_start3A_638 = tpu.memref_squeeze %dma_start3A_637 : memref<1x1x80xi32, #tpu.memory_space<vmem>> -> memref<80xi32, #tpu.memory_space<vmem>>
        %dma_start3A_639 = tpu.memref_slice %arg3[%dma_start3A_629, %add3A_628] : memref<2x320000xi32, #tpu.memory_space<hbm>> -> memref<1x80xi32, #tpu.memory_space<hbm>>
        %dma_start3A_640 = tpu.memref_squeeze %dma_start3A_639 : memref<1x80xi32, #tpu.memory_space<hbm>> -> memref<80xi32, #tpu.memory_space<hbm>>
        tpu.enqueue_dma source(%dma_start3A_640 : memref<80xi32, #tpu.memory_space<hbm>>) target(%dma_start3A_638 : memref<80xi32, #tpu.memory_space<vmem>>) target_semaphore(%arg13 : memref<!tpu.dma_semaphore, #tpu.memory_space<semaphore_mem>>)
        %mul3A_641 = arith.constant 5 : i32
        %mul3A_642 = arith.muli %add3A_550, %mul3A_641 : i32
        %add3A_643 = arith.constant 3 : i32
        %add3A_644 = arith.addi %mul3A_642, %add3A_643 : i32
        %mul3A_645 = arith.constant 80 : i32
        %mul3A_646 = arith.muli %add3A_644, %mul3A_645 : i32
        %dma_start3A_647 = arith.constant 3 : i32
        %dma_start3A_648 = arith.constant 0 : i32
        %dma_start3A_649 = arith.constant 0 : i32
        %dma_start3A_650 = tpu.memref_slice %arg9[%rem3A_368, %dma_start3A_647, %dma_start3A_648, %dma_start3A_649] : memref<3x5x80x64xf32, #tpu.memory_space<vmem>> -> memref<1x1x80x64xf32, #tpu.memory_space<vmem>>
        %dma_start3A_651 = tpu.memref_squeeze %dma_start3A_650 : memref<1x1x80x64xf32, #tpu.memory_space<vmem>> -> memref<80x64xf32, #tpu.memory_space<vmem>>
        %dma_start3A_652 = tpu.memref_slice %arg7[%mul3A_646] : memref<10000xi32, #tpu.memory_space<vmem>> -> memref<80xi32, #tpu.memory_space<vmem>>
        %dma_start3A_653 = arith.constant 0 : i32
        %dma_start3A_654 = arith.constant 0 : i32
        %dma_start3A_655 = tpu.memref_slice %arg2[%dma_start3A_653, %dma_start3A_654] : memref<10000x64xf32, #tpu.memory_space<hbm>> -> memref<10000x64xf32, #tpu.memory_space<hbm>>
        tpu.enqueue_indirect_dma source(%dma_start3A_655 : memref<10000x64xf32, #tpu.memory_space<hbm>>) target(%dma_start3A_651 : memref<80x64xf32, #tpu.memory_space<vmem>>) offsets(%dma_start3A_652 : memref<80xi32, #tpu.memory_space<vmem>>) semaphore(%arg11 : memref<!tpu.dma_semaphore, #tpu.memory_space<semaphore_mem>>)
        %mul3A_656 = arith.constant 80 : i32
        %mul3A_657 = arith.muli %add3A_644, %mul3A_656 : i32
        %add3A_658 = arith.addi %mul3A_2, %mul3A_657 : i32
        %dma_start3A_659 = arith.constant 1 : i32
        %dma_start3A_660 = arith.constant 3 : i32
        %dma_start3A_661 = arith.constant 0 : i32
        %dma_start3A_662 = tpu.memref_slice %arg8[%rem3A_368, %dma_start3A_660, %dma_start3A_661] : memref<3x5x80xi32, #tpu.memory_space<vmem>> -> memref<1x1x80xi32, #tpu.memory_space<vmem>>
        %dma_start3A_663 = tpu.memref_squeeze %dma_start3A_662 : memref<1x1x80xi32, #tpu.memory_space<vmem>> -> memref<80xi32, #tpu.memory_space<vmem>>
        %dma_start3A_664 = tpu.memref_slice %arg3[%dma_start3A_659, %add3A_658] : memref<2x320000xi32, #tpu.memory_space<hbm>> -> memref<1x80xi32, #tpu.memory_space<hbm>>
        %dma_start3A_665 = tpu.memref_squeeze %dma_start3A_664 : memref<1x80xi32, #tpu.memory_space<hbm>> -> memref<80xi32, #tpu.memory_space<hbm>>
        %dma_start3A_666 = arith.constant 0 : i32
        %dma_start3A_667 = tpu.memref_slice %arg8[%rem3A_368, %dma_start3A_660, %dma_start3A_666] : memref<3x5x80xi32, #tpu.memory_space<vmem>> -> memref<1x1x80xi32, #tpu.memory_space<vmem>>
        %dma_start3A_668 = tpu.memref_squeeze %dma_start3A_667 : memref<1x1x80xi32, #tpu.memory_space<vmem>> -> memref<80xi32, #tpu.memory_space<vmem>>
        %dma_start3A_669 = tpu.memref_slice %arg3[%dma_start3A_659, %add3A_658] : memref<2x320000xi32, #tpu.memory_space<hbm>> -> memref<1x80xi32, #tpu.memory_space<hbm>>
        %dma_start3A_670 = tpu.memref_squeeze %dma_start3A_669 : memref<1x80xi32, #tpu.memory_space<hbm>> -> memref<80xi32, #tpu.memory_space<hbm>>
        tpu.enqueue_dma source(%dma_start3A_670 : memref<80xi32, #tpu.memory_space<hbm>>) target(%dma_start3A_668 : memref<80xi32, #tpu.memory_space<vmem>>) target_semaphore(%arg13 : memref<!tpu.dma_semaphore, #tpu.memory_space<semaphore_mem>>)
        %mul3A_671 = arith.constant 5 : i32
        %mul3A_672 = arith.muli %add3A_550, %mul3A_671 : i32
        %add3A_673 = arith.constant 4 : i32
        %add3A_674 = arith.addi %mul3A_672, %add3A_673 : i32
        %mul3A_675 = arith.constant 80 : i32
        %mul3A_676 = arith.muli %add3A_674, %mul3A_675 : i32
        %dma_start3A_677 = arith.constant 4 : i32
        %dma_start3A_678 = arith.constant 0 : i32
        %dma_start3A_679 = arith.constant 0 : i32
        %dma_start3A_680 = tpu.memref_slice %arg9[%rem3A_368, %dma_start3A_677, %dma_start3A_678, %dma_start3A_679] : memref<3x5x80x64xf32, #tpu.memory_space<vmem>> -> memref<1x1x80x64xf32, #tpu.memory_space<vmem>>
        %dma_start3A_681 = tpu.memref_squeeze %dma_start3A_680 : memref<1x1x80x64xf32, #tpu.memory_space<vmem>> -> memref<80x64xf32, #tpu.memory_space<vmem>>
        %dma_start3A_682 = tpu.memref_slice %arg7[%mul3A_676] : memref<10000xi32, #tpu.memory_space<vmem>> -> memref<80xi32, #tpu.memory_space<vmem>>
        %dma_start3A_683 = arith.constant 0 : i32
        %dma_start3A_684 = arith.constant 0 : i32
        %dma_start3A_685 = tpu.memref_slice %arg2[%dma_start3A_683, %dma_start3A_684] : memref<10000x64xf32, #tpu.memory_space<hbm>> -> memref<10000x64xf32, #tpu.memory_space<hbm>>
        tpu.enqueue_indirect_dma source(%dma_start3A_685 : memref<10000x64xf32, #tpu.memory_space<hbm>>) target(%dma_start3A_681 : memref<80x64xf32, #tpu.memory_space<vmem>>) offsets(%dma_start3A_682 : memref<80xi32, #tpu.memory_space<vmem>>) semaphore(%arg11 : memref<!tpu.dma_semaphore, #tpu.memory_space<semaphore_mem>>)
        %mul3A_686 = arith.constant 80 : i32
        %mul3A_687 = arith.muli %add3A_674, %mul3A_686 : i32
        %add3A_688 = arith.addi %mul3A_2, %mul3A_687 : i32
        %dma_start3A_689 = arith.constant 1 : i32
        %dma_start3A_690 = arith.constant 4 : i32
        %dma_start3A_691 = arith.constant 0 : i32
        %dma_start3A_692 = tpu.memref_slice %arg8[%rem3A_368, %dma_start3A_690, %dma_start3A_691] : memref<3x5x80xi32, #tpu.memory_space<vmem>> -> memref<1x1x80xi32, #tpu.memory_space<vmem>>
        %dma_start3A_693 = tpu.memref_squeeze %dma_start3A_692 : memref<1x1x80xi32, #tpu.memory_space<vmem>> -> memref<80xi32, #tpu.memory_space<vmem>>
        %dma_start3A_694 = tpu.memref_slice %arg3[%dma_start3A_689, %add3A_688] : memref<2x320000xi32, #tpu.memory_space<hbm>> -> memref<1x80xi32, #tpu.memory_space<hbm>>
        %dma_start3A_695 = tpu.memref_squeeze %dma_start3A_694 : memref<1x80xi32, #tpu.memory_space<hbm>> -> memref<80xi32, #tpu.memory_space<hbm>>
        %dma_start3A_696 = arith.constant 0 : i32
        %dma_start3A_697 = tpu.memref_slice %arg8[%rem3A_368, %dma_start3A_690, %dma_start3A_696] : memref<3x5x80xi32, #tpu.memory_space<vmem>> -> memref<1x1x80xi32, #tpu.memory_space<vmem>>
        %dma_start3A_698 = tpu.memref_squeeze %dma_start3A_697 : memref<1x1x80xi32, #tpu.memory_space<vmem>> -> memref<80xi32, #tpu.memory_space<vmem>>
        %dma_start3A_699 = tpu.memref_slice %arg3[%dma_start3A_689, %add3A_688] : memref<2x320000xi32, #tpu.memory_space<hbm>> -> memref<1x80xi32, #tpu.memory_space<hbm>>
        %dma_start3A_700 = tpu.memref_squeeze %dma_start3A_699 : memref<1x80xi32, #tpu.memory_space<hbm>> -> memref<80xi32, #tpu.memory_space<hbm>>
        tpu.enqueue_dma source(%dma_start3A_700 : memref<80xi32, #tpu.memory_space<hbm>>) target(%dma_start3A_698 : memref<80xi32, #tpu.memory_space<vmem>>) target_semaphore(%arg13 : memref<!tpu.dma_semaphore, #tpu.memory_space<semaphore_mem>>)
      } else {
      }
      %dma_wait3A_379 = arith.constant 0 : i32
      %dma_wait3A_380 = arith.constant 0 : i32
      %dma_wait3A_381 = arith.constant 0 : i32
      %dma_wait3A_382 = tpu.memref_slice %arg9[%rem3A_364, %dma_wait3A_379, %dma_wait3A_380, %dma_wait3A_381] : memref<3x5x80x64xf32, #tpu.memory_space<vmem>> -> memref<1x1x80x64xf32, #tpu.memory_space<vmem>>
      %dma_wait3A_383 = tpu.memref_squeeze %dma_wait3A_382 : memref<1x1x80x64xf32, #tpu.memory_space<vmem>> -> memref<80x64xf32, #tpu.memory_space<vmem>>
      %dma_wait3A_384 = arith.constant 0 : i32
      %dma_wait3A_385 = tpu.memref_slice %arg7[%dma_wait3A_384] : memref<10000xi32, #tpu.memory_space<vmem>> -> memref<80xi32, #tpu.memory_space<vmem>>
      %dma_wait3A_386 = arith.constant 0 : i32
      %dma_wait3A_387 = arith.constant 0 : i32
      %dma_wait3A_388 = tpu.memref_slice %arg2[%dma_wait3A_386, %dma_wait3A_387] : memref<10000x64xf32, #tpu.memory_space<hbm>> -> memref<10000x64xf32, #tpu.memory_space<hbm>>
      tpu.wait_indirect_dma semaphore(%arg11 : memref<!tpu.dma_semaphore, #tpu.memory_space<semaphore_mem>>) src(%dma_wait3A_388 : memref<10000x64xf32, #tpu.memory_space<hbm>>) dst(%dma_wait3A_383 : memref<80x64xf32, #tpu.memory_space<vmem>>)
      %dma_wait3A_389 = arith.constant 1 : i32
      %dma_wait3A_390 = arith.constant 0 : i32
      %dma_wait3A_391 = arith.constant 0 : i32
      %dma_wait3A_392 = tpu.memref_slice %arg8[%rem3A_364, %dma_wait3A_390, %dma_wait3A_391] : memref<3x5x80xi32, #tpu.memory_space<vmem>> -> memref<1x1x80xi32, #tpu.memory_space<vmem>>
      %dma_wait3A_393 = tpu.memref_squeeze %dma_wait3A_392 : memref<1x1x80xi32, #tpu.memory_space<vmem>> -> memref<80xi32, #tpu.memory_space<vmem>>
      %dma_wait3A_394 = tpu.memref_slice %arg3[%dma_wait3A_389, %mul3A_2] : memref<2x320000xi32, #tpu.memory_space<hbm>> -> memref<1x80xi32, #tpu.memory_space<hbm>>
      %dma_wait3A_395 = tpu.memref_squeeze %dma_wait3A_394 : memref<1x80xi32, #tpu.memory_space<hbm>> -> memref<80xi32, #tpu.memory_space<hbm>>
      %dma_wait3A_396 = arith.constant 0 : i32
      %dma_wait3A_397 = tpu.memref_slice %arg8[%rem3A_364, %dma_wait3A_390, %dma_wait3A_396] : memref<3x5x80xi32, #tpu.memory_space<vmem>> -> memref<1x1x80xi32, #tpu.memory_space<vmem>>
      %dma_wait3A_398 = tpu.memref_squeeze %dma_wait3A_397 : memref<1x1x80xi32, #tpu.memory_space<vmem>> -> memref<80xi32, #tpu.memory_space<vmem>>
      %dma_wait3A_399 = tpu.memref_slice %arg3[%dma_wait3A_389, %mul3A_2] : memref<2x320000xi32, #tpu.memory_space<hbm>> -> memref<1x80xi32, #tpu.memory_space<hbm>>
      %dma_wait3A_400 = tpu.memref_squeeze %dma_wait3A_399 : memref<1x80xi32, #tpu.memory_space<hbm>> -> memref<80xi32, #tpu.memory_space<hbm>>
      tpu.wait_dma2 semaphore(%arg13 : memref<!tpu.dma_semaphore, #tpu.memory_space<semaphore_mem>>) src(%dma_wait3A_400 : memref<80xi32, #tpu.memory_space<hbm>>) dst(%dma_wait3A_398 : memref<80xi32, #tpu.memory_space<vmem>>)
      %dma_wait3A_401 = arith.constant 1 : i32
      %dma_wait3A_402 = arith.constant 0 : i32
      %dma_wait3A_403 = arith.constant 0 : i32
      %dma_wait3A_404 = tpu.memref_slice %arg9[%rem3A_364, %dma_wait3A_401, %dma_wait3A_402, %dma_wait3A_403] : memref<3x5x80x64xf32, #tpu.memory_space<vmem>> -> memref<1x1x80x64xf32, #tpu.memory_space<vmem>>
      %dma_wait3A_405 = tpu.memref_squeeze %dma_wait3A_404 : memref<1x1x80x64xf32, #tpu.memory_space<vmem>> -> memref<80x64xf32, #tpu.memory_space<vmem>>
      %dma_wait3A_406 = arith.constant 80 : i32
      %dma_wait3A_407 = tpu.memref_slice %arg7[%dma_wait3A_406] : memref<10000xi32, #tpu.memory_space<vmem>> -> memref<80xi32, #tpu.memory_space<vmem>>
      %dma_wait3A_408 = arith.constant 0 : i32
      %dma_wait3A_409 = arith.constant 0 : i32
      %dma_wait3A_410 = tpu.memref_slice %arg2[%dma_wait3A_408, %dma_wait3A_409] : memref<10000x64xf32, #tpu.memory_space<hbm>> -> memref<10000x64xf32, #tpu.memory_space<hbm>>
      tpu.wait_indirect_dma semaphore(%arg11 : memref<!tpu.dma_semaphore, #tpu.memory_space<semaphore_mem>>) src(%dma_wait3A_410 : memref<10000x64xf32, #tpu.memory_space<hbm>>) dst(%dma_wait3A_405 : memref<80x64xf32, #tpu.memory_space<vmem>>)
      %dma_wait3A_411 = arith.constant 1 : i32
      %dma_wait3A_412 = arith.constant 1 : i32
      %dma_wait3A_413 = arith.constant 0 : i32
      %dma_wait3A_414 = tpu.memref_slice %arg8[%rem3A_364, %dma_wait3A_412, %dma_wait3A_413] : memref<3x5x80xi32, #tpu.memory_space<vmem>> -> memref<1x1x80xi32, #tpu.memory_space<vmem>>
      %dma_wait3A_415 = tpu.memref_squeeze %dma_wait3A_414 : memref<1x1x80xi32, #tpu.memory_space<vmem>> -> memref<80xi32, #tpu.memory_space<vmem>>
      %dma_wait3A_416 = tpu.memref_slice %arg3[%dma_wait3A_411, %mul3A_2] : memref<2x320000xi32, #tpu.memory_space<hbm>> -> memref<1x80xi32, #tpu.memory_space<hbm>>
      %dma_wait3A_417 = tpu.memref_squeeze %dma_wait3A_416 : memref<1x80xi32, #tpu.memory_space<hbm>> -> memref<80xi32, #tpu.memory_space<hbm>>
      %dma_wait3A_418 = arith.constant 0 : i32
      %dma_wait3A_419 = tpu.memref_slice %arg8[%rem3A_364, %dma_wait3A_412, %dma_wait3A_418] : memref<3x5x80xi32, #tpu.memory_space<vmem>> -> memref<1x1x80xi32, #tpu.memory_space<vmem>>
      %dma_wait3A_420 = tpu.memref_squeeze %dma_wait3A_419 : memref<1x1x80xi32, #tpu.memory_space<vmem>> -> memref<80xi32, #tpu.memory_space<vmem>>
      %dma_wait3A_421 = tpu.memref_slice %arg3[%dma_wait3A_411, %mul3A_2] : memref<2x320000xi32, #tpu.memory_space<hbm>> -> memref<1x80xi32, #tpu.memory_space<hbm>>
      %dma_wait3A_422 = tpu.memref_squeeze %dma_wait3A_421 : memref<1x80xi32, #tpu.memory_space<hbm>> -> memref<80xi32, #tpu.memory_space<hbm>>
      tpu.wait_dma2 semaphore(%arg13 : memref<!tpu.dma_semaphore, #tpu.memory_space<semaphore_mem>>) src(%dma_wait3A_422 : memref<80xi32, #tpu.memory_space<hbm>>) dst(%dma_wait3A_420 : memref<80xi32, #tpu.memory_space<vmem>>)
      %dma_wait3A_423 = arith.constant 2 : i32
      %dma_wait3A_424 = arith.constant 0 : i32
      %dma_wait3A_425 = arith.constant 0 : i32
      %dma_wait3A_426 = tpu.memref_slice %arg9[%rem3A_364, %dma_wait3A_423, %dma_wait3A_424, %dma_wait3A_425] : memref<3x5x80x64xf32, #tpu.memory_space<vmem>> -> memref<1x1x80x64xf32, #tpu.memory_space<vmem>>
      %dma_wait3A_427 = tpu.memref_squeeze %dma_wait3A_426 : memref<1x1x80x64xf32, #tpu.memory_space<vmem>> -> memref<80x64xf32, #tpu.memory_space<vmem>>
      %dma_wait3A_428 = arith.constant 160 : i32
      %dma_wait3A_429 = tpu.memref_slice %arg7[%dma_wait3A_428] : memref<10000xi32, #tpu.memory_space<vmem>> -> memref<80xi32, #tpu.memory_space<vmem>>
      %dma_wait3A_430 = arith.constant 0 : i32
      %dma_wait3A_431 = arith.constant 0 : i32
      %dma_wait3A_432 = tpu.memref_slice %arg2[%dma_wait3A_430, %dma_wait3A_431] : memref<10000x64xf32, #tpu.memory_space<hbm>> -> memref<10000x64xf32, #tpu.memory_space<hbm>>
      tpu.wait_indirect_dma semaphore(%arg11 : memref<!tpu.dma_semaphore, #tpu.memory_space<semaphore_mem>>) src(%dma_wait3A_432 : memref<10000x64xf32, #tpu.memory_space<hbm>>) dst(%dma_wait3A_427 : memref<80x64xf32, #tpu.memory_space<vmem>>)
      %dma_wait3A_433 = arith.constant 1 : i32
      %dma_wait3A_434 = arith.constant 2 : i32
      %dma_wait3A_435 = arith.constant 0 : i32
      %dma_wait3A_436 = tpu.memref_slice %arg8[%rem3A_364, %dma_wait3A_434, %dma_wait3A_435] : memref<3x5x80xi32, #tpu.memory_space<vmem>> -> memref<1x1x80xi32, #tpu.memory_space<vmem>>
      %dma_wait3A_437 = tpu.memref_squeeze %dma_wait3A_436 : memref<1x1x80xi32, #tpu.memory_space<vmem>> -> memref<80xi32, #tpu.memory_space<vmem>>
      %dma_wait3A_438 = tpu.memref_slice %arg3[%dma_wait3A_433, %mul3A_2] : memref<2x320000xi32, #tpu.memory_space<hbm>> -> memref<1x80xi32, #tpu.memory_space<hbm>>
      %dma_wait3A_439 = tpu.memref_squeeze %dma_wait3A_438 : memref<1x80xi32, #tpu.memory_space<hbm>> -> memref<80xi32, #tpu.memory_space<hbm>>
      %dma_wait3A_440 = arith.constant 0 : i32
      %dma_wait3A_441 = tpu.memref_slice %arg8[%rem3A_364, %dma_wait3A_434, %dma_wait3A_440] : memref<3x5x80xi32, #tpu.memory_space<vmem>> -> memref<1x1x80xi32, #tpu.memory_space<vmem>>
      %dma_wait3A_442 = tpu.memref_squeeze %dma_wait3A_441 : memref<1x1x80xi32, #tpu.memory_space<vmem>> -> memref<80xi32, #tpu.memory_space<vmem>>
      %dma_wait3A_443 = tpu.memref_slice %arg3[%dma_wait3A_433, %mul3A_2] : memref<2x320000xi32, #tpu.memory_space<hbm>> -> memref<1x80xi32, #tpu.memory_space<hbm>>
      %dma_wait3A_444 = tpu.memref_squeeze %dma_wait3A_443 : memref<1x80xi32, #tpu.memory_space<hbm>> -> memref<80xi32, #tpu.memory_space<hbm>>
      tpu.wait_dma2 semaphore(%arg13 : memref<!tpu.dma_semaphore, #tpu.memory_space<semaphore_mem>>) src(%dma_wait3A_444 : memref<80xi32, #tpu.memory_space<hbm>>) dst(%dma_wait3A_442 : memref<80xi32, #tpu.memory_space<vmem>>)
      %dma_wait3A_445 = arith.constant 3 : i32
      %dma_wait3A_446 = arith.constant 0 : i32
      %dma_wait3A_447 = arith.constant 0 : i32
      %dma_wait3A_448 = tpu.memref_slice %arg9[%rem3A_364, %dma_wait3A_445, %dma_wait3A_446, %dma_wait3A_447] : memref<3x5x80x64xf32, #tpu.memory_space<vmem>> -> memref<1x1x80x64xf32, #tpu.memory_space<vmem>>
      %dma_wait3A_449 = tpu.memref_squeeze %dma_wait3A_448 : memref<1x1x80x64xf32, #tpu.memory_space<vmem>> -> memref<80x64xf32, #tpu.memory_space<vmem>>
      %dma_wait3A_450 = arith.constant 240 : i32
      %dma_wait3A_451 = tpu.memref_slice %arg7[%dma_wait3A_450] : memref<10000xi32, #tpu.memory_space<vmem>> -> memref<80xi32, #tpu.memory_space<vmem>>
      %dma_wait3A_452 = arith.constant 0 : i32
      %dma_wait3A_453 = arith.constant 0 : i32
      %dma_wait3A_454 = tpu.memref_slice %arg2[%dma_wait3A_452, %dma_wait3A_453] : memref<10000x64xf32, #tpu.memory_space<hbm>> -> memref<10000x64xf32, #tpu.memory_space<hbm>>
      tpu.wait_indirect_dma semaphore(%arg11 : memref<!tpu.dma_semaphore, #tpu.memory_space<semaphore_mem>>) src(%dma_wait3A_454 : memref<10000x64xf32, #tpu.memory_space<hbm>>) dst(%dma_wait3A_449 : memref<80x64xf32, #tpu.memory_space<vmem>>)
      %dma_wait3A_455 = arith.constant 1 : i32
      %dma_wait3A_456 = arith.constant 3 : i32
      %dma_wait3A_457 = arith.constant 0 : i32
      %dma_wait3A_458 = tpu.memref_slice %arg8[%rem3A_364, %dma_wait3A_456, %dma_wait3A_457] : memref<3x5x80xi32, #tpu.memory_space<vmem>> -> memref<1x1x80xi32, #tpu.memory_space<vmem>>
      %dma_wait3A_459 = tpu.memref_squeeze %dma_wait3A_458 : memref<1x1x80xi32, #tpu.memory_space<vmem>> -> memref<80xi32, #tpu.memory_space<vmem>>
      %dma_wait3A_460 = tpu.memref_slice %arg3[%dma_wait3A_455, %mul3A_2] : memref<2x320000xi32, #tpu.memory_space<hbm>> -> memref<1x80xi32, #tpu.memory_space<hbm>>
      %dma_wait3A_461 = tpu.memref_squeeze %dma_wait3A_460 : memref<1x80xi32, #tpu.memory_space<hbm>> -> memref<80xi32, #tpu.memory_space<hbm>>
      %dma_wait3A_462 = arith.constant 0 : i32
      %dma_wait3A_463 = tpu.memref_slice %arg8[%rem3A_364, %dma_wait3A_456, %dma_wait3A_462] : memref<3x5x80xi32, #tpu.memory_space<vmem>> -> memref<1x1x80xi32, #tpu.memory_space<vmem>>
      %dma_wait3A_464 = tpu.memref_squeeze %dma_wait3A_463 : memref<1x1x80xi32, #tpu.memory_space<vmem>> -> memref<80xi32, #tpu.memory_space<vmem>>
      %dma_wait3A_465 = tpu.memref_slice %arg3[%dma_wait3A_455, %mul3A_2] : memref<2x320000xi32, #tpu.memory_space<hbm>> -> memref<1x80xi32, #tpu.memory_space<hbm>>
      %dma_wait3A_466 = tpu.memref_squeeze %dma_wait3A_465 : memref<1x80xi32, #tpu.memory_space<hbm>> -> memref<80xi32, #tpu.memory_space<hbm>>
      tpu.wait_dma2 semaphore(%arg13 : memref<!tpu.dma_semaphore, #tpu.memory_space<semaphore_mem>>) src(%dma_wait3A_466 : memref<80xi32, #tpu.memory_space<hbm>>) dst(%dma_wait3A_464 : memref<80xi32, #tpu.memory_space<vmem>>)
      %dma_wait3A_467 = arith.constant 4 : i32
      %dma_wait3A_468 = arith.constant 0 : i32
      %dma_wait3A_469 = arith.constant 0 : i32
      %dma_wait3A_470 = tpu.memref_slice %arg9[%rem3A_364, %dma_wait3A_467, %dma_wait3A_468, %dma_wait3A_469] : memref<3x5x80x64xf32, #tpu.memory_space<vmem>> -> memref<1x1x80x64xf32, #tpu.memory_space<vmem>>
      %dma_wait3A_471 = tpu.memref_squeeze %dma_wait3A_470 : memref<1x1x80x64xf32, #tpu.memory_space<vmem>> -> memref<80x64xf32, #tpu.memory_space<vmem>>
      %dma_wait3A_472 = arith.constant 320 : i32
      %dma_wait3A_473 = tpu.memref_slice %arg7[%dma_wait3A_472] : memref<10000xi32, #tpu.memory_space<vmem>> -> memref<80xi32, #tpu.memory_space<vmem>>
      %dma_wait3A_474 = arith.constant 0 : i32
      %dma_wait3A_475 = arith.constant 0 : i32
      %dma_wait3A_476 = tpu.memref_slice %arg2[%dma_wait3A_474, %dma_wait3A_475] : memref<10000x64xf32, #tpu.memory_space<hbm>> -> memref<10000x64xf32, #tpu.memory_space<hbm>>
      tpu.wait_indirect_dma semaphore(%arg11 : memref<!tpu.dma_semaphore, #tpu.memory_space<semaphore_mem>>) src(%dma_wait3A_476 : memref<10000x64xf32, #tpu.memory_space<hbm>>) dst(%dma_wait3A_471 : memref<80x64xf32, #tpu.memory_space<vmem>>)
      %dma_wait3A_477 = arith.constant 1 : i32
      %dma_wait3A_478 = arith.constant 4 : i32
      %dma_wait3A_479 = arith.constant 0 : i32
      %dma_wait3A_480 = tpu.memref_slice %arg8[%rem3A_364, %dma_wait3A_478, %dma_wait3A_479] : memref<3x5x80xi32, #tpu.memory_space<vmem>> -> memref<1x1x80xi32, #tpu.memory_space<vmem>>
      %dma_wait3A_481 = tpu.memref_squeeze %dma_wait3A_480 : memref<1x1x80xi32, #tpu.memory_space<vmem>> -> memref<80xi32, #tpu.memory_space<vmem>>
      %dma_wait3A_482 = tpu.memref_slice %arg3[%dma_wait3A_477, %mul3A_2] : memref<2x320000xi32, #tpu.memory_space<hbm>> -> memref<1x80xi32, #tpu.memory_space<hbm>>
      %dma_wait3A_483 = tpu.memref_squeeze %dma_wait3A_482 : memref<1x80xi32, #tpu.memory_space<hbm>> -> memref<80xi32, #tpu.memory_space<hbm>>
      %dma_wait3A_484 = arith.constant 0 : i32
      %dma_wait3A_485 = tpu.memref_slice %arg8[%rem3A_364, %dma_wait3A_478, %dma_wait3A_484] : memref<3x5x80xi32, #tpu.memory_space<vmem>> -> memref<1x1x80xi32, #tpu.memory_space<vmem>>
      %dma_wait3A_486 = tpu.memref_squeeze %dma_wait3A_485 : memref<1x1x80xi32, #tpu.memory_space<vmem>> -> memref<80xi32, #tpu.memory_space<vmem>>
      %dma_wait3A_487 = tpu.memref_slice %arg3[%dma_wait3A_477, %mul3A_2] : memref<2x320000xi32, #tpu.memory_space<hbm>> -> memref<1x80xi32, #tpu.memory_space<hbm>>
      %dma_wait3A_488 = tpu.memref_squeeze %dma_wait3A_487 : memref<1x80xi32, #tpu.memory_space<hbm>> -> memref<80xi32, #tpu.memory_space<hbm>>
      tpu.wait_dma2 semaphore(%arg13 : memref<!tpu.dma_semaphore, #tpu.memory_space<semaphore_mem>>) src(%dma_wait3A_488 : memref<80xi32, #tpu.memory_space<hbm>>) dst(%dma_wait3A_486 : memref<80xi32, #tpu.memory_space<vmem>>)
      %dma_start3A_489 = arith.constant 0 : i32
      %dma_start3A_490 = arith.constant 0 : i32
      %dma_start3A_491 = arith.constant 0 : i32
      %dma_start3A_492 = arith.constant 0 : i32
      %dma_start3A_493 = tpu.memref_slice %arg9[%rem3A_364, %dma_start3A_489, %dma_start3A_491, %dma_start3A_492] : memref<3x5x80x64xf32, #tpu.memory_space<vmem>> -> memref<1x1x80x64xf32, #tpu.memory_space<vmem>>
      %dma_start3A_494 = tpu.memref_squeeze %dma_start3A_493 : memref<1x1x80x64xf32, #tpu.memory_space<vmem>> -> memref<80x64xf32, #tpu.memory_space<vmem>>
      %dma_start3A_495 = arith.constant 0 : i32
      %dma_start3A_496 = tpu.memref_slice %arg8[%rem3A_364, %dma_start3A_490, %dma_start3A_495] : memref<3x5x80xi32, #tpu.memory_space<vmem>> -> memref<1x1x80xi32, #tpu.memory_space<vmem>>
      %dma_start3A_497 = tpu.memref_squeeze %dma_start3A_496 : memref<1x1x80xi32, #tpu.memory_space<vmem>> -> memref<80xi32, #tpu.memory_space<vmem>>
      %dma_start3A_498 = arith.constant 0 : i32
      %dma_start3A_499 = arith.constant 0 : i32
      %dma_start3A_500 = tpu.memref_slice %arg6[%dma_start3A_498, %dma_start3A_499] : memref<10240x64xf32, #tpu.memory_space<vmem_shared>> -> memref<10240x64xf32, #tpu.memory_space<vmem_shared>>
      tpu.enqueue_indirect_dma source(%dma_start3A_494 : memref<80x64xf32, #tpu.memory_space<vmem>>) target(%dma_start3A_500 : memref<10240x64xf32, #tpu.memory_space<vmem_shared>>) offsets(%dma_start3A_497 : memref<80xi32, #tpu.memory_space<vmem>>) semaphore(%arg12 : memref<!tpu.dma_semaphore, #tpu.memory_space<semaphore_mem>>) {add = true}
      %dma_start3A_501 = arith.constant 1 : i32
      %dma_start3A_502 = arith.constant 1 : i32
      %dma_start3A_503 = arith.constant 0 : i32
      %dma_start3A_504 = arith.constant 0 : i32
      %dma_start3A_505 = tpu.memref_slice %arg9[%rem3A_364, %dma_start3A_501, %dma_start3A_503, %dma_start3A_504] : memref<3x5x80x64xf32, #tpu.memory_space<vmem>> -> memref<1x1x80x64xf32, #tpu.memory_space<vmem>>
      %dma_start3A_506 = tpu.memref_squeeze %dma_start3A_505 : memref<1x1x80x64xf32, #tpu.memory_space<vmem>> -> memref<80x64xf32, #tpu.memory_space<vmem>>
      %dma_start3A_507 = arith.constant 0 : i32
      %dma_start3A_508 = tpu.memref_slice %arg8[%rem3A_364, %dma_start3A_502, %dma_start3A_507] : memref<3x5x80xi32, #tpu.memory_space<vmem>> -> memref<1x1x80xi32, #tpu.memory_space<vmem>>
      %dma_start3A_509 = tpu.memref_squeeze %dma_start3A_508 : memref<1x1x80xi32, #tpu.memory_space<vmem>> -> memref<80xi32, #tpu.memory_space<vmem>>
      %dma_start3A_510 = arith.constant 0 : i32
      %dma_start3A_511 = arith.constant 0 : i32
      %dma_start3A_512 = tpu.memref_slice %arg6[%dma_start3A_510, %dma_start3A_511] : memref<10240x64xf32, #tpu.memory_space<vmem_shared>> -> memref<10240x64xf32, #tpu.memory_space<vmem_shared>>
      tpu.enqueue_indirect_dma source(%dma_start3A_506 : memref<80x64xf32, #tpu.memory_space<vmem>>) target(%dma_start3A_512 : memref<10240x64xf32, #tpu.memory_space<vmem_shared>>) offsets(%dma_start3A_509 : memref<80xi32, #tpu.memory_space<vmem>>) semaphore(%arg12 : memref<!tpu.dma_semaphore, #tpu.memory_space<semaphore_mem>>) {add = true}
      %dma_start3A_513 = arith.constant 2 : i32
      %dma_start3A_514 = arith.constant 2 : i32
      %dma_start3A_515 = arith.constant 0 : i32
      %dma_start3A_516 = arith.constant 0 : i32
      %dma_start3A_517 = tpu.memref_slice %arg9[%rem3A_364, %dma_start3A_513, %dma_start3A_515, %dma_start3A_516] : memref<3x5x80x64xf32, #tpu.memory_space<vmem>> -> memref<1x1x80x64xf32, #tpu.memory_space<vmem>>
      %dma_start3A_518 = tpu.memref_squeeze %dma_start3A_517 : memref<1x1x80x64xf32, #tpu.memory_space<vmem>> -> memref<80x64xf32, #tpu.memory_space<vmem>>
      %dma_start3A_519 = arith.constant 0 : i32
      %dma_start3A_520 = tpu.memref_slice %arg8[%rem3A_364, %dma_start3A_514, %dma_start3A_519] : memref<3x5x80xi32, #tpu.memory_space<vmem>> -> memref<1x1x80xi32, #tpu.memory_space<vmem>>
      %dma_start3A_521 = tpu.memref_squeeze %dma_start3A_520 : memref<1x1x80xi32, #tpu.memory_space<vmem>> -> memref<80xi32, #tpu.memory_space<vmem>>
      %dma_start3A_522 = arith.constant 0 : i32
      %dma_start3A_523 = arith.constant 0 : i32
      %dma_start3A_524 = tpu.memref_slice %arg6[%dma_start3A_522, %dma_start3A_523] : memref<10240x64xf32, #tpu.memory_space<vmem_shared>> -> memref<10240x64xf32, #tpu.memory_space<vmem_shared>>
      tpu.enqueue_indirect_dma source(%dma_start3A_518 : memref<80x64xf32, #tpu.memory_space<vmem>>) target(%dma_start3A_524 : memref<10240x64xf32, #tpu.memory_space<vmem_shared>>) offsets(%dma_start3A_521 : memref<80xi32, #tpu.memory_space<vmem>>) semaphore(%arg12 : memref<!tpu.dma_semaphore, #tpu.memory_space<semaphore_mem>>) {add = true}
      %dma_start3A_525 = arith.constant 3 : i32
      %dma_start3A_526 = arith.constant 3 : i32
      %dma_start3A_527 = arith.constant 0 : i32
      %dma_start3A_528 = arith.constant 0 : i32
      %dma_start3A_529 = tpu.memref_slice %arg9[%rem3A_364, %dma_start3A_525, %dma_start3A_527, %dma_start3A_528] : memref<3x5x80x64xf32, #tpu.memory_space<vmem>> -> memref<1x1x80x64xf32, #tpu.memory_space<vmem>>
      %dma_start3A_530 = tpu.memref_squeeze %dma_start3A_529 : memref<1x1x80x64xf32, #tpu.memory_space<vmem>> -> memref<80x64xf32, #tpu.memory_space<vmem>>
      %dma_start3A_531 = arith.constant 0 : i32
      %dma_start3A_532 = tpu.memref_slice %arg8[%rem3A_364, %dma_start3A_526, %dma_start3A_531] : memref<3x5x80xi32, #tpu.memory_space<vmem>> -> memref<1x1x80xi32, #tpu.memory_space<vmem>>
      %dma_start3A_533 = tpu.memref_squeeze %dma_start3A_532 : memref<1x1x80xi32, #tpu.memory_space<vmem>> -> memref<80xi32, #tpu.memory_space<vmem>>
      %dma_start3A_534 = arith.constant 0 : i32
      %dma_start3A_535 = arith.constant 0 : i32
      %dma_start3A_536 = tpu.memref_slice %arg6[%dma_start3A_534, %dma_start3A_535] : memref<10240x64xf32, #tpu.memory_space<vmem_shared>> -> memref<10240x64xf32, #tpu.memory_space<vmem_shared>>
      tpu.enqueue_indirect_dma source(%dma_start3A_530 : memref<80x64xf32, #tpu.memory_space<vmem>>) target(%dma_start3A_536 : memref<10240x64xf32, #tpu.memory_space<vmem_shared>>) offsets(%dma_start3A_533 : memref<80xi32, #tpu.memory_space<vmem>>) semaphore(%arg12 : memref<!tpu.dma_semaphore, #tpu.memory_space<semaphore_mem>>) {add = true}
      %dma_start3A_537 = arith.constant 4 : i32
      %dma_start3A_538 = arith.constant 4 : i32
      %dma_start3A_539 = arith.constant 0 : i32
      %dma_start3A_540 = arith.constant 0 : i32
      %dma_start3A_541 = tpu.memref_slice %arg9[%rem3A_364, %dma_start3A_537, %dma_start3A_539, %dma_start3A_540] : memref<3x5x80x64xf32, #tpu.memory_space<vmem>> -> memref<1x1x80x64xf32, #tpu.memory_space<vmem>>
      %dma_start3A_542 = tpu.memref_squeeze %dma_start3A_541 : memref<1x1x80x64xf32, #tpu.memory_space<vmem>> -> memref<80x64xf32, #tpu.memory_space<vmem>>
      %dma_start3A_543 = arith.constant 0 : i32
      %dma_start3A_544 = tpu.memref_slice %arg8[%rem3A_364, %dma_start3A_538, %dma_start3A_543] : memref<3x5x80xi32, #tpu.memory_space<vmem>> -> memref<1x1x80xi32, #tpu.memory_space<vmem>>
      %dma_start3A_545 = tpu.memref_squeeze %dma_start3A_544 : memref<1x1x80xi32, #tpu.memory_space<vmem>> -> memref<80xi32, #tpu.memory_space<vmem>>
      %dma_start3A_546 = arith.constant 0 : i32
      %dma_start3A_547 = arith.constant 0 : i32
      %dma_start3A_548 = tpu.memref_slice %arg6[%dma_start3A_546, %dma_start3A_547] : memref<10240x64xf32, #tpu.memory_space<vmem_shared>> -> memref<10240x64xf32, #tpu.memory_space<vmem_shared>>
      tpu.enqueue_indirect_dma source(%dma_start3A_542 : memref<80x64xf32, #tpu.memory_space<vmem>>) target(%dma_start3A_548 : memref<10240x64xf32, #tpu.memory_space<vmem_shared>>) offsets(%dma_start3A_545 : memref<80xi32, #tpu.memory_space<vmem>>) semaphore(%arg12 : memref<!tpu.dma_semaphore, #tpu.memory_space<semaphore_mem>>) {add = true}
    }
    %scan3A_285 = arith.constant 25 : i32
    %dma_wait3A = arith.constant 0 : i32
    %dma_wait3A_286 = arith.constant 0 : i32
    %dma_wait3A_287 = arith.constant 0 : i32
    %dma_wait3A_288 = arith.constant 0 : i32
    %dma_wait3A_289 = arith.constant 0 : i32
    %dma_wait3A_290 = arith.constant 0 : i32
    %dma_wait3A_291 = tpu.memref_slice %arg9[%dma_wait3A, %dma_wait3A_286, %dma_wait3A_289, %dma_wait3A_290] : memref<3x5x80x64xf32, #tpu.memory_space<vmem>> -> memref<1x1x80x64xf32, #tpu.memory_space<vmem>>
    %dma_wait3A_292 = tpu.memref_squeeze %dma_wait3A_291 : memref<1x1x80x64xf32, #tpu.memory_space<vmem>> -> memref<80x64xf32, #tpu.memory_space<vmem>>
    %dma_wait3A_293 = arith.constant 0 : i32
    %dma_wait3A_294 = tpu.memref_slice %arg8[%dma_wait3A_287, %dma_wait3A_288, %dma_wait3A_293] : memref<3x5x80xi32, #tpu.memory_space<vmem>> -> memref<1x1x80xi32, #tpu.memory_space<vmem>>
    %dma_wait3A_295 = tpu.memref_squeeze %dma_wait3A_294 : memref<1x1x80xi32, #tpu.memory_space<vmem>> -> memref<80xi32, #tpu.memory_space<vmem>>
    %dma_wait3A_296 = arith.constant 0 : i32
    %dma_wait3A_297 = arith.constant 0 : i32
    %dma_wait3A_298 = tpu.memref_slice %arg6[%dma_wait3A_296, %dma_wait3A_297] : memref<10240x64xf32, #tpu.memory_space<vmem_shared>> -> memref<10240x64xf32, #tpu.memory_space<vmem_shared>>
    tpu.wait_indirect_dma semaphore(%arg12 : memref<!tpu.dma_semaphore, #tpu.memory_space<semaphore_mem>>) src(%dma_wait3A_292 : memref<80x64xf32, #tpu.memory_space<vmem>>) dst(%dma_wait3A_298 : memref<10240x64xf32, #tpu.memory_space<vmem_shared>>)
    %dma_wait3A_299 = arith.constant 0 : i32
    %dma_wait3A_300 = arith.constant 1 : i32
    %dma_wait3A_301 = arith.constant 0 : i32
    %dma_wait3A_302 = arith.constant 1 : i32
    %dma_wait3A_303 = arith.constant 0 : i32
    %dma_wait3A_304 = arith.constant 0 : i32
    %dma_wait3A_305 = tpu.memref_slice %arg9[%dma_wait3A_299, %dma_wait3A_300, %dma_wait3A_303, %dma_wait3A_304] : memref<3x5x80x64xf32, #tpu.memory_space<vmem>> -> memref<1x1x80x64xf32, #tpu.memory_space<vmem>>
    %dma_wait3A_306 = tpu.memref_squeeze %dma_wait3A_305 : memref<1x1x80x64xf32, #tpu.memory_space<vmem>> -> memref<80x64xf32, #tpu.memory_space<vmem>>
    %dma_wait3A_307 = arith.constant 0 : i32
    %dma_wait3A_308 = tpu.memref_slice %arg8[%dma_wait3A_301, %dma_wait3A_302, %dma_wait3A_307] : memref<3x5x80xi32, #tpu.memory_space<vmem>> -> memref<1x1x80xi32, #tpu.memory_space<vmem>>
    %dma_wait3A_309 = tpu.memref_squeeze %dma_wait3A_308 : memref<1x1x80xi32, #tpu.memory_space<vmem>> -> memref<80xi32, #tpu.memory_space<vmem>>
    %dma_wait3A_310 = arith.constant 0 : i32
    %dma_wait3A_311 = arith.constant 0 : i32
    %dma_wait3A_312 = tpu.memref_slice %arg6[%dma_wait3A_310, %dma_wait3A_311] : memref<10240x64xf32, #tpu.memory_space<vmem_shared>> -> memref<10240x64xf32, #tpu.memory_space<vmem_shared>>
    tpu.wait_indirect_dma semaphore(%arg12 : memref<!tpu.dma_semaphore, #tpu.memory_space<semaphore_mem>>) src(%dma_wait3A_306 : memref<80x64xf32, #tpu.memory_space<vmem>>) dst(%dma_wait3A_312 : memref<10240x64xf32, #tpu.memory_space<vmem_shared>>)
    %dma_wait3A_313 = arith.constant 0 : i32
    %dma_wait3A_314 = arith.constant 2 : i32
    %dma_wait3A_315 = arith.constant 0 : i32
    %dma_wait3A_316 = arith.constant 2 : i32
    %dma_wait3A_317 = arith.constant 0 : i32
    %dma_wait3A_318 = arith.constant 0 : i32
    %dma_wait3A_319 = tpu.memref_slice %arg9[%dma_wait3A_313, %dma_wait3A_314, %dma_wait3A_317, %dma_wait3A_318] : memref<3x5x80x64xf32, #tpu.memory_space<vmem>> -> memref<1x1x80x64xf32, #tpu.memory_space<vmem>>
    %dma_wait3A_320 = tpu.memref_squeeze %dma_wait3A_319 : memref<1x1x80x64xf32, #tpu.memory_space<vmem>> -> memref<80x64xf32, #tpu.memory_space<vmem>>
    %dma_wait3A_321 = arith.constant 0 : i32
    %dma_wait3A_322 = tpu.memref_slice %arg8[%dma_wait3A_315, %dma_wait3A_316, %dma_wait3A_321] : memref<3x5x80xi32, #tpu.memory_space<vmem>> -> memref<1x1x80xi32, #tpu.memory_space<vmem>>
    %dma_wait3A_323 = tpu.memref_squeeze %dma_wait3A_322 : memref<1x1x80xi32, #tpu.memory_space<vmem>> -> memref<80xi32, #tpu.memory_space<vmem>>
    %dma_wait3A_324 = arith.constant 0 : i32
    %dma_wait3A_325 = arith.constant 0 : i32
    %dma_wait3A_326 = tpu.memref_slice %arg6[%dma_wait3A_324, %dma_wait3A_325] : memref<10240x64xf32, #tpu.memory_space<vmem_shared>> -> memref<10240x64xf32, #tpu.memory_space<vmem_shared>>
    tpu.wait_indirect_dma semaphore(%arg12 : memref<!tpu.dma_semaphore, #tpu.memory_space<semaphore_mem>>) src(%dma_wait3A_320 : memref<80x64xf32, #tpu.memory_space<vmem>>) dst(%dma_wait3A_326 : memref<10240x64xf32, #tpu.memory_space<vmem_shared>>)
    %dma_wait3A_327 = arith.constant 0 : i32
    %dma_wait3A_328 = arith.constant 3 : i32
    %dma_wait3A_329 = arith.constant 0 : i32
    %dma_wait3A_330 = arith.constant 3 : i32
    %dma_wait3A_331 = arith.constant 0 : i32
    %dma_wait3A_332 = arith.constant 0 : i32
    %dma_wait3A_333 = tpu.memref_slice %arg9[%dma_wait3A_327, %dma_wait3A_328, %dma_wait3A_331, %dma_wait3A_332] : memref<3x5x80x64xf32, #tpu.memory_space<vmem>> -> memref<1x1x80x64xf32, #tpu.memory_space<vmem>>
    %dma_wait3A_334 = tpu.memref_squeeze %dma_wait3A_333 : memref<1x1x80x64xf32, #tpu.memory_space<vmem>> -> memref<80x64xf32, #tpu.memory_space<vmem>>
    %dma_wait3A_335 = arith.constant 0 : i32
    %dma_wait3A_336 = tpu.memref_slice %arg8[%dma_wait3A_329, %dma_wait3A_330, %dma_wait3A_335] : memref<3x5x80xi32, #tpu.memory_space<vmem>> -> memref<1x1x80xi32, #tpu.memory_space<vmem>>
    %dma_wait3A_337 = tpu.memref_squeeze %dma_wait3A_336 : memref<1x1x80xi32, #tpu.memory_space<vmem>> -> memref<80xi32, #tpu.memory_space<vmem>>
    %dma_wait3A_338 = arith.constant 0 : i32
    %dma_wait3A_339 = arith.constant 0 : i32
    %dma_wait3A_340 = tpu.memref_slice %arg6[%dma_wait3A_338, %dma_wait3A_339] : memref<10240x64xf32, #tpu.memory_space<vmem_shared>> -> memref<10240x64xf32, #tpu.memory_space<vmem_shared>>
    tpu.wait_indirect_dma semaphore(%arg12 : memref<!tpu.dma_semaphore, #tpu.memory_space<semaphore_mem>>) src(%dma_wait3A_334 : memref<80x64xf32, #tpu.memory_space<vmem>>) dst(%dma_wait3A_340 : memref<10240x64xf32, #tpu.memory_space<vmem_shared>>)
    %dma_wait3A_341 = arith.constant 0 : i32
    %dma_wait3A_342 = arith.constant 4 : i32
    %dma_wait3A_343 = arith.constant 0 : i32
    %dma_wait3A_344 = arith.constant 4 : i32
    %dma_wait3A_345 = arith.constant 0 : i32
    %dma_wait3A_346 = arith.constant 0 : i32
    %dma_wait3A_347 = tpu.memref_slice %arg9[%dma_wait3A_341, %dma_wait3A_342, %dma_wait3A_345, %dma_wait3A_346] : memref<3x5x80x64xf32, #tpu.memory_space<vmem>> -> memref<1x1x80x64xf32, #tpu.memory_space<vmem>>
    %dma_wait3A_348 = tpu.memref_squeeze %dma_wait3A_347 : memref<1x1x80x64xf32, #tpu.memory_space<vmem>> -> memref<80x64xf32, #tpu.memory_space<vmem>>
    %dma_wait3A_349 = arith.constant 0 : i32
    %dma_wait3A_350 = tpu.memref_slice %arg8[%dma_wait3A_343, %dma_wait3A_344, %dma_wait3A_349] : memref<3x5x80xi32, #tpu.memory_space<vmem>> -> memref<1x1x80xi32, #tpu.memory_space<vmem>>
    %dma_wait3A_351 = tpu.memref_squeeze %dma_wait3A_350 : memref<1x1x80xi32, #tpu.memory_space<vmem>> -> memref<80xi32, #tpu.memory_space<vmem>>
    %dma_wait3A_352 = arith.constant 0 : i32
    %dma_wait3A_353 = arith.constant 0 : i32
    %dma_wait3A_354 = tpu.memref_slice %arg6[%dma_wait3A_352, %dma_wait3A_353] : memref<10240x64xf32, #tpu.memory_space<vmem_shared>> -> memref<10240x64xf32, #tpu.memory_space<vmem_shared>>
    tpu.wait_indirect_dma semaphore(%arg12 : memref<!tpu.dma_semaphore, #tpu.memory_space<semaphore_mem>>) src(%dma_wait3A_348 : memref<80x64xf32, #tpu.memory_space<vmem>>) dst(%dma_wait3A_354 : memref<10240x64xf32, #tpu.memory_space<vmem_shared>>)
    %barrier3A_355 = arith.constant 0 : index
    tpu.barrier barrier_id(%barrier3A_355)
    %eq3A = arith.constant 0 : i32
    %eq3A_356 = arith.cmpi eq, %arg0, %eq3A : i32
    %convert_element_type3A = arith.extui %eq3A_356 : i1 to i32
    %cond3A = arith.constant 0 : i32
    %cond3A_357 = arith.cmpi ne, %convert_element_type3A, %cond3A : i32
    scf.if %cond3A_357 {
      %mul3A_363 = arith.constant 640 : i32
      %mul3A_364 = arith.muli %arg1, %mul3A_363 : i32
      %mul3A_365 = arith.constant 640 : i32
      %mul3A_366 = arith.muli %arg1, %mul3A_365 : i32
      "tpu.region"() ({
        %run_scoped3A_367 = tpu.sem_alloc : memref<!tpu.dma_semaphore, #tpu.memory_space<semaphore_mem>>
        %dma_start3A_368 = arith.constant 0 : i32
        %dma_start3A_369 = tpu.memref_slice %arg4[%mul3A_366, %dma_start3A_368] : memref<10240x64xf32, #tpu.memory_space<hbm>> -> memref<640x64xf32, #tpu.memory_space<hbm>>
        %dma_start3A_370 = arith.constant 0 : i32
        %dma_start3A_371 = tpu.memref_slice %arg6[%mul3A_364, %dma_start3A_370] : memref<10240x64xf32, #tpu.memory_space<vmem_shared>> -> memref<640x64xf32, #tpu.memory_space<vmem_shared>>
        tpu.enqueue_dma source(%dma_start3A_371 : memref<640x64xf32, #tpu.memory_space<vmem_shared>>) target(%dma_start3A_369 : memref<640x64xf32, #tpu.memory_space<hbm>>) target_semaphore(%run_scoped3A_367 : memref<!tpu.dma_semaphore, #tpu.memory_space<semaphore_mem>>)
        %dma_wait3A_372 = arith.constant 0 : i32
        %dma_wait3A_373 = tpu.memref_slice %arg4[%mul3A_366, %dma_wait3A_372] : memref<10240x64xf32, #tpu.memory_space<hbm>> -> memref<640x64xf32, #tpu.memory_space<hbm>>
        %dma_wait3A_374 = arith.constant 0 : i32
        %dma_wait3A_375 = tpu.memref_slice %arg6[%mul3A_364, %dma_wait3A_374] : memref<10240x64xf32, #tpu.memory_space<vmem_shared>> -> memref<640x64xf32, #tpu.memory_space<vmem_shared>>
        tpu.wait_dma2 semaphore(%run_scoped3A_367 : memref<!tpu.dma_semaphore, #tpu.memory_space<semaphore_mem>>) src(%dma_wait3A_375 : memref<640x64xf32, #tpu.memory_space<vmem_shared>>) dst(%dma_wait3A_373 : memref<640x64xf32, #tpu.memory_space<hbm>>)
        tpu.yield
      }) : () -> ()
    } else {
    }
    %eq3A_358 = arith.constant 1 : i32
    %eq3A_359 = arith.cmpi eq, %arg0, %eq3A_358 : i32
    %convert_element_type3A_360 = arith.extui %eq3A_359 : i1 to i32
    %cond3A_361 = arith.constant 0 : i32
    %cond3A_362 = arith.cmpi ne, %convert_element_type3A_360, %cond3A_361 : i32
    scf.if %cond3A_362 {
      %mul3A_363 = arith.constant 640 : i32
      %mul3A_364 = arith.muli %arg1, %mul3A_363 : i32
      %mul3A_365 = arith.constant 640 : i32
      %mul3A_366 = arith.muli %arg1, %mul3A_365 : i32
      "tpu.region"() ({
        %run_scoped3A_367 = tpu.sem_alloc : memref<!tpu.dma_semaphore, #tpu.memory_space<semaphore_mem>>
        %dma_start3A_368 = arith.constant 0 : i32
        %dma_start3A_369 = tpu.memref_slice %arg5[%mul3A_366, %dma_start3A_368] : memref<10240x64xf32, #tpu.memory_space<hbm>> -> memref<640x64xf32, #tpu.memory_space<hbm>>
        %dma_start3A_370 = arith.constant 0 : i32
        %dma_start3A_371 = tpu.memref_slice %arg6[%mul3A_364, %dma_start3A_370] : memref<10240x64xf32, #tpu.memory_space<vmem_shared>> -> memref<640x64xf32, #tpu.memory_space<vmem_shared>>
        tpu.enqueue_dma source(%dma_start3A_371 : memref<640x64xf32, #tpu.memory_space<vmem_shared>>) target(%dma_start3A_369 : memref<640x64xf32, #tpu.memory_space<hbm>>) target_semaphore(%run_scoped3A_367 : memref<!tpu.dma_semaphore, #tpu.memory_space<semaphore_mem>>)
        %dma_wait3A_372 = arith.constant 0 : i32
        %dma_wait3A_373 = tpu.memref_slice %arg5[%mul3A_366, %dma_wait3A_372] : memref<10240x64xf32, #tpu.memory_space<hbm>> -> memref<640x64xf32, #tpu.memory_space<hbm>>
        %dma_wait3A_374 = arith.constant 0 : i32
        %dma_wait3A_375 = tpu.memref_slice %arg6[%mul3A_364, %dma_wait3A_374] : memref<10240x64xf32, #tpu.memory_space<vmem_shared>> -> memref<640x64xf32, #tpu.memory_space<vmem_shared>>
        tpu.wait_dma2 semaphore(%run_scoped3A_367 : memref<!tpu.dma_semaphore, #tpu.memory_space<semaphore_mem>>) src(%dma_wait3A_375 : memref<640x64xf32, #tpu.memory_space<vmem_shared>>) dst(%dma_wait3A_373 : memref<640x64xf32, #tpu.memory_space<hbm>>)
        tpu.yield
      }) : () -> ()
    } else {
    }
    return
  }
}

module attributes {stable_mosaic.version = 14 : i64} {
  func.func @_matmul_body(%arg0: i32, %arg1: memref<2000x128xf32, #tpu.memory_space<vmem>>, %arg2: memref<128x64xf32, #tpu.memory_space<vmem>>, %arg3: memref<1000x128xf32, #tpu.memory_space<vmem>>) attributes {dimension_semantics = [#tpu.dimension_semantics<arbitrary>], iteration_bounds = array<i64: 5>, scalar_prefetch = 0 : i64, scratch_operands = 0 : i64, tpu.core_type = #tpu.core_type<tc>, window_params = [{transform_indices = @transform_0, window_bounds = array<i64: 2000, 128>}, {pipeline_mode = #tpu.pipeline_mode<synchronous>, transform_indices = @transform_1, window_bounds = array<i64: 128, 64>}, {transform_indices = @transform_2, window_bounds = array<i64: 1000, 128>}]} {
    %get3A = arith.constant 0 : index
    %get3A_0 = arith.constant 0 : index
    %get3A_1 = vector.load %arg1[%get3A, %get3A_0] : memref<2000x128xf32, #tpu.memory_space<vmem>>, vector<2000x128xf32>
    %get3A_2 = arith.constant 0 : index
    %get3A_3 = arith.constant 0 : index
    %get3A_4 = vector.load %arg2[%get3A_2, %get3A_3] : memref<128x64xf32, #tpu.memory_space<vmem>>, vector<128x64xf32>
    %reshape3A = vector.shape_cast %get3A_1 : vector<2000x128xf32> to vector<1000x2x128xf32>
    %slice3A = vector.extract_strided_slice %reshape3A {offsets = [0, 0, 0], sizes = [1000, 1, 128], strides = [1, 1, 1]} : vector<1000x2x128xf32> to vector<1000x1x128xf32>
    %squeeze3A = vector.shape_cast %slice3A : vector<1000x1x128xf32> to vector<1000x128xf32>
    %dot_general3A = arith.constant dense<0.000000e+00> : vector<1000x64xf32>
    %dot_general3A_5 = tpu.matmul %squeeze3A, %get3A_4, %dot_general3A {dimension_numbers = #tpu.dot_dimension_numbers<[1], [0], [0], [1], [0, 0, 1, 1], [], []>, transpose_lhs_hint = false} : vector<1000x128xf32>, vector<128x64xf32>, vector<1000x64xf32> -> vector<1000x64xf32>
    %slice3A_6 = vector.extract_strided_slice %reshape3A {offsets = [0, 1, 0], sizes = [1000, 1, 128], strides = [1, 1, 1]} : vector<1000x2x128xf32> to vector<1000x1x128xf32>
    %squeeze3A_7 = vector.shape_cast %slice3A_6 : vector<1000x1x128xf32> to vector<1000x128xf32>
    %dot_general3A_8 = arith.constant dense<0.000000e+00> : vector<1000x64xf32>
    %dot_general3A_9 = tpu.matmul %squeeze3A_7, %get3A_4, %dot_general3A_8 {dimension_numbers = #tpu.dot_dimension_numbers<[1], [0], [0], [1], [0, 0, 1, 1], [], []>, transpose_lhs_hint = false} : vector<1000x128xf32>, vector<128x64xf32>, vector<1000x64xf32> -> vector<1000x64xf32>
    %concatenate3A = tpu.concatenate %dot_general3A_5, %dot_general3A_9 in 1 : vector<1000x64xf32>, vector<1000x64xf32> -> vector<1000x128xf32>
    %swap3A = arith.constant 0 : index
    %swap3A_10 = arith.constant 0 : index
    %swap3A_11 = vector.load %arg3[%swap3A, %swap3A_10] : memref<1000x128xf32, #tpu.memory_space<vmem>>, vector<1000x128xf32>
    tpu.vector_store %arg3[%swap3A, %swap3A_10], %concatenate3A {strides = array<i32>} : memref<1000x128xf32, #tpu.memory_space<vmem>>, vector<1000x128xf32>,
    return
  }
  func.func @transform_0(%arg0: i32) -> (i32, i32) {
    %c0_i32 = arith.constant 0 : i32
    %c0_i32_0 = arith.constant 0 : i32
    return %arg0, %c0_i32 : i32, i32
  }
  func.func @transform_1(%arg0: i32) -> (i32, i32) {
    %c0_i32 = arith.constant 0 : i32
    %c0_i32_0 = arith.constant 0 : i32
    %c0_i32_1 = arith.constant 0 : i32
    return %c0_i32, %c0_i32_0 : i32, i32
  }
  func.func @transform_2(%arg0: i32) -> (i32, i32) {
    %c0_i32 = arith.constant 0 : i32
    %c0_i32_0 = arith.constant 0 : i32
    return %arg0, %c0_i32 : i32, i32
  }
}

module attributes {stable_mosaic.version = 14 : i64} {
  func.func @_mid_body(%arg0: i32, %arg1: memref<1000x128xf32, #tpu.memory_space<vmem>>, %arg2: memref<1000x128xf32, #tpu.memory_space<vmem>>, %arg3: memref<1000x128xf32, #tpu.memory_space<vmem>>, %arg4: memref<1x64xf32, #tpu.memory_space<vmem>>, %arg5: memref<1x64xf32, #tpu.memory_space<vmem>>, %arg6: memref<1x64xf32, #tpu.memory_space<vmem>>, %arg7: memref<64x64xf32, #tpu.memory_space<vmem>>, %arg8: memref<1000x128xf32, #tpu.memory_space<vmem>>, %arg9: memref<1000x128xf32, #tpu.memory_space<vmem>>) attributes {dimension_semantics = [#tpu.dimension_semantics<arbitrary>], iteration_bounds = array<i64: 5>, scalar_prefetch = 0 : i64, scratch_operands = 0 : i64, tpu.core_type = #tpu.core_type<tc>, window_params = [{transform_indices = @transform_0, window_bounds = array<i64: 1000, 128>}, {transform_indices = @transform_1, window_bounds = array<i64: 1000, 128>}, {transform_indices = @transform_2, window_bounds = array<i64: 1000, 128>}, {pipeline_mode = #tpu.pipeline_mode<synchronous>, transform_indices = @transform_3, window_bounds = array<i64: 1, 64>}, {pipeline_mode = #tpu.pipeline_mode<synchronous>, transform_indices = @transform_4, window_bounds = array<i64: 1, 64>}, {pipeline_mode = #tpu.pipeline_mode<synchronous>, transform_indices = @transform_5, window_bounds = array<i64: 1, 64>}, {pipeline_mode = #tpu.pipeline_mode<synchronous>, transform_indices = @transform_6, window_bounds = array<i64: 64, 64>}, {transform_indices = @transform_7, window_bounds = array<i64: 1000, 128>}, {transform_indices = @transform_8, window_bounds = array<i64: 1000, 128>}]} {
    %get3A = arith.constant 0 : index
    %get3A_0 = arith.constant 0 : index
    %get3A_1 = vector.load %arg1[%get3A, %get3A_0] : memref<1000x128xf32, #tpu.memory_space<vmem>>, vector<1000x128xf32>
    %get3A_2 = arith.constant 0 : index
    %get3A_3 = arith.constant 0 : index
    %get3A_4 = vector.load %arg2[%get3A_2, %get3A_3] : memref<1000x128xf32, #tpu.memory_space<vmem>>, vector<1000x128xf32>
    %add3A = arith.addf %get3A_1, %get3A_4 : vector<1000x128xf32>
    %get3A_5 = arith.constant 0 : index
    %get3A_6 = arith.constant 0 : index
    %get3A_7 = vector.load %arg4[%get3A_5, %get3A_6] : memref<1x64xf32, #tpu.memory_space<vmem>>, vector<1x64xf32>
    %concatenate3A = tpu.concatenate %get3A_7, %get3A_7 in 1 : vector<1x64xf32>, vector<1x64xf32> -> vector<1x128xf32>
    %add3A_8 = vector.broadcast %concatenate3A : vector<1x128xf32> to vector<1000x128xf32>
    %add3A_9 = arith.addf %add3A, %add3A_8 : vector<1000x128xf32>
    %max3A = arith.constant 0.000000e+00 : f32
    %max3A_10 = vector.broadcast %max3A : f32 to vector<1000x128xf32>
    %max3A_11 = arith.maximumf %add3A_9, %max3A_10 : vector<1000x128xf32>
    %get3A_12 = arith.constant 0 : index
    %get3A_13 = arith.constant 0 : index
    %get3A_14 = vector.load %arg3[%get3A_12, %get3A_13] : memref<1000x128xf32, #tpu.memory_space<vmem>>, vector<1000x128xf32>
    %add3A_15 = arith.addf %max3A_11, %get3A_14 : vector<1000x128xf32>
    %get3A_16 = arith.constant 0 : index
    %get3A_17 = arith.constant 0 : index
    %get3A_18 = vector.load %arg5[%get3A_16, %get3A_17] : memref<1x64xf32, #tpu.memory_space<vmem>>, vector<1x64xf32>
    %concatenate3A_19 = tpu.concatenate %get3A_18, %get3A_18 in 1 : vector<1x64xf32>, vector<1x64xf32> -> vector<1x128xf32>
    %mul3A = arith.constant 0.999994993 : f32
    %mul3A_20 = vector.broadcast %mul3A : f32 to vector<1000x128xf32>
    %mul3A_21 = arith.mulf %add3A_15, %mul3A_20 : vector<1000x128xf32>
    %mul3A_22 = vector.broadcast %concatenate3A_19 : vector<1x128xf32> to vector<1000x128xf32>
    %mul3A_23 = arith.mulf %mul3A_22, %mul3A_21 : vector<1000x128xf32>
    %get3A_24 = arith.constant 0 : index
    %get3A_25 = arith.constant 0 : index
    %get3A_26 = vector.load %arg6[%get3A_24, %get3A_25] : memref<1x64xf32, #tpu.memory_space<vmem>>, vector<1x64xf32>
    %concatenate3A_27 = tpu.concatenate %get3A_26, %get3A_26 in 1 : vector<1x64xf32>, vector<1x64xf32> -> vector<1x128xf32>
    %add3A_28 = vector.broadcast %concatenate3A_27 : vector<1x128xf32> to vector<1000x128xf32>
    %add3A_29 = arith.addf %mul3A_23, %add3A_28 : vector<1000x128xf32>
    %get3A_30 = arith.constant 0 : index
    %get3A_31 = arith.constant 0 : index
    %get3A_32 = vector.load %arg7[%get3A_30, %get3A_31] : memref<64x64xf32, #tpu.memory_space<vmem>>, vector<64x64xf32>
    %slice3A = vector.extract_strided_slice %add3A_29 {offsets = [0, 0], sizes = [1000, 64], strides = [1, 1]} : vector<1000x128xf32> to vector<1000x64xf32>
    %dot_general3A = arith.constant dense<0.000000e+00> : vector<1000x64xf32>
    %dot_general3A_33 = tpu.matmul %slice3A, %get3A_32, %dot_general3A {dimension_numbers = #tpu.dot_dimension_numbers<[1], [0], [0], [1], [0, 0, 1, 1], [], []>, transpose_lhs_hint = false} : vector<1000x64xf32>, vector<64x64xf32>, vector<1000x64xf32> -> vector<1000x64xf32>
    %slice3A_34 = vector.extract_strided_slice %add3A_29 {offsets = [0, 64], sizes = [1000, 64], strides = [1, 1]} : vector<1000x128xf32> to vector<1000x64xf32>
    %dot_general3A_35 = arith.constant dense<0.000000e+00> : vector<1000x64xf32>
    %dot_general3A_36 = tpu.matmul %slice3A_34, %get3A_32, %dot_general3A_35 {dimension_numbers = #tpu.dot_dimension_numbers<[1], [0], [0], [1], [0, 0, 1, 1], [], []>, transpose_lhs_hint = false} : vector<1000x64xf32>, vector<64x64xf32>, vector<1000x64xf32> -> vector<1000x64xf32>
    %concatenate3A_37 = tpu.concatenate %dot_general3A_33, %dot_general3A_36 in 1 : vector<1000x64xf32>, vector<1000x64xf32> -> vector<1000x128xf32>
    %swap3A = arith.constant 0 : index
    %swap3A_38 = arith.constant 0 : index
    %swap3A_39 = vector.load %arg8[%swap3A, %swap3A_38] : memref<1000x128xf32, #tpu.memory_space<vmem>>, vector<1000x128xf32>
    tpu.vector_store %arg8[%swap3A, %swap3A_38], %concatenate3A_37 {strides = array<i32>} : memref<1000x128xf32, #tpu.memory_space<vmem>>, vector<1000x128xf32>,
    %swap3A_40 = arith.constant 0 : index
    %swap3A_41 = arith.constant 0 : index
    %swap3A_42 = vector.load %arg9[%swap3A_40, %swap3A_41] : memref<1000x128xf32, #tpu.memory_space<vmem>>, vector<1000x128xf32>
    tpu.vector_store %arg9[%swap3A_40, %swap3A_41], %add3A_29 {strides = array<i32>} : memref<1000x128xf32, #tpu.memory_space<vmem>>, vector<1000x128xf32>,
    return
  }
  func.func @transform_0(%arg0: i32) -> (i32, i32) {
    %c0_i32 = arith.constant 0 : i32
    %c0_i32_0 = arith.constant 0 : i32
    return %arg0, %c0_i32 : i32, i32
  }
  func.func @transform_1(%arg0: i32) -> (i32, i32) {
    %c0_i32 = arith.constant 0 : i32
    %c0_i32_0 = arith.constant 0 : i32
    return %arg0, %c0_i32 : i32, i32
  }
  func.func @transform_2(%arg0: i32) -> (i32, i32) {
    %c0_i32 = arith.constant 0 : i32
    %c0_i32_0 = arith.constant 0 : i32
    return %arg0, %c0_i32 : i32, i32
  }
  func.func @transform_3(%arg0: i32) -> (i32, i32) {
    %c0_i32 = arith.constant 0 : i32
    %c0_i32_0 = arith.constant 0 : i32
    %c0_i32_1 = arith.constant 0 : i32
    return %c0_i32, %c0_i32_0 : i32, i32
  }
  func.func @transform_4(%arg0: i32) -> (i32, i32) {
    %c0_i32 = arith.constant 0 : i32
    %c0_i32_0 = arith.constant 0 : i32
    %c0_i32_1 = arith.constant 0 : i32
    return %c0_i32, %c0_i32_0 : i32, i32
  }
  func.func @transform_5(%arg0: i32) -> (i32, i32) {
    %c0_i32 = arith.constant 0 : i32
    %c0_i32_0 = arith.constant 0 : i32
    %c0_i32_1 = arith.constant 0 : i32
    return %c0_i32, %c0_i32_0 : i32, i32
  }
  func.func @transform_6(%arg0: i32) -> (i32, i32) {
    %c0_i32 = arith.constant 0 : i32
    %c0_i32_0 = arith.constant 0 : i32
    %c0_i32_1 = arith.constant 0 : i32
    return %c0_i32, %c0_i32_0 : i32, i32
  }
  func.func @transform_7(%arg0: i32) -> (i32, i32) {
    %c0_i32 = arith.constant 0 : i32
    %c0_i32_0 = arith.constant 0 : i32
    return %arg0, %c0_i32 : i32, i32
  }
  func.func @transform_8(%arg0: i32) -> (i32, i32) {
    %c0_i32 = arith.constant 0 : i32
    %c0_i32_0 = arith.constant 0 : i32
    return %arg0, %c0_i32 : i32, i32
  }
}

module attributes {stable_mosaic.version = 14 : i64} {
  func.func @_res_u_body(%arg0: i32, %arg1: memref<2000x128xf32, #tpu.memory_space<vmem>>, %arg2: memref<128x64xf32, #tpu.memory_space<vmem>>, %arg3: memref<1x64xf32, #tpu.memory_space<vmem>>, %arg4: memref<1000x128xf32, #tpu.memory_space<vmem>>) attributes {dimension_semantics = [#tpu.dimension_semantics<arbitrary>], iteration_bounds = array<i64: 5>, scalar_prefetch = 0 : i64, scratch_operands = 0 : i64, tpu.core_type = #tpu.core_type<tc>, window_params = [{transform_indices = @transform_0, window_bounds = array<i64: 2000, 128>}, {pipeline_mode = #tpu.pipeline_mode<synchronous>, transform_indices = @transform_1, window_bounds = array<i64: 128, 64>}, {pipeline_mode = #tpu.pipeline_mode<synchronous>, transform_indices = @transform_2, window_bounds = array<i64: 1, 64>}, {transform_indices = @transform_3, window_bounds = array<i64: 1000, 128>}]} {
    %get3A = arith.constant 0 : index
    %get3A_0 = arith.constant 0 : index
    %get3A_1 = vector.load %arg1[%get3A, %get3A_0] : memref<2000x128xf32, #tpu.memory_space<vmem>>, vector<2000x128xf32>
    %get3A_2 = arith.constant 0 : index
    %get3A_3 = arith.constant 0 : index
    %get3A_4 = vector.load %arg2[%get3A_2, %get3A_3] : memref<128x64xf32, #tpu.memory_space<vmem>>, vector<128x64xf32>
    %reshape3A = vector.shape_cast %get3A_1 : vector<2000x128xf32> to vector<1000x2x128xf32>
    %slice3A = vector.extract_strided_slice %reshape3A {offsets = [0, 0, 0], sizes = [1000, 1, 128], strides = [1, 1, 1]} : vector<1000x2x128xf32> to vector<1000x1x128xf32>
    %squeeze3A = vector.shape_cast %slice3A : vector<1000x1x128xf32> to vector<1000x128xf32>
    %dot_general3A = arith.constant dense<0.000000e+00> : vector<1000x64xf32>
    %dot_general3A_5 = tpu.matmul %squeeze3A, %get3A_4, %dot_general3A {dimension_numbers = #tpu.dot_dimension_numbers<[1], [0], [0], [1], [0, 0, 1, 1], [], []>, transpose_lhs_hint = false} : vector<1000x128xf32>, vector<128x64xf32>, vector<1000x64xf32> -> vector<1000x64xf32>
    %slice3A_6 = vector.extract_strided_slice %reshape3A {offsets = [0, 1, 0], sizes = [1000, 1, 128], strides = [1, 1, 1]} : vector<1000x2x128xf32> to vector<1000x1x128xf32>
    %squeeze3A_7 = vector.shape_cast %slice3A_6 : vector<1000x1x128xf32> to vector<1000x128xf32>
    %dot_general3A_8 = arith.constant dense<0.000000e+00> : vector<1000x64xf32>
    %dot_general3A_9 = tpu.matmul %squeeze3A_7, %get3A_4, %dot_general3A_8 {dimension_numbers = #tpu.dot_dimension_numbers<[1], [0], [0], [1], [0, 0, 1, 1], [], []>, transpose_lhs_hint = false} : vector<1000x128xf32>, vector<128x64xf32>, vector<1000x64xf32> -> vector<1000x64xf32>
    %concatenate3A = tpu.concatenate %dot_general3A_5, %dot_general3A_9 in 1 : vector<1000x64xf32>, vector<1000x64xf32> -> vector<1000x128xf32>
    %get3A_10 = arith.constant 0 : index
    %get3A_11 = arith.constant 0 : index
    %get3A_12 = vector.load %arg3[%get3A_10, %get3A_11] : memref<1x64xf32, #tpu.memory_space<vmem>>, vector<1x64xf32>
    %concatenate3A_13 = tpu.concatenate %get3A_12, %get3A_12 in 1 : vector<1x64xf32>, vector<1x64xf32> -> vector<1x128xf32>
    %add3A = vector.broadcast %concatenate3A_13 : vector<1x128xf32> to vector<1000x128xf32>
    %add3A_14 = arith.addf %concatenate3A, %add3A : vector<1000x128xf32>
    %max3A = arith.constant 0.000000e+00 : f32
    %max3A_15 = vector.broadcast %max3A : f32 to vector<1000x128xf32>
    %max3A_16 = arith.maximumf %add3A_14, %max3A_15 : vector<1000x128xf32>
    %swap3A = arith.constant 0 : index
    %swap3A_17 = arith.constant 0 : index
    %swap3A_18 = vector.load %arg4[%swap3A, %swap3A_17] : memref<1000x128xf32, #tpu.memory_space<vmem>>, vector<1000x128xf32>
    tpu.vector_store %arg4[%swap3A, %swap3A_17], %max3A_16 {strides = array<i32>} : memref<1000x128xf32, #tpu.memory_space<vmem>>, vector<1000x128xf32>,
    return
  }
  func.func @transform_0(%arg0: i32) -> (i32, i32) {
    %c0_i32 = arith.constant 0 : i32
    %c0_i32_0 = arith.constant 0 : i32
    return %arg0, %c0_i32 : i32, i32
  }
  func.func @transform_1(%arg0: i32) -> (i32, i32) {
    %c0_i32 = arith.constant 0 : i32
    %c0_i32_0 = arith.constant 0 : i32
    %c0_i32_1 = arith.constant 0 : i32
    return %c0_i32, %c0_i32_0 : i32, i32
  }
  func.func @transform_2(%arg0: i32) -> (i32, i32) {
    %c0_i32 = arith.constant 0 : i32
    %c0_i32_0 = arith.constant 0 : i32
    %c0_i32_1 = arith.constant 0 : i32
    return %c0_i32, %c0_i32_0 : i32, i32
  }
  func.func @transform_3(%arg0: i32) -> (i32, i32) {
    %c0_i32 = arith.constant 0 : i32
    %c0_i32_0 = arith.constant 0 : i32
    return %arg0, %c0_i32 : i32, i32
  }
}

module attributes {stable_mosaic.version = 14 : i64} {
  func.func @_res_p_body(%arg0: i32, %arg1: memref<1000x128xf32, #tpu.memory_space<vmem>>, %arg2: memref<64x64xf32, #tpu.memory_space<vmem>>, %arg3: memref<1x64xf32, #tpu.memory_space<vmem>>, %arg4: memref<1000x128xf32, #tpu.memory_space<vmem>>) attributes {dimension_semantics = [#tpu.dimension_semantics<arbitrary>], iteration_bounds = array<i64: 5>, scalar_prefetch = 0 : i64, scratch_operands = 0 : i64, tpu.core_type = #tpu.core_type<tc>, window_params = [{transform_indices = @transform_0, window_bounds = array<i64: 1000, 128>}, {pipeline_mode = #tpu.pipeline_mode<synchronous>, transform_indices = @transform_1, window_bounds = array<i64: 64, 64>}, {pipeline_mode = #tpu.pipeline_mode<synchronous>, transform_indices = @transform_2, window_bounds = array<i64: 1, 64>}, {transform_indices = @transform_3, window_bounds = array<i64: 1000, 128>}]} {
    %get3A = arith.constant 0 : index
    %get3A_0 = arith.constant 0 : index
    %get3A_1 = vector.load %arg1[%get3A, %get3A_0] : memref<1000x128xf32, #tpu.memory_space<vmem>>, vector<1000x128xf32>
    %get3A_2 = arith.constant 0 : index
    %get3A_3 = arith.constant 0 : index
    %get3A_4 = vector.load %arg2[%get3A_2, %get3A_3] : memref<64x64xf32, #tpu.memory_space<vmem>>, vector<64x64xf32>
    %slice3A = vector.extract_strided_slice %get3A_1 {offsets = [0, 0], sizes = [1000, 64], strides = [1, 1]} : vector<1000x128xf32> to vector<1000x64xf32>
    %dot_general3A = arith.constant dense<0.000000e+00> : vector<1000x64xf32>
    %dot_general3A_5 = tpu.matmul %slice3A, %get3A_4, %dot_general3A {dimension_numbers = #tpu.dot_dimension_numbers<[1], [0], [0], [1], [0, 0, 1, 1], [], []>, transpose_lhs_hint = false} : vector<1000x64xf32>, vector<64x64xf32>, vector<1000x64xf32> -> vector<1000x64xf32>
    %slice3A_6 = vector.extract_strided_slice %get3A_1 {offsets = [0, 64], sizes = [1000, 64], strides = [1, 1]} : vector<1000x128xf32> to vector<1000x64xf32>
    %dot_general3A_7 = arith.constant dense<0.000000e+00> : vector<1000x64xf32>
    %dot_general3A_8 = tpu.matmul %slice3A_6, %get3A_4, %dot_general3A_7 {dimension_numbers = #tpu.dot_dimension_numbers<[1], [0], [0], [1], [0, 0, 1, 1], [], []>, transpose_lhs_hint = false} : vector<1000x64xf32>, vector<64x64xf32>, vector<1000x64xf32> -> vector<1000x64xf32>
    %concatenate3A = tpu.concatenate %dot_general3A_5, %dot_general3A_8 in 1 : vector<1000x64xf32>, vector<1000x64xf32> -> vector<1000x128xf32>
    %get3A_9 = arith.constant 0 : index
    %get3A_10 = arith.constant 0 : index
    %get3A_11 = vector.load %arg3[%get3A_9, %get3A_10] : memref<1x64xf32, #tpu.memory_space<vmem>>, vector<1x64xf32>
    %concatenate3A_12 = tpu.concatenate %get3A_11, %get3A_11 in 1 : vector<1x64xf32>, vector<1x64xf32> -> vector<1x128xf32>
    %add3A = vector.broadcast %concatenate3A_12 : vector<1x128xf32> to vector<1000x128xf32>
    %add3A_13 = arith.addf %concatenate3A, %add3A : vector<1000x128xf32>
    %max3A = arith.constant 0.000000e+00 : f32
    %max3A_14 = vector.broadcast %max3A : f32 to vector<1000x128xf32>
    %max3A_15 = arith.maximumf %add3A_13, %max3A_14 : vector<1000x128xf32>
    %swap3A = arith.constant 0 : index
    %swap3A_16 = arith.constant 0 : index
    %swap3A_17 = vector.load %arg4[%swap3A, %swap3A_16] : memref<1000x128xf32, #tpu.memory_space<vmem>>, vector<1000x128xf32>
    tpu.vector_store %arg4[%swap3A, %swap3A_16], %max3A_15 {strides = array<i32>} : memref<1000x128xf32, #tpu.memory_space<vmem>>, vector<1000x128xf32>,
    return
  }
  func.func @transform_0(%arg0: i32) -> (i32, i32) {
    %c0_i32 = arith.constant 0 : i32
    %c0_i32_0 = arith.constant 0 : i32
    return %arg0, %c0_i32 : i32, i32
  }
  func.func @transform_1(%arg0: i32) -> (i32, i32) {
    %c0_i32 = arith.constant 0 : i32
    %c0_i32_0 = arith.constant 0 : i32
    %c0_i32_1 = arith.constant 0 : i32
    return %c0_i32, %c0_i32_0 : i32, i32
  }
  func.func @transform_2(%arg0: i32) -> (i32, i32) {
    %c0_i32 = arith.constant 0 : i32
    %c0_i32_0 = arith.constant 0 : i32
    %c0_i32_1 = arith.constant 0 : i32
    return %c0_i32, %c0_i32_0 : i32, i32
  }
  func.func @transform_3(%arg0: i32) -> (i32, i32) {
    %c0_i32 = arith.constant 0 : i32
    %c0_i32_0 = arith.constant 0 : i32
    return %arg0, %c0_i32 : i32, i32
  }
}

module attributes {stable_mosaic.version = 14 : i64} {
  func.func @_fin_body(%arg0: i32, %arg1: memref<1000x128xf32, #tpu.memory_space<vmem>>, %arg2: memref<1000x128xf32, #tpu.memory_space<vmem>>, %arg3: memref<1000x128xf32, #tpu.memory_space<vmem>>, %arg4: memref<1x64xf32, #tpu.memory_space<vmem>>, %arg5: memref<1x64xf32, #tpu.memory_space<vmem>>, %arg6: memref<1x64xf32, #tpu.memory_space<vmem>>, %arg7: memref<1000x128xf32, #tpu.memory_space<vmem>>) attributes {dimension_semantics = [#tpu.dimension_semantics<arbitrary>], iteration_bounds = array<i64: 5>, scalar_prefetch = 0 : i64, scratch_operands = 0 : i64, tpu.core_type = #tpu.core_type<tc>, window_params = [{transform_indices = @transform_0, window_bounds = array<i64: 1000, 128>}, {transform_indices = @transform_1, window_bounds = array<i64: 1000, 128>}, {transform_indices = @transform_2, window_bounds = array<i64: 1000, 128>}, {pipeline_mode = #tpu.pipeline_mode<synchronous>, transform_indices = @transform_3, window_bounds = array<i64: 1, 64>}, {pipeline_mode = #tpu.pipeline_mode<synchronous>, transform_indices = @transform_4, window_bounds = array<i64: 1, 64>}, {pipeline_mode = #tpu.pipeline_mode<synchronous>, transform_indices = @transform_5, window_bounds = array<i64: 1, 64>}, {transform_indices = @transform_6, window_bounds = array<i64: 1000, 128>}]} {
    %get3A = arith.constant 0 : index
    %get3A_0 = arith.constant 0 : index
    %get3A_1 = vector.load %arg1[%get3A, %get3A_0] : memref<1000x128xf32, #tpu.memory_space<vmem>>, vector<1000x128xf32>
    %get3A_2 = arith.constant 0 : index
    %get3A_3 = arith.constant 0 : index
    %get3A_4 = vector.load %arg2[%get3A_2, %get3A_3] : memref<1000x128xf32, #tpu.memory_space<vmem>>, vector<1000x128xf32>
    %add3A = arith.addf %get3A_1, %get3A_4 : vector<1000x128xf32>
    %get3A_5 = arith.constant 0 : index
    %get3A_6 = arith.constant 0 : index
    %get3A_7 = vector.load %arg4[%get3A_5, %get3A_6] : memref<1x64xf32, #tpu.memory_space<vmem>>, vector<1x64xf32>
    %concatenate3A = tpu.concatenate %get3A_7, %get3A_7 in 1 : vector<1x64xf32>, vector<1x64xf32> -> vector<1x128xf32>
    %add3A_8 = vector.broadcast %concatenate3A : vector<1x128xf32> to vector<1000x128xf32>
    %add3A_9 = arith.addf %add3A, %add3A_8 : vector<1000x128xf32>
    %max3A = arith.constant 0.000000e+00 : f32
    %max3A_10 = vector.broadcast %max3A : f32 to vector<1000x128xf32>
    %max3A_11 = arith.maximumf %add3A_9, %max3A_10 : vector<1000x128xf32>
    %get3A_12 = arith.constant 0 : index
    %get3A_13 = arith.constant 0 : index
    %get3A_14 = vector.load %arg3[%get3A_12, %get3A_13] : memref<1000x128xf32, #tpu.memory_space<vmem>>, vector<1000x128xf32>
    %add3A_15 = arith.addf %max3A_11, %get3A_14 : vector<1000x128xf32>
    %get3A_16 = arith.constant 0 : index
    %get3A_17 = arith.constant 0 : index
    %get3A_18 = vector.load %arg5[%get3A_16, %get3A_17] : memref<1x64xf32, #tpu.memory_space<vmem>>, vector<1x64xf32>
    %concatenate3A_19 = tpu.concatenate %get3A_18, %get3A_18 in 1 : vector<1x64xf32>, vector<1x64xf32> -> vector<1x128xf32>
    %mul3A = arith.constant 0.999994993 : f32
    %mul3A_20 = vector.broadcast %mul3A : f32 to vector<1000x128xf32>
    %mul3A_21 = arith.mulf %add3A_15, %mul3A_20 : vector<1000x128xf32>
    %mul3A_22 = vector.broadcast %concatenate3A_19 : vector<1x128xf32> to vector<1000x128xf32>
    %mul3A_23 = arith.mulf %mul3A_22, %mul3A_21 : vector<1000x128xf32>
    %get3A_24 = arith.constant 0 : index
    %get3A_25 = arith.constant 0 : index
    %get3A_26 = vector.load %arg6[%get3A_24, %get3A_25] : memref<1x64xf32, #tpu.memory_space<vmem>>, vector<1x64xf32>
    %concatenate3A_27 = tpu.concatenate %get3A_26, %get3A_26 in 1 : vector<1x64xf32>, vector<1x64xf32> -> vector<1x128xf32>
    %add3A_28 = vector.broadcast %concatenate3A_27 : vector<1x128xf32> to vector<1000x128xf32>
    %add3A_29 = arith.addf %mul3A_23, %add3A_28 : vector<1000x128xf32>
    %swap3A = arith.constant 0 : index
    %swap3A_30 = arith.constant 0 : index
    %swap3A_31 = vector.load %arg7[%swap3A, %swap3A_30] : memref<1000x128xf32, #tpu.memory_space<vmem>>, vector<1000x128xf32>
    tpu.vector_store %arg7[%swap3A, %swap3A_30], %add3A_29 {strides = array<i32>} : memref<1000x128xf32, #tpu.memory_space<vmem>>, vector<1000x128xf32>,
    return
  }
  func.func @transform_0(%arg0: i32) -> (i32, i32) {
    %c0_i32 = arith.constant 0 : i32
    %c0_i32_0 = arith.constant 0 : i32
    return %arg0, %c0_i32 : i32, i32
  }
  func.func @transform_1(%arg0: i32) -> (i32, i32) {
    %c0_i32 = arith.constant 0 : i32
    %c0_i32_0 = arith.constant 0 : i32
    return %arg0, %c0_i32 : i32, i32
  }
  func.func @transform_2(%arg0: i32) -> (i32, i32) {
    %c0_i32 = arith.constant 0 : i32
    %c0_i32_0 = arith.constant 0 : i32
    return %arg0, %c0_i32 : i32, i32
  }
  func.func @transform_3(%arg0: i32) -> (i32, i32) {
    %c0_i32 = arith.constant 0 : i32
    %c0_i32_0 = arith.constant 0 : i32
    %c0_i32_1 = arith.constant 0 : i32
    return %c0_i32, %c0_i32_0 : i32, i32
  }
  func.func @transform_4(%arg0: i32) -> (i32, i32) {
    %c0_i32 = arith.constant 0 : i32
    %c0_i32_0 = arith.constant 0 : i32
    %c0_i32_1 = arith.constant 0 : i32
    return %c0_i32, %c0_i32_0 : i32, i32
  }
  func.func @transform_5(%arg0: i32) -> (i32, i32) {
    %c0_i32 = arith.constant 0 : i32
    %c0_i32_0 = arith.constant 0 : i32
    %c0_i32_1 = arith.constant 0 : i32
    return %c0_i32, %c0_i32_0 : i32, i32
  }
  func.func @transform_6(%arg0: i32) -> (i32, i32) {
    %c0_i32 = arith.constant 0 : i32
    %c0_i32_0 = arith.constant 0 : i32
    return %arg0, %c0_i32 : i32, i32
  }
}

</mosaic_0001>

<sc_bundles>
// kernel: kernel.12.cloned.1.call-start
scs
__scs_entry_jumppad:
0x0: {  	(pc) =	sbr.rel $0x88, $3  }
0x1: {  	(tag) =	ssettag $0x0;
	lr =	simm.s32 $0x1  }
0x2: {  	[smem:$0x3F93] =	sst lr;
	_ =	strace $0xD0000000  }
0x3: {  	_ = 	snop  }
0x4: {  	_ = 	snop  }
0x5: {  	_ = 	snop  }
0x6: {  	_ = 	snop  }
0x7: {  	_ = 	snop  }
__scs_overlays_trampoline_lowered:
0x8: {  	[smem:$0x3FA2] =	sst s0  }
0x9: {  	[smem:$0x3FA3] =	sst s1  }
0xa: {  	[smem:$0x3FA4] =	sst s2  }
0xb: {  	[smem:$0x3FA5] =	sst s3  }
0xc: {  	[smem:$0x3FA6] =	sst s4  }
0xd: {  	[smem:$0x3FA7] =	sst s5  }
0xe: {  	[smem:$0x3FA8] =	sst s6  }
0xf: {  	[smem:$0x3FA9] =	sst s7  }
0x10: {  	[smem:$0x3FAA] =	sst s8  }
0x11: {  	[smem:$0x3FAB] =	sst s9;
	s0 =	simm.s32 @!p0 $0x0  }
0x12: {  	s1 =	sld [smem:$0x3F91];
	s0 =	simm.s32 @p0 $0x1  }
0x13: {  	[smem:$0x3FAC] =	sst s0;
	s0 =	simm.s32 @!p1 $0x0  }
0x14: {  	s2 =	sld [smem:$0x3F90];
	s0 =	simm.s32 @p1 $0x1  }
0x15: {  	[smem:$0x3FAD] =	sst s0;
	s0 =	simm.s32 @!p2 $0x0  }
0x16: {  	s3 =	sld [smem:$0x3FDB];
	s0 =	simm.s32 @p2 $0x1  }
0x17: {  	s4 =	simm.s32 $0x1BF5;
	[smem:$0x3FAF] =	sst s0  }
0x18: {  	s0 =	sld [smem:$0x3F92];
	_ =	swait.ge [sflag:s4], $0x0  }
0x19: {  	s7 =	sld [smem:$0x3F93]  }
0x1a: {  	s8 =	sadd.s32 $0xFFFFE003, lr  }
0x1b: {  	s9 =	sadd.s32 $0xFFFFFEF7, lr;
	s5 =	simm.s32 $0xFFFFFFFF;
	p2 =	slt.u32 s8, $0xFFFFF086  }
0x1c: {  	p1 =	slt.u32 s9, $0xF7A;
	s5 =	simm.s32 @!p2 $0x0  }
0x1d: {  	s5 =	simm.s32 @p1 $0x1;
	p0 =	seq.s32 s7, s2  }
0x1e: {  	s7 =	smul.u32 @!p0 $0xF7A, s2;
	p2 =	seq.s32 @!p0 s5, $0x0  }
0x1f: {  	s9 =	smul.u32 $0xF7A, s1;
	s8 =	simm.s32 @!p0 $0x1BF5;
	p2 =	por !p2, p0  }
0x20: {  	[sflag:s8] =	ssyncset.s32 @!p0 $0xFFFFF086;
	s6 =	sadd.s32 @!p0 s3, s7;
	s7 =	simm.s32 @!p0 $0x108  }
0x21: {  	s3 =	sadd.s32 s3, s9;
	s6 =	sadd.s32 @!p0 $0x88, s6;
	s7 =	simm.s32 @p2 $0x1082  }
0x22: {  	[simem:s7], [sflag:s8] =	dma.local @!p0 [hbm:s6], $0xF7A  }
0x23: {  	s9 =	sor.u32 $0xD0000000, s2;
	s6 =	simm.s32 $0x108;
	_ =	swait.ge @!p0 [sflag:s8], $0x0  }
0x24: {  	s3 =	sadd.s32 $0x88, s3;
	s6 =	simm.s32 @!p1 $0x1082;
	[sflag:s4] =	ssyncset.s32 $0xFFFFF086  }
0x25: {  	[simem:s6], [sflag:s4] =	dma.local [hbm:s3], $0xF7A  }
0x26: {  	[smem:$0x3F93] =	sst s1;
	(tag) =	ssettag s2;
	_ =	strace s9  }
0x27: {  	s1 =	sld [smem:$0x3FA3]  }
0x28: {  	s2 =	sld [smem:$0x3FA4]  }
0x29: {  	s4 =	sld [smem:$0x3FA6]  }
0x2a: {  	p0 =	seq.s32 s5, $0x0;
	s5 =	sld [smem:$0x3FA7]  }
0x2b: {  	s6 =	sld [smem:$0x3FA8]  }
0x2c: {  	s7 =	sld [smem:$0x3FA9]  }
0x2d: {  	s3 =	simm.s32 $0x108;
	s8 =	sld [smem:$0x3FAA]  }
0x2e: {  	s3 =	simm.s32 @!p0 $0x1082;
	s9 =	sld [smem:$0x3FAB]  }
0x2f: {  	lr =	sadd.s32 s0, s3;
	s0 =	sld [smem:$0x3FA2]  }
0x30: {  	s3 =	sld [smem:$0x3FA5]  }
0x31: {  	[smem:$0x3FAE] =	sst s10  }
0x32: {  	s10 =	sld [smem:$0x3FAC];
	_ =	sdelay $0x3  }
0x33: {  	p0 =	seq.s32 s10, $0x1;
	s10 =	sld [smem:$0x3FAE];
	_ =	sdelay $0x3  }
0x34: {  	[smem:$0x3FAE] =	sst s10  }
0x35: {  	s10 =	sld [smem:$0x3FAD];
	_ =	sdelay $0x3  }
0x36: {  	p1 =	seq.s32 s10, $0x1;
	s10 =	sld [smem:$0x3FAE];
	_ =	sdelay $0x3  }
0x37: {  	[smem:$0x3FAE] =	sst s10  }
0x38: {  	s10 =	sld [smem:$0x3FAF]  }
0x39: {  	_ = 	snop;
	(pc) =	sbr.ind lr, $3  }
0x3a: {  	_ = 	snop  }
0x3b: {  	_ = 	snop  }
0x3c: {  	p2 =	seq.s32 s10, $0x1;
	s10 =	sld [smem:$0x3FAE]  }
0x3d: {  	_ =	shalt  }
0x3e: {  	_ =	shalt  }
0x3f: {  	_ =	shalt  }
0x40: {  	_ =	shalt  }
0x41: {  	_ =	shalt  }
0x42: {  	_ =	shalt  }
0x43: {  	_ =	shalt  }
0x44: {  	_ =	shalt  }
0x45: {  	_ =	shalt  }
0x46: {  	_ =	shalt  }
0x47: {  	_ =	shalt  }
0x48: {  	_ =	shalt  }
0x49: {  	_ =	shalt  }
0x4a: {  	_ =	shalt  }
0x4b: {  	_ =	shalt  }
0x4c: {  	_ =	shalt  }
0x4d: {  	_ =	shalt  }
0x4e: {  	_ =	shalt  }
0x4f: {  	_ =	shalt  }
0x50: {  	_ =	shalt  }
0x51: {  	_ =	shalt  }
0x52: {  	_ =	shalt  }
0x53: {  	_ =	shalt  }
0x54: {  	_ =	shalt  }
0x55: {  	_ =	shalt  }
0x56: {  	_ =	shalt  }
0x57: {  	_ =	shalt  }
0x58: {  	_ =	shalt  }
0x59: {  	_ =	shalt  }
0x5a: {  	_ =	shalt  }
0x5b: {  	_ =	shalt  }
0x5c: {  	_ =	shalt  }
0x5d: {  	_ =	shalt  }
0x5e: {  	_ =	shalt  }
0x5f: {  	_ =	shalt  }
0x60: {  	_ =	shalt  }
0x61: {  	_ =	shalt  }
0x62: {  	_ =	shalt  }
0x63: {  	_ =	shalt  }
0x64: {  	_ =	shalt  }
0x65: {  	_ =	shalt  }
0x66: {  	_ =	shalt  }
0x67: {  	_ =	shalt  }
0x68: {  	_ =	shalt  }
0x69: {  	_ =	shalt  }
0x6a: {  	_ =	shalt  }
0x6b: {  	_ =	shalt  }
0x6c: {  	_ =	shalt  }
0x6d: {  	_ =	shalt  }
0x6e: {  	_ =	shalt  }
0x6f: {  	_ =	shalt  }
0x70: {  	_ =	shalt  }
0x71: {  	_ =	shalt  }
0x72: {  	_ =	shalt  }
0x73: {  	_ =	shalt  }
0x74: {  	_ =	shalt  }
0x75: {  	_ =	shalt  }
0x76: {  	_ =	shalt  }
0x77: {  	_ =	shalt  }
0x78: {  	_ =	shalt  }
0x79: {  	_ =	shalt  }
0x7a: {  	_ =	shalt  }
0x7b: {  	_ =	shalt  }
0x7c: {  	_ =	shalt  }
0x7d: {  	_ =	shalt  }
0x7e: {  	_ =	shalt  }
0x7f: {  	_ =	shalt  }
0x80: {  	_ =	shalt  }
0x81: {  	_ =	shalt  }
0x82: {  	_ =	shalt  }
0x83: {  	_ =	shalt  }
0x84: {  	_ =	shalt  }
0x85: {  	_ =	shalt  }
0x86: {  	_ =	shalt  }
0x87: {  	_ =	shalt  }
.Lfunc_end0:
.L_simem_size_0:
called_computation.1_lowered:
.L_overlay_start_0:
0x88: {  	s2 =	sld [smem:$0x3FD9]  }
0x89: {  	s3 =	sld [smem:$0x3FFE];
	_ =	sdelay $0x1  }
0x8a: {  	s1 =	srdreg.scid  }
0x8b: {  	s0 =	sand.u32 $0x1, s1  }
0x8c: {  	s17 =	sshll.u32 s0, $0xA;
	s2 =	sadd.s32 s3, s2  }
0x8d: {  	s2 =	sadd.s32 s2, s17  }
0x8e: {  	[smem:$0x3FBA] =	sst s2  }
0x8f: {  	_ = 	snop  }
0x90: {  	s2 =	sld [smem:$0x3FD0];
	(tm) =	ssettm $0x1  }
0x91: {  	s18 =	sld [smem:$0x3FFB];
	_ =	sdelay $0x3  }
0x92: {  	_ =	strace s18  }
0x93: {  	s3 =	sld [smem:$0x3FFC];
	_ =	sdelay $0x3  }
0x94: {  	_ =	strace s3  }
0x95: {  	s3 =	sld [smem:$0x3FFD];
	_ =	sdelay $0x3  }
0x96: {  	_ =	strace s3  }
0x97: {  	_ =	strace $0x8FFFFFFF  }
0x98: {  	s19 =	sld [smem:$0x3FDB];
	_ =	sdelay $0x1  }
0x99: {  	s4 =	simm.s32 $_scs_section_size  }
0x9a: {  	s5 =	simm.s32 $_size__tile_overlayer_lowered;
	s6 =	simm.s32 $_tile_overlayer_lowered  }
0x9b: {  	s22 =	simm.s32 $0x1BFF;
	s21 =	sshll.u32 s6, $0x1;
	s3 =	sadd.s32 s4, s19  }
0x9c: {  	s7 =	simm.s32 $0x0;
	s20 =	sshll.u32 s5, $0x1;
	s5 =	sadd.s32 s21, s3  }
0x9d: {  	[timem:s7], [sflag:s22] =	dma.local [hbm:s5], s20  }
0x9e: {  	_ =	swait.ge [sflag:s22], s20  }
0x9f: {  	s4 =	ssub.s32 $0x0, s20;
	[sflag:s22] =	ssyncset.done $0x0  }
0xa0: {  	[sflag:s22] =	ssyncadd.s32 s4;
	_ =	sdelay $0x1  }
0xa1: {  	s23 =	simm.s32 $0x1B8B  }
0xa2: {  	_ =	swait.ge [sflag:s23], $0x1  }
0xa3: {  	[sflag:s23] =	ssyncset.done $0x0  }
0xa4: {  	s25 =	simm.s32 $0x1B8E;
	s24 =	sld [smem:$0x3FFE];
	[sflag:s23] =	ssyncadd.s32 $0xFFFFFFFF  }
0xa5: {  	s26 =	simm.s32 $execute0_lowered;
	[smem:$0x3FD2] =	sst s25  }
0xa6: {  	s5 =	sshll.u32 s26, $0x1;
	_ =	strace $0x80000049;
	[dreg:$0x1] =	wrdreg $0xFFFFFFFF  }
0xa7: {  	s28 =	simm.s32 $_size_execute0_lowered;
	s3 =	sadd.s32 s3, s5;
	[dreg:$0x0] =	wrdreg $0x0  }
0xa8: {  	s5 =	sshll.u32 s28, $0x1;
	[dreg:$0x2] =	wrdreg s3  }
0xa9: {  	[dreg:$0x3] =	wrdreg s5  }
0xaa: {  	[dreg:$0x4] =	wrdreg $0xC0  }
0xab: {  	_ =	task [dreg:s7], $0x5FFFF  }
0xac: {  	[dreg:$0x1] =	wrdreg $0xFFFFFFFF  }
0xad: {  	[dreg:$0x0] =	wrdreg $0x60  }
0xae: {  	[dreg:$0x2] =	wrdreg s2  }
0xaf: {  	[dreg:$0x3] =	wrdreg s24  }
0xb0: {  	[dreg:$0x4] =	wrdreg $0x0  }
0xb1: {  	[dreg:$0x5] =	wrdreg $0x9  }
0xb2: {  	_ =	task.clear_ibuf [dreg:s7], $0x6FFFF;
	_ =	strace $0x90000049  }
0xb3: {  	s29 =	simm.s32 $0x9;
	_ =	strace $0x8000004B  }
0xb4: {  	_ =	swait.ge [sflag:s29], $0x1  }
0xb5: {  	[sflag:s29] =	ssyncadd.s32 $0xFFFFFFFF  }
0xb6: {  	_ =	strace $0x9000004B  }
0xb7: {  	_ =	sfence  }
0xb8: {  	s30 =	sld [smem:$0x0];
	_ =	sdelay $0x2  }
0xb9: {  	s31 =	sshll.u32 s1, $0xD;
	s1 =	sshrl.u32 s1, $0x2  }
0xba: {  	s3 =	sand.u32 $0x4000, s31;
	s1 =	sadd.s32 s1, s30  }
0xbb: {  	s0 =	sor.u32 s3, s0;
	s1 =	sshll.u32 s1, $0x11  }
0xbc: {  	s0 =	sor.u32 s1, s0  }
0xbd: {  	s0 =	sadd.s32 $0x8F2B, s0  }
0xbe: {  	[sflag:s0] =	ssyncadd.remote.s32 $0x1  }
0xbf: {  	_ =	sfence.sel $0xFFFF  }
0xc0: {  	[dreg:$0x0] =	wrdreg $0xFFFFFFFF;
	(pc) =	sbr.abs _section_cstart, $3  }
0xc1: {  	[dreg:$0x1] =	wrdreg $0xFFFFFFFF  }
0xc2: {  	_ =	task.clear_ibuf [dreg:s7], $0x2FFFF;
	_ =	strace $0x9FFFFFFF  }
0xc3: {  	(tm) =	ssettm $0x7FFFFFFF  }
tec
execute0_lowered:
.L_overlay_start_1:
0x0: {  	(tag) =	ssettag $0x1  }
0x1: {  	s0 =	rddreg [dreg:$0x0]  }
0x2: {  	s1 =	srdreg.scid;
	s2 =	rddreg [dreg:$0x1]  }
0x3: {  	s3 =	rddreg [dreg:$0x2];
	s11 =	stileid.u32;
	s4 =	simm.s32 $0x0  }
0x4: {  	s1 =	sand.u32 $0x1, s1;
	[smem:$0x7FF] =	sst s4;
	s6 =	smul.u32 $0x28000, s11  }
0x5: {  	s7 =	sadd.s32 $0x3600, s2;
	s16 =	smul.u32 $0xA000, s11;
	s5 =	sshll.u32 s1, $0x4  }
0x6: {  	_ =	strace $0x8000004A;
	s8 =	ssub.s32 $0x2, s1;
	s5 =	sor.u32 s11, s5  }
0x7: {  	s9 =	sshrl.u32 s8, $0x1;
	s6 =	sshrl.u32 s6, $0x2;
	s5 =	smul.u32 $0x2710, s5  }
0x8: {  	s20 =	sshrl.u32 s16, $0x3;
	s8 =	ssub.s32 s8, s9;
	s6 =	sadd.s32 s6, s3  }
0x9: {  	s9 =	sadd.s32 s16, s3;
	s8 =	smax.u32 s8, $0x1;
	s5 =	sshrl.u32 s5, $0x3  }
0xa: {  	s16 =	sadd.s32 $0x4800, s6;
	[dreg:$0xe] =	wrdreg s8;
	s5 =	sadd.s32 s7, s5  }
0xb: {  	[dreg:$0x19] =	wrdreg s16;
	s26 =	sadd.s32 $0x9C40, s5  }
0xc: {  	s10 =	sadd.s32 $0x9C4A, s5;
	[dreg:$0x4] =	wrdreg s26  }
0xd: {  	s12 =	sadd.s32 $0x9C54, s5;
	[dreg:$0x5] =	wrdreg s10  }
0xe: {  	s13 =	sadd.s32 $0x9C5E, s5;
	[dreg:$0x6] =	wrdreg s12  }
0xf: {  	s28 =	simm.s32 $0x50;
	s14 =	sadd.s32 $0x9C68, s5;
	[dreg:$0x7] =	wrdreg s13  }
0x10: {  	s29 =	simm.s32 $0x1;
	s15 =	sadd.s32 $0x9C72, s5;
	[dreg:$0x8] =	wrdreg s14  }
0x11: {  	p0 =	seq.s32 s1, $0x1;
	s17 =	sadd.s32 $0x9C86, s5;
	[dreg:$0x9] =	wrdreg s15  }
0x12: {  	s8 =	simm.s32 $0x2B000;
	s19 =	sadd.s32 $0x9C9A, s5;
	[dreg:$0xb] =	wrdreg s17  }
0x13: {  	s8 =	simm.s32 @!p0 $0x17000;
	s10 =	sadd.s32 $0x9C7C, s5;
	[dreg:$0xd] =	wrdreg s19  }
0x14: {  	s2 =	sadd.s32 s8, s2;
	s12 =	sadd.s32 $0x9C90, s5;
	[dreg:$0xa] =	wrdreg s10  }
0x15: {  	s18 =	smul.u32 $0x27100, s1;
	s1 =	sadd.s32 s2, s20;
	[dreg:$0xc] =	wrdreg s12  }
0x16: {  	s30 =	simm.s32 $0x3;
	s13 =	sadd.s32 $0x3000, s6;
	[dreg:$0xf] =	wrdreg s1  }
0x17: {  	s31 =	simm.s32 $0x0;
	s14 =	sadd.s32 $0x3800, s6;
	[dreg:$0x16] =	wrdreg s13  }
0x18: {  	s11 =	smul.u32 $0x2710, s11;
	s15 =	sadd.s32 $0x4000, s6;
	[dreg:$0x17] =	wrdreg s14  }
0x19: {  	s16 =	sadd.s32 $0x9000, s6;
	s17 =	sadd.s32 $0x5000, s6;
	[dreg:$0x18] =	wrdreg s15  }
0x1a: {  	s10 =	sadd.s32 s11, s18;
	s12 =	sadd.s32 $0x2800, s6;
	[dreg:$0x1a] =	wrdreg s17  }
0x1b: {  	s18 =	sadd.s32 $0x5800, s6;
	s13 =	sadd.s32 $0x7800, s6;
	s14 =	sadd.s32 $0x8000, s6  }
0x1c: {  	s15 =	sadd.s32 $0x8800, s6;
	s17 =	sadd.s32 $0x9800, s6;
	s11 =	sadd.s32 $0x4E520, s10  }
0x1d: {  	s21 =	sadd.s32 $0x4E660, s10;
	s24 =	sadd.s32 $0x4E610, s10;
	s25 =	sadd.s32 $0x4E5C0, s10  }
0x1e: {  	s26 =	sadd.s32 $0x4E570, s10;
	s10 =	sadd.s32 $0x1800, s6;
	[dreg:$0x15] =	wrdreg s12  }
0x1f: {  	[dreg:$0x1b] =	wrdreg s18;
	s22 =	sshrl.u32 s11, $0x3;
	s23 =	sshrl.u32 s21, $0x3  }
0x20: {  	s1 =	sshrl.u32 s24, $0x3;
	s2 =	sshrl.u32 s25, $0x3;
	s8 =	sshrl.u32 s26, $0x3  }
0x21: {  	[dreg:$0x13] =	wrdreg s10;
	s11 =	sadd.s32 $0x2000, s6;
	s24 =	sadd.s32 $0x6000, s6  }
0x22: {  	s25 =	sadd.s32 $0x6800, s6;
	s26 =	sadd.s32 $0x7000, s6;
	[dreg:$0x14] =	wrdreg s11  }
0x23: {  	s19 =	sadd.s32 s22, s7;
	s20 =	sadd.s32 s23, s7;
	[dreg:$0x1c] =	wrdreg s24  }
0x24: {  	s21 =	sadd.s32 s1, s7;
	s22 =	sadd.s32 s2, s7;
	[dreg:$0x1d] =	wrdreg s25  }
0x25: {  	s23 =	sadd.s32 s8, s7;
	s7 =	sadd.s32 $0x800, s6;
	[dreg:$0x1e] =	wrdreg s26  }
0x26: {  	s18 =	simm.s32 $0xA000;
	s8 =	sshrl.u32 s9, $0x3;
	[dreg:$0x10] =	wrdreg s7  }
0x27: {  	s9 =	sadd.s32 $0x1000, s6;
	s24 =	simm.s32 $0x4;
	[dreg:$0x11] =	wrdreg s8  }
0x28: {  	v0 =	vimm.f32 $0.0e+00;
	s25 =	simm.s32 $0x1F7C0;
	s26 =	simm.s32 $0x2;
	[dreg:$0x12] =	wrdreg s9  }
.LBB2_1:
0x29: {  	[tilespmem:s18], [sflag:$0x4] =	stream.linear.gather [hbm4b:s5+s4], $0x2710, $0x38;
	v63 =	vld [tilespmem:$0x0]  }
0x2a: {  	_ =	swait.ge [sflag:s24], $0x2710  }
0x2b: {  	[sflag:s24] =	ssyncset.done $0x0  }
0x2c: {  	s2 =	simm.s32 $0x100;
	s1 =	simm.s32 $0x0;
	[sflag:s24] =	ssyncadd.s32 $0xFFFFD8F0  }
.LBB2_2:
0x2d: {  	p0 =	sne.s32 s2, $0x1F00;
	[tilespmem:s1+$0x1F7F0] =	vst v0;
	s7 =	smov.u32 s2;
	s2 =	sadd.s32 $0x100, s2  }
.Ltmp0:
0x2e: {  	[tilespmem:s1+$0x1F7E0] =	vst v0;
	(pc) =	sbr.rel @p0 .LBB2_2-.Ltmp0, $3  }
0x2f: {  	[tilespmem:s1+$0x1F7C0] =	vst v0  }
0x30: {  	[tilespmem:s1+$0x1F7D0] =	vst v0;
	_ =	sdelay $0x1  }
0x31: {  	s1 =	sshra.s32 s7, $0x2  }
0x32: {  	[tilespmem:s1+$0x1F7F0] =	vst v0  }
0x33: {  	[tilespmem:s1+$0x1F7E0] =	vst v0  }
0x34: {  	[tilespmem:s1+$0x1F7C0] =	vst v0  }
0x35: {  	[tilespmem:s1+$0x1F7D0] =	vst v0  }
0x36: {  	[spmem:s6] =	stream.linear.scatter [tilespmem:s25], [sflag:$0x2], $0x800, $0x38;
	v63 =	vld [tilespmem:$0x0]  }
0x37: {  	s2 =	rddreg [dreg:$0x10]  }
0x38: {  	[spmem:s2] =	stream.linear.scatter [tilespmem:s25], [sflag:$0x2], $0x800, $0x38;
	v63 =	vld [tilespmem:$0x0]  }
0x39: {  	s7 =	rddreg [dreg:$0x12]  }
0x3a: {  	[spmem:s7] =	stream.linear.scatter [tilespmem:s25], [sflag:$0x2], $0x800, $0x38;
	v63 =	vld [tilespmem:$0x0]  }
0x3b: {  	s8 =	rddreg [dreg:$0x13]  }
0x3c: {  	[spmem:s8] =	stream.linear.scatter [tilespmem:s25], [sflag:$0x2], $0x800, $0x38;
	v63 =	vld [tilespmem:$0x0]  }
0x3d: {  	s9 =	rddreg [dreg:$0x14]  }
0x3e: {  	[spmem:s9] =	stream.linear.scatter [tilespmem:s25], [sflag:$0x2], $0x800, $0x38;
	v63 =	vld [tilespmem:$0x0]  }
0x3f: {  	s10 =	rddreg [dreg:$0x15]  }
0x40: {  	[spmem:s10] =	stream.linear.scatter [tilespmem:s25], [sflag:$0x2], $0x800, $0x38;
	v63 =	vld [tilespmem:$0x0]  }
0x41: {  	s11 =	rddreg [dreg:$0x16]  }
0x42: {  	[spmem:s11] =	stream.linear.scatter [tilespmem:s25], [sflag:$0x2], $0x800, $0x38;
	v63 =	vld [tilespmem:$0x0]  }
0x43: {  	s12 =	rddreg [dreg:$0x17]  }
0x44: {  	[spmem:s12] =	stream.linear.scatter [tilespmem:s25], [sflag:$0x2], $0x800, $0x38;
	v63 =	vld [tilespmem:$0x0]  }
0x45: {  	s2 =	rddreg [dreg:$0x18]  }
0x46: {  	[spmem:s2] =	stream.linear.scatter [tilespmem:s25], [sflag:$0x2], $0x800, $0x38;
	v63 =	vld [tilespmem:$0x0]  }
0x47: {  	s7 =	rddreg [dreg:$0x19]  }
0x48: {  	[spmem:s7] =	stream.linear.scatter [tilespmem:s25], [sflag:$0x2], $0x800, $0x38;
	v63 =	vld [tilespmem:$0x0]  }
0x49: {  	s8 =	rddreg [dreg:$0x1a]  }
0x4a: {  	[spmem:s8] =	stream.linear.scatter [tilespmem:s25], [sflag:$0x2], $0x800, $0x38;
	v63 =	vld [tilespmem:$0x0]  }
0x4b: {  	s9 =	rddreg [dreg:$0x1b]  }
0x4c: {  	[spmem:s9] =	stream.linear.scatter [tilespmem:s25], [sflag:$0x2], $0x800, $0x38;
	v63 =	vld [tilespmem:$0x0]  }
0x4d: {  	s10 =	rddreg [dreg:$0x1c]  }
0x4e: {  	[spmem:s10] =	stream.linear.scatter [tilespmem:s25], [sflag:$0x2], $0x800, $0x38;
	v63 =	vld [tilespmem:$0x0]  }
0x4f: {  	s11 =	rddreg [dreg:$0x1d]  }
0x50: {  	[spmem:s11] =	stream.linear.scatter [tilespmem:s25], [sflag:$0x2], $0x800, $0x38;
	v63 =	vld [tilespmem:$0x0]  }
0x51: {  	s12 =	rddreg [dreg:$0x1e]  }
0x52: {  	[spmem:s12] =	stream.linear.scatter [tilespmem:s25], [sflag:$0x2], $0x800, $0x38;
	v63 =	vld [tilespmem:$0x0]  }
0x53: {  	_ = 	snop  }
0x54: {  	[spmem:s13] =	stream.linear.scatter [tilespmem:s25], [sflag:$0x2], $0x800, $0x38;
	v63 =	vld [tilespmem:$0x0]  }
0x55: {  	_ = 	snop  }
0x56: {  	[spmem:s14] =	stream.linear.scatter [tilespmem:s25], [sflag:$0x2], $0x800, $0x38;
	v63 =	vld [tilespmem:$0x0]  }
0x57: {  	_ = 	snop  }
0x58: {  	[spmem:s15] =	stream.linear.scatter [tilespmem:s25], [sflag:$0x2], $0x800, $0x38;
	v63 =	vld [tilespmem:$0x0]  }
0x59: {  	_ = 	snop  }
0x5a: {  	[spmem:s16] =	stream.linear.scatter [tilespmem:s25], [sflag:$0x2], $0x800, $0x38;
	v63 =	vld [tilespmem:$0x0]  }
0x5b: {  	_ = 	snop  }
0x5c: {  	[spmem:s17] =	stream.linear.scatter [tilespmem:s25], [sflag:$0x2], $0x800, $0x38;
	v63 =	vld [tilespmem:$0x0]  }
0x5d: {  	_ =	swait.ge [sflag:s26], $0x800  }
0x5e: {  	[sflag:s26] =	ssyncset.done $0x0  }
0x5f: {  	[sflag:s26] =	ssyncadd.s32 $0xFFFFF800  }
0x60: {  	_ =	swait.ge [sflag:s26], $0x800  }
0x61: {  	[sflag:s26] =	ssyncset.done $0x0  }
0x62: {  	[sflag:s26] =	ssyncadd.s32 $0xFFFFF800  }
0x63: {  	_ =	swait.ge [sflag:s26], $0x800  }
0x64: {  	[sflag:s26] =	ssyncset.done $0x0  }
0x65: {  	[sflag:s26] =	ssyncadd.s32 $0xFFFFF800  }
0x66: {  	_ =	swait.ge [sflag:s26], $0x800  }
0x67: {  	[sflag:s26] =	ssyncset.done $0x0  }
0x68: {  	[sflag:s26] =	ssyncadd.s32 $0xFFFFF800  }
0x69: {  	_ =	swait.ge [sflag:s26], $0x800  }
0x6a: {  	[sflag:s26] =	ssyncset.done $0x0  }
0x6b: {  	[sflag:s26] =	ssyncadd.s32 $0xFFFFF800  }
0x6c: {  	_ =	swait.ge [sflag:s26], $0x800  }
0x6d: {  	[sflag:s26] =	ssyncset.done $0x0  }
0x6e: {  	[sflag:s26] =	ssyncadd.s32 $0xFFFFF800  }
0x6f: {  	_ =	swait.ge [sflag:s26], $0x800  }
0x70: {  	[sflag:s26] =	ssyncset.done $0x0  }
0x71: {  	[sflag:s26] =	ssyncadd.s32 $0xFFFFF800  }
0x72: {  	_ =	swait.ge [sflag:s26], $0x800  }
0x73: {  	[sflag:s26] =	ssyncset.done $0x0  }
0x74: {  	[sflag:s26] =	ssyncadd.s32 $0xFFFFF800  }
0x75: {  	_ =	swait.ge [sflag:s26], $0x800  }
0x76: {  	[sflag:s26] =	ssyncset.done $0x0  }
0x77: {  	[sflag:s26] =	ssyncadd.s32 $0xFFFFF800  }
0x78: {  	_ =	swait.ge [sflag:s26], $0x800  }
0x79: {  	[sflag:s26] =	ssyncset.done $0x0  }
0x7a: {  	[sflag:s26] =	ssyncadd.s32 $0xFFFFF800  }
0x7b: {  	_ =	swait.ge [sflag:s26], $0x800  }
0x7c: {  	[sflag:s26] =	ssyncset.done $0x0  }
0x7d: {  	[sflag:s26] =	ssyncadd.s32 $0xFFFFF800  }
0x7e: {  	_ =	swait.ge [sflag:s26], $0x800  }
0x7f: {  	[sflag:s26] =	ssyncset.done $0x0  }
0x80: {  	[sflag:s26] =	ssyncadd.s32 $0xFFFFF800  }
0x81: {  	_ =	swait.ge [sflag:s26], $0x800  }
0x82: {  	[sflag:s26] =	ssyncset.done $0x0  }
0x83: {  	[sflag:s26] =	ssyncadd.s32 $0xFFFFF800  }
0x84: {  	_ =	swait.ge [sflag:s26], $0x800  }
0x85: {  	[sflag:s26] =	ssyncset.done $0x0  }
0x86: {  	[sflag:s26] =	ssyncadd.s32 $0xFFFFF800  }
0x87: {  	_ =	swait.ge [sflag:s26], $0x800  }
0x88: {  	[sflag:s26] =	ssyncset.done $0x0  }
0x89: {  	[sflag:s26] =	ssyncadd.s32 $0xFFFFF800  }
0x8a: {  	_ =	swait.ge [sflag:s26], $0x800  }
0x8b: {  	[sflag:s26] =	ssyncset.done $0x0  }
0x8c: {  	[sflag:s26] =	ssyncadd.s32 $0xFFFFF800  }
0x8d: {  	_ =	swait.ge [sflag:s26], $0x800  }
0x8e: {  	[sflag:s26] =	ssyncset.done $0x0  }
0x8f: {  	[sflag:s26] =	ssyncadd.s32 $0xFFFFF800  }
0x90: {  	_ =	swait.ge [sflag:s26], $0x800  }
0x91: {  	[sflag:s26] =	ssyncset.done $0x0  }
0x92: {  	[sflag:s26] =	ssyncadd.s32 $0xFFFFF800  }
0x93: {  	_ =	swait.ge [sflag:s26], $0x800  }
0x94: {  	[sflag:s26] =	ssyncset.done $0x0  }
0x95: {  	[sflag:s26] =	ssyncadd.s32 $0xFFFFF800  }
0x96: {  	_ =	swait.ge [sflag:s26], $0x800  }
0x97: {  	[sflag:s26] =	ssyncset.done $0x0  }
0x98: {  	[sflag:s26] =	ssyncadd.s32 $0xFFFFF800  }
0x99: {  	s2 =	simm.s32 $0xCBC0;
	[bflag:$0x0] =	sbarrier.arrive $0xFFFF  }
0x9a: {  	[tilespmem:s2], [sflag:$0x1] =	stream.indirect.gather [hbm4b:s0+s28], $0x40, s18, s28, $0xb8;
	v63 =	vld [tilespmem:$0x0]  }
0x9b: {  	s1 =	simm.s32 $0x0;
	s7 =	simm.s32 $0xC710;
	s2 =	rddreg [dreg:$0x4]  }
0x9c: {  	[tilespmem:s7], [sflag:$0x3] =	stream.linear.gather [hbm4b:s2+s1], $0x50, $0x38;
	v63 =	vld [tilespmem:$0x0]  }
0x9d: {  	s8 =	simm.s32 $0xDFC0;
	s7 =	simm.s32 $0xA050  }
0x9e: {  	[tilespmem:s8], [sflag:$0x1] =	stream.indirect.gather [hbm4b:s0+s28], $0x40, s7, s28, $0xb8;
	v63 =	vld [tilespmem:$0x0]  }
0x9f: {  	s10 =	simm.s32 $0xC760;
	s9 =	rddreg [dreg:$0x5]  }
0xa0: {  	[tilespmem:s10], [sflag:$0x3] =	stream.linear.gather [hbm4b:s9+s1], $0x50, $0x38;
	v63 =	vld [tilespmem:$0x0]  }
0xa1: {  	s11 =	simm.s32 $0xA0A0;
	s12 =	simm.s32 $0xF3C0  }
0xa2: {  	[tilespmem:s12], [sflag:$0x1] =	stream.indirect.gather [hbm4b:s0+s28], $0x40, s11, s28, $0xb8;
	v63 =	vld [tilespmem:$0x0]  }
0xa3: {  	s7 =	rddreg [dreg:$0x6];
	s8 =	simm.s32 $0xC7B0  }
0xa4: {  	[tilespmem:s8], [sflag:$0x3] =	stream.linear.gather [hbm4b:s7+s1], $0x50, $0x38;
	v63 =	vld [tilespmem:$0x0]  }
0xa5: {  	s9 =	simm.s32 $0xA0F0;
	s10 =	simm.s32 $0x107C0  }
0xa6: {  	[tilespmem:s10], [sflag:$0x1] =	stream.indirect.gather [hbm4b:s0+s28], $0x40, s9, s28, $0xb8;
	v63 =	vld [tilespmem:$0x0]  }
0xa7: {  	s11 =	rddreg [dreg:$0x7];
	s12 =	simm.s32 $0xC800  }
0xa8: {  	[tilespmem:s12], [sflag:$0x3] =	stream.linear.gather [hbm4b:s11+s1], $0x50, $0x38;
	v63 =	vld [tilespmem:$0x0]  }
0xa9: {  	s7 =	simm.s32 $0xA140;
	s8 =	simm.s32 $0x11BC0  }
0xaa: {  	[tilespmem:s8], [sflag:$0x1] =	stream.indirect.gather [hbm4b:s0+s28], $0x40, s7, s28, $0xb8;
	v63 =	vld [tilespmem:$0x0]  }
0xab: {  	s9 =	rddreg [dreg:$0x8];
	s10 =	simm.s32 $0xC850  }
0xac: {  	[tilespmem:s10], [sflag:$0x3] =	stream.linear.gather [hbm4b:s9+s1], $0x50, $0x38;
	v63 =	vld [tilespmem:$0x0]  }
0xad: {  	s11 =	simm.s32 $0xA190;
	s12 =	simm.s32 $0x12FC0  }
0xae: {  	[tilespmem:s12], [sflag:$0x1] =	stream.indirect.gather [hbm4b:s0+s28], $0x40, s11, s28, $0xb8;
	v63 =	vld [tilespmem:$0x0]  }
0xaf: {  	s7 =	rddreg [dreg:$0x9];
	s8 =	simm.s32 $0xC8A0  }
0xb0: {  	[tilespmem:s8], [sflag:$0x3] =	stream.linear.gather [hbm4b:s7+s1], $0x50, $0x38;
	v63 =	vld [tilespmem:$0x0]  }
0xb1: {  	s9 =	simm.s32 $0xA1E0;
	s10 =	simm.s32 $0x143C0  }
0xb2: {  	[tilespmem:s10], [sflag:$0x1] =	stream.indirect.gather [hbm4b:s0+s28], $0x40, s9, s28, $0xb8;
	v63 =	vld [tilespmem:$0x0]  }
0xb3: {  	s11 =	rddreg [dreg:$0xa];
	s12 =	simm.s32 $0xC8F0  }
0xb4: {  	[tilespmem:s12], [sflag:$0x3] =	stream.linear.gather [hbm4b:s11+s1], $0x50, $0x38;
	v63 =	vld [tilespmem:$0x0]  }
0xb5: {  	s7 =	simm.s32 $0xA230;
	s8 =	simm.s32 $0x157C0  }
0xb6: {  	[tilespmem:s8], [sflag:$0x1] =	stream.indirect.gather [hbm4b:s0+s28], $0x40, s7, s28, $0xb8;
	v63 =	vld [tilespmem:$0x0]  }
0xb7: {  	s9 =	rddreg [dreg:$0xb];
	s10 =	simm.s32 $0xC940  }
0xb8: {  	[tilespmem:s10], [sflag:$0x3] =	stream.linear.gather [hbm4b:s9+s1], $0x50, $0x38;
	v63 =	vld [tilespmem:$0x0]  }
0xb9: {  	s11 =	simm.s32 $0xA280;
	s12 =	simm.s32 $0x16BC0  }
0xba: {  	[tilespmem:s12], [sflag:$0x1] =	stream.indirect.gather [hbm4b:s0+s28], $0x40, s11, s28, $0xb8;
	v63 =	vld [tilespmem:$0x0]  }
0xbb: {  	s7 =	rddreg [dreg:$0xc];
	s8 =	simm.s32 $0xC990  }
0xbc: {  	[tilespmem:s8], [sflag:$0x3] =	stream.linear.gather [hbm4b:s7+s1], $0x50, $0x38;
	v63 =	vld [tilespmem:$0x0]  }
0xbd: {  	s2 =	simm.s32 $0xA460;
	s9 =	simm.s32 $0xA2D0;
	s10 =	simm.s32 $0x17FC0  }
0xbe: {  	[tilespmem:s10], [sflag:$0x1] =	stream.indirect.gather [hbm4b:s0+s28], $0x40, s9, s28, $0xb8;
	v63 =	vld [tilespmem:$0x0]  }
0xbf: {  	s11 =	rddreg [dreg:$0xd];
	s12 =	simm.s32 $0xC9E0;
	s7 =	simm.s32 $0x0  }
0xc0: {  	[tilespmem:s12], [sflag:$0x3] =	stream.linear.gather [hbm4b:s11+s1], $0x50, $0x38;
	v63 =	vld [tilespmem:$0x0]  }
.LBB2_4:
0xc1: {  	p0 =	seq.s32 s1, $0x0  }
0xc2: {  	s9 =	simm.s32 @!p0 $0x2  }
0xc3: {  	_ =	swait.ge @!p0 [sflag:s9], $0x1400  }
0xc4: {  	[sflag:s9] =	ssyncset.done @!p0 $0x0  }
0xc5: {  	[sflag:s9] =	ssyncadd.s32 @!p0 $0xFFFFEC00  }
0xc6: {  	_ =	swait.ge @!p0 [sflag:s9], $0x1400  }
0xc7: {  	[sflag:s9] =	ssyncset.done @!p0 $0x0  }
0xc8: {  	[sflag:s9] =	ssyncadd.s32 @!p0 $0xFFFFEC00  }
0xc9: {  	_ =	swait.ge @!p0 [sflag:s9], $0x1400  }
0xca: {  	[sflag:s9] =	ssyncset.done @!p0 $0x0  }
0xcb: {  	[sflag:s9] =	ssyncadd.s32 @!p0 $0xFFFFEC00  }
0xcc: {  	_ =	swait.ge @!p0 [sflag:s9], $0x1400  }
0xcd: {  	[sflag:s9] =	ssyncset.done @!p0 $0x0  }
0xce: {  	[sflag:s9] =	ssyncadd.s32 @!p0 $0xFFFFEC00  }
0xcf: {  	s8 =	smul.u32 $0xAB, s7;
	p1 =	sgt.u32 @!p0 s7, $0x16;
	_ =	swait.ge @!p0 [sflag:s9], $0x1400  }
0xd0: {  	p1 =	por p0, !p1;
	[sflag:s9] =	ssyncset.done @!p0 $0x0  }
0xd1: {  	[sflag:s9] =	ssyncadd.s32 @!p0 $0xFFFFEC00;
	s9 =	sadd.s32 @p1 $0x156, s8  }
0xd2: {  	s9 =	sshrl.u32 @p1 s9, $0x9  }
0xd3: {  	s9 =	sand.u32 @p1 $0x7F, s9  }
0xd4: {  	s9 =	smul.u32 @p1 $0x3, s9;
	_ =	sdelay $0x1  }
0xd5: {  	s9 =	ssub.s32 @p1 s7, s9  }
0xd6: {  	s9 =	sadd.s32 @p1 $0x2, s9  }
0xd7: {  	s9 =	sand.u32 @p1 $0xFF, s9  }
0xd8: {  	s10 =	smul.u32 @p1 $0x19000, s9  }
0xd9: {  	s9 =	smul.u32 @p1 $0x640, s9  }
0xda: {  	s10 =	sshrl.u32 @p1 s10, $0x2  }
0xdb: {  	s12 =	sadd.s32 @p1 $0xFFFFFEC0, s2;
	s9 =	sshrl.u32 @p1 s9, $0x2;
	s11 =	sadd.s32 @p1 $0xCBC0, s10  }
0xdc: {  	[tilespmem:s11], [sflag:$0x1] =	stream.indirect.gather @p1 [hbm4b:s0+s28], $0x40, s12, s28, $0xb8;
	v63 =	vld [tilespmem:$0x0]  }
0xdd: {  	s11 =	sadd.s32 @p1 $0xC710, s9;
	s12 =	sadd.s32 @p1 s1, s19  }
0xde: {  	[tilespmem:s11], [sflag:$0x3] =	stream.linear.gather @p1 [hbm4b:s12+s4], $0x50, $0x38;
	v63 =	vld [tilespmem:$0x0]  }
0xdf: {  	s11 =	sadd.s32 @p1 $0xDFC0, s10;
	s12 =	sadd.s32 @p1 $0xFFFFFF10, s2  }
0xe0: {  	[tilespmem:s11], [sflag:$0x1] =	stream.indirect.gather @p1 [hbm4b:s0+s28], $0x40, s12, s28, $0xb8;
	v63 =	vld [tilespmem:$0x0]  }
0xe1: {  	s11 =	sadd.s32 @p1 $0xC760, s9;
	s12 =	sadd.s32 @p1 s1, s23  }
0xe2: {  	[tilespmem:s11], [sflag:$0x3] =	stream.linear.gather @p1 [hbm4b:s12+s4], $0x50, $0x38;
	v63 =	vld [tilespmem:$0x0]  }
0xe3: {  	s11 =	sadd.s32 @p1 $0xF3C0, s10;
	s12 =	sadd.s32 @p1 $0xFFFFFF60, s2  }
0xe4: {  	[tilespmem:s11], [sflag:$0x1] =	stream.indirect.gather @p1 [hbm4b:s0+s28], $0x40, s12, s28, $0xb8;
	v63 =	vld [tilespmem:$0x0]  }
0xe5: {  	s11 =	sadd.s32 @p1 $0xC7B0, s9;
	s12 =	sadd.s32 @p1 s1, s22  }
0xe6: {  	[tilespmem:s11], [sflag:$0x3] =	stream.linear.gather @p1 [hbm4b:s12+s4], $0x50, $0x38;
	v63 =	vld [tilespmem:$0x0]  }
0xe7: {  	s11 =	sadd.s32 @p1 $0x107C0, s10;
	s12 =	sadd.s32 @p1 $0xFFFFFFB0, s2  }
0xe8: {  	[tilespmem:s11], [sflag:$0x1] =	stream.indirect.gather @p1 [hbm4b:s0+s28], $0x40, s12, s28, $0xb8;
	v63 =	vld [tilespmem:$0x0]  }
0xe9: {  	s11 =	sadd.s32 @p1 $0xC800, s9;
	s12 =	sadd.s32 @p1 s1, s21  }
0xea: {  	[tilespmem:s11], [sflag:$0x3] =	stream.linear.gather @p1 [hbm4b:s12+s4], $0x50, $0x38;
	v63 =	vld [tilespmem:$0x0]  }
0xeb: {  	s10 =	sadd.s32 @p1 $0x11BC0, s10  }
0xec: {  	[tilespmem:s10], [sflag:$0x1] =	stream.indirect.gather @p1 [hbm4b:s0+s28], $0x40, s2, s28, $0xb8;
	v63 =	vld [tilespmem:$0x0]  }
0xed: {  	s9 =	sadd.s32 @p1 $0xC850, s9;
	s10 =	sadd.s32 @p1 s1, s20  }
0xee: {  	[tilespmem:s9], [sflag:$0x3] =	stream.linear.gather @p1 [hbm4b:s10+s4], $0x50, $0x38;
	v63 =	vld [tilespmem:$0x0]  }
0xef: {  	_ =	swait.ge [sflag:s29], $0x1400  }
0xf0: {  	[sflag:s29] =	ssyncset.done $0x0  }
0xf1: {  	[sflag:s29] =	ssyncadd.s32 $0xFFFFEC00  }
0xf2: {  	_ =	swait.ge [sflag:s30], $0x50  }
0xf3: {  	[sflag:s30] =	ssyncset.done $0x0  }
0xf4: {  	[sflag:s30] =	ssyncadd.s32 $0xFFFFFFB0  }
0xf5: {  	_ =	swait.ge [sflag:s29], $0x1400  }
0xf6: {  	[sflag:s29] =	ssyncset.done $0x0  }
0xf7: {  	[sflag:s29] =	ssyncadd.s32 $0xFFFFEC00  }
0xf8: {  	_ =	swait.ge [sflag:s30], $0x50  }
0xf9: {  	[sflag:s30] =	ssyncset.done $0x0  }
0xfa: {  	[sflag:s30] =	ssyncadd.s32 $0xFFFFFFB0  }
0xfb: {  	_ =	swait.ge [sflag:s29], $0x1400  }
0xfc: {  	[sflag:s29] =	ssyncset.done $0x0  }
0xfd: {  	[sflag:s29] =	ssyncadd.s32 $0xFFFFEC00  }
0xfe: {  	_ =	swait.ge [sflag:s30], $0x50  }
0xff: {  	[sflag:s30] =	ssyncset.done $0x0  }
0x100: {  	[sflag:s30] =	ssyncadd.s32 $0xFFFFFFB0  }
0x101: {  	_ =	swait.ge [sflag:s29], $0x1400  }
0x102: {  	s8 =	sshrl.u32 s8, $0x9;
	[sflag:s29] =	ssyncset.done $0x0  }
0x103: {  	s8 =	sand.u32 $0x7F, s8;
	[sflag:s29] =	ssyncadd.s32 $0xFFFFEC00  }
0x104: {  	s8 =	smul.u32 $0x3, s8;
	_ =	swait.ge [sflag:s30], $0x50  }
0x105: {  	[sflag:s30] =	ssyncset.done $0x0  }
0x106: {  	s8 =	ssub.s32 s7, s8;
	[sflag:s30] =	ssyncadd.s32 $0xFFFFFFB0  }
0x107: {  	s8 =	sand.u32 $0xFF, s8;
	_ =	swait.ge [sflag:s29], $0x1400  }
0x108: {  	s10 =	smul.u32 $0x19000, s8;
	[sflag:s29] =	ssyncset.done $0x0  }
0x109: {  	s8 =	smul.u32 $0x640, s8;
	[sflag:s29] =	ssyncadd.s32 $0xFFFFEC00  }
0x10a: {  	_ =	swait.ge [sflag:s30], $0x50  }
0x10b: {  	s9 =	sshrl.u32 s10, $0x2;
	s8 =	sshrl.u32 s8, $0x2;
	[sflag:s30] =	ssyncset.done $0x0  }
0x10c: {  	s11 =	sadd.s32 $0xCBC0, s9;
	s12 =	sadd.s32 $0xC710, s8;
	[sflag:s30] =	ssyncadd.s32 $0xFFFFFFB0  }
0x10d: {  	[spmem:s3] =	stream.indirect.scatter.add.f32 [tilespmem:s11], [sflag:$0x2], $0x40, s12, s28, $0xb8;
	v63 =	vld [tilespmem:$0x0]  }
0x10e: {  	s1 =	sadd.s32 $0x32, s1;
	s11 =	sadd.s32 $0xDFC0, s9;
	s12 =	sadd.s32 $0xC760, s8  }
0x10f: {  	[spmem:s3] =	stream.indirect.scatter.add.f32 [tilespmem:s11], [sflag:$0x2], $0x40, s12, s28, $0xb8;
	v63 =	vld [tilespmem:$0x0]  }
0x110: {  	p0 =	sne.s32 s1, $0x4E2;
	s11 =	sadd.s32 $0xF3C0, s9;
	s12 =	sadd.s32 $0xC7B0, s8  }
0x111: {  	[spmem:s3] =	stream.indirect.scatter.add.f32 [tilespmem:s11], [sflag:$0x2], $0x40, s12, s28, $0xb8;
	v63 =	vld [tilespmem:$0x0]  }
.Ltmp1:
0x112: {  	_ = 	snop;
	(pc) =	sbr.rel @p0 .LBB2_4-.Ltmp1, $4  }
0x113: {  	s7 =	sadd.s32 $0x1, s7;
	s11 =	sadd.s32 $0x107C0, s9;
	s12 =	sadd.s32 $0xC800, s8  }
0x114: {  	[spmem:s3] =	stream.indirect.scatter.add.f32 [tilespmem:s11], [sflag:$0x2], $0x40, s12, s28, $0xb8;
	v63 =	vld [tilespmem:$0x0]  }
0x115: {  	s2 =	sadd.s32 $0x190, s2;
	s9 =	sadd.s32 $0x11BC0, s9;
	s8 =	sadd.s32 $0xC850, s8  }
0x116: {  	[spmem:s3] =	stream.indirect.scatter.add.f32 [tilespmem:s9], [sflag:$0x2], $0x40, s8, s28, $0xb8;
	v63 =	vld [tilespmem:$0x0]  }
0x117: {  	_ =	swait.ge [sflag:s26], $0x1400  }
0x118: {  	[sflag:s26] =	ssyncset.done $0x0  }
0x119: {  	[sflag:s26] =	ssyncadd.s32 $0xFFFFEC00  }
0x11a: {  	_ =	swait.ge [sflag:s26], $0x1400  }
0x11b: {  	[sflag:s26] =	ssyncset.done $0x0  }
0x11c: {  	[sflag:s26] =	ssyncadd.s32 $0xFFFFEC00  }
0x11d: {  	_ =	swait.ge [sflag:s26], $0x1400  }
0x11e: {  	[sflag:s26] =	ssyncset.done $0x0  }
0x11f: {  	[sflag:s26] =	ssyncadd.s32 $0xFFFFEC00  }
0x120: {  	_ =	swait.ge [sflag:s26], $0x1400  }
0x121: {  	[sflag:s26] =	ssyncset.done $0x0  }
0x122: {  	[sflag:s26] =	ssyncadd.s32 $0xFFFFEC00  }
0x123: {  	_ =	swait.ge [sflag:s26], $0x1400  }
0x124: {  	[sflag:s26] =	ssyncset.done $0x0  }
0x125: {  	[sflag:s26] =	ssyncadd.s32 $0xFFFFEC00  }
0x126: {  	s1 =	stileid.u32;
	[bflag:$0x0] =	sbarrier.arrive $0xFFFF  }
0x127: {  	s1 =	sshll.u32 s1, $0x6;
	s2 =	rddreg [dreg:$0xf]  }
0x128: {  	s1 =	sor.u32 $0x1C04, s1;
	s7 =	rddreg [dreg:$0x11]  }
0x129: {  	[hbm:s2], [sflag:s1] =	dma.local [spmem:s7], $0x1400  }
0x12a: {  	_ =	swait.ge [sflag:s24], $0x1400  }
0x12b: {  	s31 =	sadd.s32 $0x1, s31;
	s12 =	rddreg [dreg:$0xe]  }
0x12c: {  	p0 =	sne.s32 s31, s12  }
.Ltmp2:
0x12d: {  	_ = 	snop;
	(pc) =	sbr.rel @p0 .LBB2_1-.Ltmp2, $3  }
0x12e: {  	_ =	sdelay $0x1  }
0x12f: {  	[sflag:s24] =	ssyncset.done $0x0  }
0x130: {  	[sflag:s24] =	ssyncadd.s32 $0xFFFFEC00  }
0x131: {  	_ =	sfence.sel $0x180000  }
0x132: {  	[bflag:$0x0] =	sbarrier.arrive $0xFFFF  }
0x133: {  	_ =	strace $0x9000004A  }
0x134: {  	s0 =	stileid.u32;
	[bflag:$0x2] =	sbarrier.arrive $0xFFFF  }
0x135: {  	p0 =	sne.s32 s0, $0x0;
	s0 =	rddreg [dreg:$0x3]  }
0x136: {  	s0 =	sadd.s32 @!p0 $0x100000, s0  }
0x137: {  	[sflag:s0] =	ssyncadd.tile.s32 @!p0 $0x1;
	_ =	shalt  }
.Lfunc_end2:
_tile_overlayer_lowered:
.L_overlay_start_2:
0x138: {  	(tag) =	ssettag $0x2  }
0x139: {  	s0 =	rddreg [dreg:$0x0];
	s2 =	stileid.u32  }
0x13a: {  	s1 =	rddreg [dreg:$0x1];
	p0 =	sne.s32 s2, $0x0  }
0x13b: {  	s3 =	rddreg [dreg:$0x2];
	[bflag:$0x3] =	sbarrier.arrive $0xFFFF;
	s2 =	simm.s32 @!p0 $0x1C04  }
0x13c: {  	[timem:s3], [sflag:s2] =	dma.local @!p0 [hbm:s0], s1  }
0x13d: {  	s0 =	simm.s32 @!p0 $0x4  }
0x13e: {  	_ =	swait.ge @!p0 [sflag:s0], s1  }
0x13f: {  	s1 =	ssub.s32 @!p0 $0x0, s1;
	[sflag:s0] =	ssyncset.done @!p0 $0x0  }
0x140: {  	[sflag:s0] =	ssyncadd.s32 @!p0 s1  }
0x141: {  	[bflag:$0x3] =	sbarrier.arrive $0xFFFF  }
0x142: {  	_ =	shalt  }

// kernel: kernel.9.cloned.1.call-start
scs
__scs_entry_jumppad:
0x0: {  	(pc) =	sbr.rel $0x88, $3  }
0x1: {  	(tag) =	ssettag $0x0;
	lr =	simm.s32 $0x1  }
0x2: {  	[smem:$0x3F93] =	sst lr;
	_ =	strace $0xD0000000  }
0x3: {  	_ = 	snop  }
0x4: {  	_ = 	snop  }
0x5: {  	_ = 	snop  }
0x6: {  	_ = 	snop  }
0x7: {  	_ = 	snop  }
__scs_overlays_trampoline_lowered:
0x8: {  	[smem:$0x3FA2] =	sst s0  }
0x9: {  	[smem:$0x3FA3] =	sst s1  }
0xa: {  	[smem:$0x3FA4] =	sst s2  }
0xb: {  	[smem:$0x3FA5] =	sst s3  }
0xc: {  	[smem:$0x3FA6] =	sst s4  }
0xd: {  	[smem:$0x3FA7] =	sst s5  }
0xe: {  	[smem:$0x3FA8] =	sst s6  }
0xf: {  	[smem:$0x3FA9] =	sst s7  }
0x10: {  	[smem:$0x3FAA] =	sst s8  }
0x11: {  	[smem:$0x3FAB] =	sst s9;
	s0 =	simm.s32 @!p0 $0x0  }
0x12: {  	s1 =	sld [smem:$0x3F91];
	s0 =	simm.s32 @p0 $0x1  }
0x13: {  	[smem:$0x3FAC] =	sst s0;
	s0 =	simm.s32 @!p1 $0x0  }
0x14: {  	s2 =	sld [smem:$0x3F90];
	s0 =	simm.s32 @p1 $0x1  }
0x15: {  	[smem:$0x3FAD] =	sst s0;
	s0 =	simm.s32 @!p2 $0x0  }
0x16: {  	s3 =	sld [smem:$0x3FDB];
	s0 =	simm.s32 @p2 $0x1  }
0x17: {  	s4 =	simm.s32 $0x1BF5;
	[smem:$0x3FAF] =	sst s0  }
0x18: {  	s0 =	sld [smem:$0x3F92];
	_ =	swait.ge [sflag:s4], $0x0  }
0x19: {  	s7 =	sld [smem:$0x3F93]  }
0x1a: {  	s8 =	sadd.s32 $0xFFFFE003, lr  }
0x1b: {  	s9 =	sadd.s32 $0xFFFFFEF7, lr;
	s5 =	simm.s32 $0xFFFFFFFF;
	p2 =	slt.u32 s8, $0xFFFFF086  }
0x1c: {  	p1 =	slt.u32 s9, $0xF7A;
	s5 =	simm.s32 @!p2 $0x0  }
0x1d: {  	s5 =	simm.s32 @p1 $0x1;
	p0 =	seq.s32 s7, s2  }
0x1e: {  	s7 =	smul.u32 @!p0 $0xF7A, s2;
	p2 =	seq.s32 @!p0 s5, $0x0  }
0x1f: {  	s9 =	smul.u32 $0xF7A, s1;
	s8 =	simm.s32 @!p0 $0x1BF5;
	p2 =	por !p2, p0  }
0x20: {  	[sflag:s8] =	ssyncset.s32 @!p0 $0xFFFFF086;
	s6 =	sadd.s32 @!p0 s3, s7;
	s7 =	simm.s32 @!p0 $0x108  }
0x21: {  	s3 =	sadd.s32 s3, s9;
	s6 =	sadd.s32 @!p0 $0x88, s6;
	s7 =	simm.s32 @p2 $0x1082  }
0x22: {  	[simem:s7], [sflag:s8] =	dma.local @!p0 [hbm:s6], $0xF7A  }
0x23: {  	s9 =	sor.u32 $0xD0000000, s2;
	s6 =	simm.s32 $0x108;
	_ =	swait.ge @!p0 [sflag:s8], $0x0  }
0x24: {  	s3 =	sadd.s32 $0x88, s3;
	s6 =	simm.s32 @!p1 $0x1082;
	[sflag:s4] =	ssyncset.s32 $0xFFFFF086  }
0x25: {  	[simem:s6], [sflag:s4] =	dma.local [hbm:s3], $0xF7A  }
0x26: {  	[smem:$0x3F93] =	sst s1;
	(tag) =	ssettag s2;
	_ =	strace s9  }
0x27: {  	s1 =	sld [smem:$0x3FA3]  }
0x28: {  	s2 =	sld [smem:$0x3FA4]  }
0x29: {  	s4 =	sld [smem:$0x3FA6]  }
0x2a: {  	p0 =	seq.s32 s5, $0x0;
	s5 =	sld [smem:$0x3FA7]  }
0x2b: {  	s6 =	sld [smem:$0x3FA8]  }
0x2c: {  	s7 =	sld [smem:$0x3FA9]  }
0x2d: {  	s3 =	simm.s32 $0x108;
	s8 =	sld [smem:$0x3FAA]  }
0x2e: {  	s3 =	simm.s32 @!p0 $0x1082;
	s9 =	sld [smem:$0x3FAB]  }
0x2f: {  	lr =	sadd.s32 s0, s3;
	s0 =	sld [smem:$0x3FA2]  }
0x30: {  	s3 =	sld [smem:$0x3FA5]  }
0x31: {  	[smem:$0x3FAE] =	sst s10  }
0x32: {  	s10 =	sld [smem:$0x3FAC];
	_ =	sdelay $0x3  }
0x33: {  	p0 =	seq.s32 s10, $0x1;
	s10 =	sld [smem:$0x3FAE];
	_ =	sdelay $0x3  }
0x34: {  	[smem:$0x3FAE] =	sst s10  }
0x35: {  	s10 =	sld [smem:$0x3FAD];
	_ =	sdelay $0x3  }
0x36: {  	p1 =	seq.s32 s10, $0x1;
	s10 =	sld [smem:$0x3FAE];
	_ =	sdelay $0x3  }
0x37: {  	[smem:$0x3FAE] =	sst s10  }
0x38: {  	s10 =	sld [smem:$0x3FAF]  }
0x39: {  	_ = 	snop;
	(pc) =	sbr.ind lr, $3  }
0x3a: {  	_ = 	snop  }
0x3b: {  	_ = 	snop  }
0x3c: {  	p2 =	seq.s32 s10, $0x1;
	s10 =	sld [smem:$0x3FAE]  }
0x3d: {  	_ =	shalt  }
0x3e: {  	_ =	shalt  }
0x3f: {  	_ =	shalt  }
0x40: {  	_ =	shalt  }
0x41: {  	_ =	shalt  }
0x42: {  	_ =	shalt  }
0x43: {  	_ =	shalt  }
0x44: {  	_ =	shalt  }
0x45: {  	_ =	shalt  }
0x46: {  	_ =	shalt  }
0x47: {  	_ =	shalt  }
0x48: {  	_ =	shalt  }
0x49: {  	_ =	shalt  }
0x4a: {  	_ =	shalt  }
0x4b: {  	_ =	shalt  }
0x4c: {  	_ =	shalt  }
0x4d: {  	_ =	shalt  }
0x4e: {  	_ =	shalt  }
0x4f: {  	_ =	shalt  }
0x50: {  	_ =	shalt  }
0x51: {  	_ =	shalt  }
0x52: {  	_ =	shalt  }
0x53: {  	_ =	shalt  }
0x54: {  	_ =	shalt  }
0x55: {  	_ =	shalt  }
0x56: {  	_ =	shalt  }
0x57: {  	_ =	shalt  }
0x58: {  	_ =	shalt  }
0x59: {  	_ =	shalt  }
0x5a: {  	_ =	shalt  }
0x5b: {  	_ =	shalt  }
0x5c: {  	_ =	shalt  }
0x5d: {  	_ =	shalt  }
0x5e: {  	_ =	shalt  }
0x5f: {  	_ =	shalt  }
0x60: {  	_ =	shalt  }
0x61: {  	_ =	shalt  }
0x62: {  	_ =	shalt  }
0x63: {  	_ =	shalt  }
0x64: {  	_ =	shalt  }
0x65: {  	_ =	shalt  }
0x66: {  	_ =	shalt  }
0x67: {  	_ =	shalt  }
0x68: {  	_ =	shalt  }
0x69: {  	_ =	shalt  }
0x6a: {  	_ =	shalt  }
0x6b: {  	_ =	shalt  }
0x6c: {  	_ =	shalt  }
0x6d: {  	_ =	shalt  }
0x6e: {  	_ =	shalt  }
0x6f: {  	_ =	shalt  }
0x70: {  	_ =	shalt  }
0x71: {  	_ =	shalt  }
0x72: {  	_ =	shalt  }
0x73: {  	_ =	shalt  }
0x74: {  	_ =	shalt  }
0x75: {  	_ =	shalt  }
0x76: {  	_ =	shalt  }
0x77: {  	_ =	shalt  }
0x78: {  	_ =	shalt  }
0x79: {  	_ =	shalt  }
0x7a: {  	_ =	shalt  }
0x7b: {  	_ =	shalt  }
0x7c: {  	_ =	shalt  }
0x7d: {  	_ =	shalt  }
0x7e: {  	_ =	shalt  }
0x7f: {  	_ =	shalt  }
0x80: {  	_ =	shalt  }
0x81: {  	_ =	shalt  }
0x82: {  	_ =	shalt  }
0x83: {  	_ =	shalt  }
0x84: {  	_ =	shalt  }
0x85: {  	_ =	shalt  }
0x86: {  	_ =	shalt  }
0x87: {  	_ =	shalt  }
.Lfunc_end0:
.L_simem_size_0:
called_computation_lowered:
.L_overlay_start_0:
0x88: {  	s2 =	sld [smem:$0x3FD9]  }
0x89: {  	s3 =	sld [smem:$0x3FFE];
	_ =	sdelay $0x1  }
0x8a: {  	s1 =	srdreg.scid  }
0x8b: {  	s0 =	sand.u32 $0x1, s1  }
0x8c: {  	s17 =	sshll.u32 s0, $0xA;
	s2 =	sadd.s32 s3, s2  }
0x8d: {  	s2 =	sadd.s32 s2, s17  }
0x8e: {  	[smem:$0x3FBA] =	sst s2  }
0x8f: {  	_ = 	snop  }
0x90: {  	s2 =	sld [smem:$0x3FD0];
	(tm) =	ssettm $0x1  }
0x91: {  	s18 =	sld [smem:$0x3FFB];
	_ =	sdelay $0x3  }
0x92: {  	_ =	strace s18  }
0x93: {  	s3 =	sld [smem:$0x3FFC];
	_ =	sdelay $0x3  }
0x94: {  	_ =	strace s3  }
0x95: {  	s3 =	sld [smem:$0x3FFD];
	_ =	sdelay $0x3  }
0x96: {  	_ =	strace s3  }
0x97: {  	_ =	strace $0x8FFFFFFF  }
0x98: {  	s19 =	sld [smem:$0x3FDB];
	_ =	sdelay $0x1  }
0x99: {  	s4 =	simm.s32 $_scs_section_size  }
0x9a: {  	s5 =	simm.s32 $_size__tile_overlayer_lowered;
	s6 =	simm.s32 $_tile_overlayer_lowered  }
0x9b: {  	s22 =	simm.s32 $0x1BFF;
	s21 =	sshll.u32 s6, $0x1;
	s3 =	sadd.s32 s4, s19  }
0x9c: {  	s7 =	simm.s32 $0x0;
	s20 =	sshll.u32 s5, $0x1;
	s5 =	sadd.s32 s21, s3  }
0x9d: {  	[timem:s7], [sflag:s22] =	dma.local [hbm:s5], s20  }
0x9e: {  	_ =	swait.ge [sflag:s22], s20  }
0x9f: {  	s4 =	ssub.s32 $0x0, s20;
	[sflag:s22] =	ssyncset.done $0x0  }
0xa0: {  	[sflag:s22] =	ssyncadd.s32 s4;
	_ =	sdelay $0x1  }
0xa1: {  	s23 =	simm.s32 $0x1B8B  }
0xa2: {  	_ =	swait.ge [sflag:s23], $0x1  }
0xa3: {  	[sflag:s23] =	ssyncset.done $0x0  }
0xa4: {  	s25 =	simm.s32 $0x1B8E;
	s24 =	sld [smem:$0x3FFE];
	[sflag:s23] =	ssyncadd.s32 $0xFFFFFFFF  }
0xa5: {  	s26 =	simm.s32 $execute0_lowered;
	[smem:$0x3FD2] =	sst s25  }
0xa6: {  	s5 =	sshll.u32 s26, $0x1;
	_ =	strace $0x80000046;
	[dreg:$0x1] =	wrdreg $0xFFFFFFFF  }
0xa7: {  	s28 =	simm.s32 $_size_execute0_lowered;
	s3 =	sadd.s32 s3, s5;
	[dreg:$0x0] =	wrdreg $0x0  }
0xa8: {  	s5 =	sshll.u32 s28, $0x1;
	[dreg:$0x2] =	wrdreg s3  }
0xa9: {  	[dreg:$0x3] =	wrdreg s5  }
0xaa: {  	[dreg:$0x4] =	wrdreg $0xC0  }
0xab: {  	_ =	task [dreg:s7], $0x5FFFF  }
0xac: {  	[dreg:$0x1] =	wrdreg $0xFFFFFFFF  }
0xad: {  	[dreg:$0x0] =	wrdreg $0x60  }
0xae: {  	[dreg:$0x2] =	wrdreg s2  }
0xaf: {  	[dreg:$0x3] =	wrdreg s24  }
0xb0: {  	[dreg:$0x4] =	wrdreg $0x0  }
0xb1: {  	[dreg:$0x5] =	wrdreg $0x9  }
0xb2: {  	_ =	task.clear_ibuf [dreg:s7], $0x6FFFF;
	_ =	strace $0x90000046  }
0xb3: {  	s29 =	simm.s32 $0x9;
	_ =	strace $0x80000048  }
0xb4: {  	_ =	swait.ge [sflag:s29], $0x1  }
0xb5: {  	[sflag:s29] =	ssyncadd.s32 $0xFFFFFFFF  }
0xb6: {  	_ =	strace $0x90000048  }
0xb7: {  	_ =	sfence  }
0xb8: {  	s30 =	sld [smem:$0x0];
	_ =	sdelay $0x2  }
0xb9: {  	s31 =	sshll.u32 s1, $0xD;
	s1 =	sshrl.u32 s1, $0x2  }
0xba: {  	s3 =	sand.u32 $0x4000, s31;
	s1 =	sadd.s32 s1, s30  }
0xbb: {  	s0 =	sor.u32 s3, s0;
	s1 =	sshll.u32 s1, $0x11  }
0xbc: {  	s0 =	sor.u32 s1, s0  }
0xbd: {  	s0 =	sadd.s32 $0x8F2B, s0  }
0xbe: {  	[sflag:s0] =	ssyncadd.remote.s32 $0x1  }
0xbf: {  	_ =	sfence.sel $0xFFFF  }
0xc0: {  	[dreg:$0x0] =	wrdreg $0xFFFFFFFF;
	(pc) =	sbr.abs _section_cstart, $3  }
0xc1: {  	[dreg:$0x1] =	wrdreg $0xFFFFFFFF  }
0xc2: {  	_ =	task.clear_ibuf [dreg:s7], $0x2FFFF;
	_ =	strace $0x9FFFFFFF  }
0xc3: {  	(tm) =	ssettm $0x7FFFFFFF  }
tec
execute0_lowered:
.L_overlay_start_1:
0x0: {  	(tag) =	ssettag $0x1  }
0x1: {  	s0 =	rddreg [dreg:$0x0]  }
0x2: {  	s1 =	srdreg.scid;
	s2 =	rddreg [dreg:$0x1]  }
0x3: {  	s3 =	rddreg [dreg:$0x2];
	s11 =	stileid.u32;
	s4 =	simm.s32 $0x0  }
0x4: {  	s1 =	sand.u32 $0x1, s1;
	[smem:$0x7FF] =	sst s4;
	s6 =	smul.u32 $0x28000, s11  }
0x5: {  	s7 =	sadd.s32 $0x3600, s2;
	s16 =	smul.u32 $0xA000, s11;
	s5 =	sshll.u32 s1, $0x4  }
0x6: {  	_ =	strace $0x80000047;
	s8 =	ssub.s32 $0x2, s1;
	s5 =	sor.u32 s11, s5  }
0x7: {  	s9 =	sshrl.u32 s8, $0x1;
	s6 =	sshrl.u32 s6, $0x2;
	s5 =	smul.u32 $0x2710, s5  }
0x8: {  	s20 =	sshrl.u32 s16, $0x3;
	s8 =	ssub.s32 s8, s9;
	s6 =	sadd.s32 s6, s3  }
0x9: {  	s9 =	sadd.s32 s16, s3;
	s8 =	smax.u32 s8, $0x1;
	s5 =	sshrl.u32 s5, $0x3  }
0xa: {  	s16 =	sadd.s32 $0x4800, s6;
	[dreg:$0xe] =	wrdreg s8;
	s5 =	sadd.s32 s7, s5  }
0xb: {  	[dreg:$0x19] =	wrdreg s16;
	s26 =	sadd.s32 $0x9C40, s5  }
0xc: {  	s10 =	sadd.s32 $0x9C4A, s5;
	[dreg:$0x4] =	wrdreg s26  }
0xd: {  	s12 =	sadd.s32 $0x9C54, s5;
	[dreg:$0x5] =	wrdreg s10  }
0xe: {  	s13 =	sadd.s32 $0x9C5E, s5;
	[dreg:$0x6] =	wrdreg s12  }
0xf: {  	s28 =	simm.s32 $0x50;
	s14 =	sadd.s32 $0x9C68, s5;
	[dreg:$0x7] =	wrdreg s13  }
0x10: {  	s29 =	simm.s32 $0x1;
	s15 =	sadd.s32 $0x9C72, s5;
	[dreg:$0x8] =	wrdreg s14  }
0x11: {  	p0 =	seq.s32 s1, $0x1;
	s17 =	sadd.s32 $0x9C86, s5;
	[dreg:$0x9] =	wrdreg s15  }
0x12: {  	s8 =	simm.s32 $0x2B000;
	s19 =	sadd.s32 $0x9C9A, s5;
	[dreg:$0xb] =	wrdreg s17  }
0x13: {  	s8 =	simm.s32 @!p0 $0x17000;
	s10 =	sadd.s32 $0x9C7C, s5;
	[dreg:$0xd] =	wrdreg s19  }
0x14: {  	s2 =	sadd.s32 s8, s2;
	s12 =	sadd.s32 $0x9C90, s5;
	[dreg:$0xa] =	wrdreg s10  }
0x15: {  	s18 =	smul.u32 $0x27100, s1;
	s1 =	sadd.s32 s2, s20;
	[dreg:$0xc] =	wrdreg s12  }
0x16: {  	s30 =	simm.s32 $0x3;
	s13 =	sadd.s32 $0x3000, s6;
	[dreg:$0xf] =	wrdreg s1  }
0x17: {  	s31 =	simm.s32 $0x0;
	s14 =	sadd.s32 $0x3800, s6;
	[dreg:$0x16] =	wrdreg s13  }
0x18: {  	s11 =	smul.u32 $0x2710, s11;
	s15 =	sadd.s32 $0x4000, s6;
	[dreg:$0x17] =	wrdreg s14  }
0x19: {  	s16 =	sadd.s32 $0x9000, s6;
	s17 =	sadd.s32 $0x5000, s6;
	[dreg:$0x18] =	wrdreg s15  }
0x1a: {  	s10 =	sadd.s32 s11, s18;
	s12 =	sadd.s32 $0x2800, s6;
	[dreg:$0x1a] =	wrdreg s17  }
0x1b: {  	s18 =	sadd.s32 $0x5800, s6;
	s13 =	sadd.s32 $0x7800, s6;
	s14 =	sadd.s32 $0x8000, s6  }
0x1c: {  	s15 =	sadd.s32 $0x8800, s6;
	s17 =	sadd.s32 $0x9800, s6;
	s11 =	sadd.s32 $0x4E520, s10  }
0x1d: {  	s21 =	sadd.s32 $0x4E660, s10;
	s24 =	sadd.s32 $0x4E610, s10;
	s25 =	sadd.s32 $0x4E5C0, s10  }
0x1e: {  	s26 =	sadd.s32 $0x4E570, s10;
	s10 =	sadd.s32 $0x1800, s6;
	[dreg:$0x15] =	wrdreg s12  }
0x1f: {  	[dreg:$0x1b] =	wrdreg s18;
	s22 =	sshrl.u32 s11, $0x3;
	s23 =	sshrl.u32 s21, $0x3  }
0x20: {  	s1 =	sshrl.u32 s24, $0x3;
	s2 =	sshrl.u32 s25, $0x3;
	s8 =	sshrl.u32 s26, $0x3  }
0x21: {  	[dreg:$0x13] =	wrdreg s10;
	s11 =	sadd.s32 $0x2000, s6;
	s24 =	sadd.s32 $0x6000, s6  }
0x22: {  	s25 =	sadd.s32 $0x6800, s6;
	s26 =	sadd.s32 $0x7000, s6;
	[dreg:$0x14] =	wrdreg s11  }
0x23: {  	s19 =	sadd.s32 s22, s7;
	s20 =	sadd.s32 s23, s7;
	[dreg:$0x1c] =	wrdreg s24  }
0x24: {  	s21 =	sadd.s32 s1, s7;
	s22 =	sadd.s32 s2, s7;
	[dreg:$0x1d] =	wrdreg s25  }
0x25: {  	s23 =	sadd.s32 s8, s7;
	s7 =	sadd.s32 $0x800, s6;
	[dreg:$0x1e] =	wrdreg s26  }
0x26: {  	s18 =	simm.s32 $0xA000;
	s8 =	sshrl.u32 s9, $0x3;
	[dreg:$0x10] =	wrdreg s7  }
0x27: {  	s9 =	sadd.s32 $0x1000, s6;
	s24 =	simm.s32 $0x4;
	[dreg:$0x11] =	wrdreg s8  }
0x28: {  	v0 =	vimm.f32 $0.0e+00;
	s25 =	simm.s32 $0x1F7C0;
	s26 =	simm.s32 $0x2;
	[dreg:$0x12] =	wrdreg s9  }
.LBB2_1:
0x29: {  	[tilespmem:s18], [sflag:$0x4] =	stream.linear.gather [hbm4b:s5+s4], $0x2710, $0x38;
	v63 =	vld [tilespmem:$0x0]  }
0x2a: {  	_ =	swait.ge [sflag:s24], $0x2710  }
0x2b: {  	[sflag:s24] =	ssyncset.done $0x0  }
0x2c: {  	s2 =	simm.s32 $0x100;
	s1 =	simm.s32 $0x0;
	[sflag:s24] =	ssyncadd.s32 $0xFFFFD8F0  }
.LBB2_2:
0x2d: {  	p0 =	sne.s32 s2, $0x1F00;
	[tilespmem:s1+$0x1F7F0] =	vst v0;
	s7 =	smov.u32 s2;
	s2 =	sadd.s32 $0x100, s2  }
.Ltmp0:
0x2e: {  	[tilespmem:s1+$0x1F7E0] =	vst v0;
	(pc) =	sbr.rel @p0 .LBB2_2-.Ltmp0, $3  }
0x2f: {  	[tilespmem:s1+$0x1F7C0] =	vst v0  }
0x30: {  	[tilespmem:s1+$0x1F7D0] =	vst v0;
	_ =	sdelay $0x1  }
0x31: {  	s1 =	sshra.s32 s7, $0x2  }
0x32: {  	[tilespmem:s1+$0x1F7F0] =	vst v0  }
0x33: {  	[tilespmem:s1+$0x1F7E0] =	vst v0  }
0x34: {  	[tilespmem:s1+$0x1F7C0] =	vst v0  }
0x35: {  	[tilespmem:s1+$0x1F7D0] =	vst v0  }
0x36: {  	[spmem:s6] =	stream.linear.scatter [tilespmem:s25], [sflag:$0x2], $0x800, $0x38;
	v63 =	vld [tilespmem:$0x0]  }
0x37: {  	s2 =	rddreg [dreg:$0x10]  }
0x38: {  	[spmem:s2] =	stream.linear.scatter [tilespmem:s25], [sflag:$0x2], $0x800, $0x38;
	v63 =	vld [tilespmem:$0x0]  }
0x39: {  	s7 =	rddreg [dreg:$0x12]  }
0x3a: {  	[spmem:s7] =	stream.linear.scatter [tilespmem:s25], [sflag:$0x2], $0x800, $0x38;
	v63 =	vld [tilespmem:$0x0]  }
0x3b: {  	s8 =	rddreg [dreg:$0x13]  }
0x3c: {  	[spmem:s8] =	stream.linear.scatter [tilespmem:s25], [sflag:$0x2], $0x800, $0x38;
	v63 =	vld [tilespmem:$0x0]  }
0x3d: {  	s9 =	rddreg [dreg:$0x14]  }
0x3e: {  	[spmem:s9] =	stream.linear.scatter [tilespmem:s25], [sflag:$0x2], $0x800, $0x38;
	v63 =	vld [tilespmem:$0x0]  }
0x3f: {  	s10 =	rddreg [dreg:$0x15]  }
0x40: {  	[spmem:s10] =	stream.linear.scatter [tilespmem:s25], [sflag:$0x2], $0x800, $0x38;
	v63 =	vld [tilespmem:$0x0]  }
0x41: {  	s11 =	rddreg [dreg:$0x16]  }
0x42: {  	[spmem:s11] =	stream.linear.scatter [tilespmem:s25], [sflag:$0x2], $0x800, $0x38;
	v63 =	vld [tilespmem:$0x0]  }
0x43: {  	s12 =	rddreg [dreg:$0x17]  }
0x44: {  	[spmem:s12] =	stream.linear.scatter [tilespmem:s25], [sflag:$0x2], $0x800, $0x38;
	v63 =	vld [tilespmem:$0x0]  }
0x45: {  	s2 =	rddreg [dreg:$0x18]  }
0x46: {  	[spmem:s2] =	stream.linear.scatter [tilespmem:s25], [sflag:$0x2], $0x800, $0x38;
	v63 =	vld [tilespmem:$0x0]  }
0x47: {  	s7 =	rddreg [dreg:$0x19]  }
0x48: {  	[spmem:s7] =	stream.linear.scatter [tilespmem:s25], [sflag:$0x2], $0x800, $0x38;
	v63 =	vld [tilespmem:$0x0]  }
0x49: {  	s8 =	rddreg [dreg:$0x1a]  }
0x4a: {  	[spmem:s8] =	stream.linear.scatter [tilespmem:s25], [sflag:$0x2], $0x800, $0x38;
	v63 =	vld [tilespmem:$0x0]  }
0x4b: {  	s9 =	rddreg [dreg:$0x1b]  }
0x4c: {  	[spmem:s9] =	stream.linear.scatter [tilespmem:s25], [sflag:$0x2], $0x800, $0x38;
	v63 =	vld [tilespmem:$0x0]  }
0x4d: {  	s10 =	rddreg [dreg:$0x1c]  }
0x4e: {  	[spmem:s10] =	stream.linear.scatter [tilespmem:s25], [sflag:$0x2], $0x800, $0x38;
	v63 =	vld [tilespmem:$0x0]  }
0x4f: {  	s11 =	rddreg [dreg:$0x1d]  }
0x50: {  	[spmem:s11] =	stream.linear.scatter [tilespmem:s25], [sflag:$0x2], $0x800, $0x38;
	v63 =	vld [tilespmem:$0x0]  }
0x51: {  	s12 =	rddreg [dreg:$0x1e]  }
0x52: {  	[spmem:s12] =	stream.linear.scatter [tilespmem:s25], [sflag:$0x2], $0x800, $0x38;
	v63 =	vld [tilespmem:$0x0]  }
0x53: {  	_ = 	snop  }
0x54: {  	[spmem:s13] =	stream.linear.scatter [tilespmem:s25], [sflag:$0x2], $0x800, $0x38;
	v63 =	vld [tilespmem:$0x0]  }
0x55: {  	_ = 	snop  }
0x56: {  	[spmem:s14] =	stream.linear.scatter [tilespmem:s25], [sflag:$0x2], $0x800, $0x38;
	v63 =	vld [tilespmem:$0x0]  }
0x57: {  	_ = 	snop  }
0x58: {  	[spmem:s15] =	stream.linear.scatter [tilespmem:s25], [sflag:$0x2], $0x800, $0x38;
	v63 =	vld [tilespmem:$0x0]  }
0x59: {  	_ = 	snop  }
0x5a: {  	[spmem:s16] =	stream.linear.scatter [tilespmem:s25], [sflag:$0x2], $0x800, $0x38;
	v63 =	vld [tilespmem:$0x0]  }
0x5b: {  	_ = 	snop  }
0x5c: {  	[spmem:s17] =	stream.linear.scatter [tilespmem:s25], [sflag:$0x2], $0x800, $0x38;
	v63 =	vld [tilespmem:$0x0]  }
0x5d: {  	_ =	swait.ge [sflag:s26], $0x800  }
0x5e: {  	[sflag:s26] =	ssyncset.done $0x0  }
0x5f: {  	[sflag:s26] =	ssyncadd.s32 $0xFFFFF800  }
0x60: {  	_ =	swait.ge [sflag:s26], $0x800  }
0x61: {  	[sflag:s26] =	ssyncset.done $0x0  }
0x62: {  	[sflag:s26] =	ssyncadd.s32 $0xFFFFF800  }
0x63: {  	_ =	swait.ge [sflag:s26], $0x800  }
0x64: {  	[sflag:s26] =	ssyncset.done $0x0  }
0x65: {  	[sflag:s26] =	ssyncadd.s32 $0xFFFFF800  }
0x66: {  	_ =	swait.ge [sflag:s26], $0x800  }
0x67: {  	[sflag:s26] =	ssyncset.done $0x0  }
0x68: {  	[sflag:s26] =	ssyncadd.s32 $0xFFFFF800  }
0x69: {  	_ =	swait.ge [sflag:s26], $0x800  }
0x6a: {  	[sflag:s26] =	ssyncset.done $0x0  }
0x6b: {  	[sflag:s26] =	ssyncadd.s32 $0xFFFFF800  }
0x6c: {  	_ =	swait.ge [sflag:s26], $0x800  }
0x6d: {  	[sflag:s26] =	ssyncset.done $0x0  }
0x6e: {  	[sflag:s26] =	ssyncadd.s32 $0xFFFFF800  }
0x6f: {  	_ =	swait.ge [sflag:s26], $0x800  }
0x70: {  	[sflag:s26] =	ssyncset.done $0x0  }
0x71: {  	[sflag:s26] =	ssyncadd.s32 $0xFFFFF800  }
0x72: {  	_ =	swait.ge [sflag:s26], $0x800  }
0x73: {  	[sflag:s26] =	ssyncset.done $0x0  }
0x74: {  	[sflag:s26] =	ssyncadd.s32 $0xFFFFF800  }
0x75: {  	_ =	swait.ge [sflag:s26], $0x800  }
0x76: {  	[sflag:s26] =	ssyncset.done $0x0  }
0x77: {  	[sflag:s26] =	ssyncadd.s32 $0xFFFFF800  }
0x78: {  	_ =	swait.ge [sflag:s26], $0x800  }
0x79: {  	[sflag:s26] =	ssyncset.done $0x0  }
0x7a: {  	[sflag:s26] =	ssyncadd.s32 $0xFFFFF800  }
0x7b: {  	_ =	swait.ge [sflag:s26], $0x800  }
0x7c: {  	[sflag:s26] =	ssyncset.done $0x0  }
0x7d: {  	[sflag:s26] =	ssyncadd.s32 $0xFFFFF800  }
0x7e: {  	_ =	swait.ge [sflag:s26], $0x800  }
0x7f: {  	[sflag:s26] =	ssyncset.done $0x0  }
0x80: {  	[sflag:s26] =	ssyncadd.s32 $0xFFFFF800  }
0x81: {  	_ =	swait.ge [sflag:s26], $0x800  }
0x82: {  	[sflag:s26] =	ssyncset.done $0x0  }
0x83: {  	[sflag:s26] =	ssyncadd.s32 $0xFFFFF800  }
0x84: {  	_ =	swait.ge [sflag:s26], $0x800  }
0x85: {  	[sflag:s26] =	ssyncset.done $0x0  }
0x86: {  	[sflag:s26] =	ssyncadd.s32 $0xFFFFF800  }
0x87: {  	_ =	swait.ge [sflag:s26], $0x800  }
0x88: {  	[sflag:s26] =	ssyncset.done $0x0  }
0x89: {  	[sflag:s26] =	ssyncadd.s32 $0xFFFFF800  }
0x8a: {  	_ =	swait.ge [sflag:s26], $0x800  }
0x8b: {  	[sflag:s26] =	ssyncset.done $0x0  }
0x8c: {  	[sflag:s26] =	ssyncadd.s32 $0xFFFFF800  }
0x8d: {  	_ =	swait.ge [sflag:s26], $0x800  }
0x8e: {  	[sflag:s26] =	ssyncset.done $0x0  }
0x8f: {  	[sflag:s26] =	ssyncadd.s32 $0xFFFFF800  }
0x90: {  	_ =	swait.ge [sflag:s26], $0x800  }
0x91: {  	[sflag:s26] =	ssyncset.done $0x0  }
0x92: {  	[sflag:s26] =	ssyncadd.s32 $0xFFFFF800  }
0x93: {  	_ =	swait.ge [sflag:s26], $0x800  }
0x94: {  	[sflag:s26] =	ssyncset.done $0x0  }
0x95: {  	[sflag:s26] =	ssyncadd.s32 $0xFFFFF800  }
0x96: {  	_ =	swait.ge [sflag:s26], $0x800  }
0x97: {  	[sflag:s26] =	ssyncset.done $0x0  }
0x98: {  	[sflag:s26] =	ssyncadd.s32 $0xFFFFF800  }
0x99: {  	s2 =	simm.s32 $0xCBC0;
	[bflag:$0x0] =	sbarrier.arrive $0xFFFF  }
0x9a: {  	[tilespmem:s2], [sflag:$0x1] =	stream.indirect.gather [hbm4b:s0+s28], $0x40, s18, s28, $0xb8;
	v63 =	vld [tilespmem:$0x0]  }
0x9b: {  	s1 =	simm.s32 $0x0;
	s7 =	simm.s32 $0xC710;
	s2 =	rddreg [dreg:$0x4]  }
0x9c: {  	[tilespmem:s7], [sflag:$0x3] =	stream.linear.gather [hbm4b:s2+s1], $0x50, $0x38;
	v63 =	vld [tilespmem:$0x0]  }
0x9d: {  	s8 =	simm.s32 $0xDFC0;
	s7 =	simm.s32 $0xA050  }
0x9e: {  	[tilespmem:s8], [sflag:$0x1] =	stream.indirect.gather [hbm4b:s0+s28], $0x40, s7, s28, $0xb8;
	v63 =	vld [tilespmem:$0x0]  }
0x9f: {  	s10 =	simm.s32 $0xC760;
	s9 =	rddreg [dreg:$0x5]  }
0xa0: {  	[tilespmem:s10], [sflag:$0x3] =	stream.linear.gather [hbm4b:s9+s1], $0x50, $0x38;
	v63 =	vld [tilespmem:$0x0]  }
0xa1: {  	s11 =	simm.s32 $0xA0A0;
	s12 =	simm.s32 $0xF3C0  }
0xa2: {  	[tilespmem:s12], [sflag:$0x1] =	stream.indirect.gather [hbm4b:s0+s28], $0x40, s11, s28, $0xb8;
	v63 =	vld [tilespmem:$0x0]  }
0xa3: {  	s7 =	rddreg [dreg:$0x6];
	s8 =	simm.s32 $0xC7B0  }
0xa4: {  	[tilespmem:s8], [sflag:$0x3] =	stream.linear.gather [hbm4b:s7+s1], $0x50, $0x38;
	v63 =	vld [tilespmem:$0x0]  }
0xa5: {  	s9 =	simm.s32 $0xA0F0;
	s10 =	simm.s32 $0x107C0  }
0xa6: {  	[tilespmem:s10], [sflag:$0x1] =	stream.indirect.gather [hbm4b:s0+s28], $0x40, s9, s28, $0xb8;
	v63 =	vld [tilespmem:$0x0]  }
0xa7: {  	s11 =	rddreg [dreg:$0x7];
	s12 =	simm.s32 $0xC800  }
0xa8: {  	[tilespmem:s12], [sflag:$0x3] =	stream.linear.gather [hbm4b:s11+s1], $0x50, $0x38;
	v63 =	vld [tilespmem:$0x0]  }
0xa9: {  	s7 =	simm.s32 $0xA140;
	s8 =	simm.s32 $0x11BC0  }
0xaa: {  	[tilespmem:s8], [sflag:$0x1] =	stream.indirect.gather [hbm4b:s0+s28], $0x40, s7, s28, $0xb8;
	v63 =	vld [tilespmem:$0x0]  }
0xab: {  	s9 =	rddreg [dreg:$0x8];
	s10 =	simm.s32 $0xC850  }
0xac: {  	[tilespmem:s10], [sflag:$0x3] =	stream.linear.gather [hbm4b:s9+s1], $0x50, $0x38;
	v63 =	vld [tilespmem:$0x0]  }
0xad: {  	s11 =	simm.s32 $0xA190;
	s12 =	simm.s32 $0x12FC0  }
0xae: {  	[tilespmem:s12], [sflag:$0x1] =	stream.indirect.gather [hbm4b:s0+s28], $0x40, s11, s28, $0xb8;
	v63 =	vld [tilespmem:$0x0]  }
0xaf: {  	s7 =	rddreg [dreg:$0x9];
	s8 =	simm.s32 $0xC8A0  }
0xb0: {  	[tilespmem:s8], [sflag:$0x3] =	stream.linear.gather [hbm4b:s7+s1], $0x50, $0x38;
	v63 =	vld [tilespmem:$0x0]  }
0xb1: {  	s9 =	simm.s32 $0xA1E0;
	s10 =	simm.s32 $0x143C0  }
0xb2: {  	[tilespmem:s10], [sflag:$0x1] =	stream.indirect.gather [hbm4b:s0+s28], $0x40, s9, s28, $0xb8;
	v63 =	vld [tilespmem:$0x0]  }
0xb3: {  	s11 =	rddreg [dreg:$0xa];
	s12 =	simm.s32 $0xC8F0  }
0xb4: {  	[tilespmem:s12], [sflag:$0x3] =	stream.linear.gather [hbm4b:s11+s1], $0x50, $0x38;
	v63 =	vld [tilespmem:$0x0]  }
0xb5: {  	s7 =	simm.s32 $0xA230;
	s8 =	simm.s32 $0x157C0  }
0xb6: {  	[tilespmem:s8], [sflag:$0x1] =	stream.indirect.gather [hbm4b:s0+s28], $0x40, s7, s28, $0xb8;
	v63 =	vld [tilespmem:$0x0]  }
0xb7: {  	s9 =	rddreg [dreg:$0xb];
	s10 =	simm.s32 $0xC940  }
0xb8: {  	[tilespmem:s10], [sflag:$0x3] =	stream.linear.gather [hbm4b:s9+s1], $0x50, $0x38;
	v63 =	vld [tilespmem:$0x0]  }
0xb9: {  	s11 =	simm.s32 $0xA280;
	s12 =	simm.s32 $0x16BC0  }
0xba: {  	[tilespmem:s12], [sflag:$0x1] =	stream.indirect.gather [hbm4b:s0+s28], $0x40, s11, s28, $0xb8;
	v63 =	vld [tilespmem:$0x0]  }
0xbb: {  	s7 =	rddreg [dreg:$0xc];
	s8 =	simm.s32 $0xC990  }
0xbc: {  	[tilespmem:s8], [sflag:$0x3] =	stream.linear.gather [hbm4b:s7+s1], $0x50, $0x38;
	v63 =	vld [tilespmem:$0x0]  }
0xbd: {  	s2 =	simm.s32 $0xA460;
	s9 =	simm.s32 $0xA2D0;
	s10 =	simm.s32 $0x17FC0  }
0xbe: {  	[tilespmem:s10], [sflag:$0x1] =	stream.indirect.gather [hbm4b:s0+s28], $0x40, s9, s28, $0xb8;
	v63 =	vld [tilespmem:$0x0]  }
0xbf: {  	s11 =	rddreg [dreg:$0xd];
	s12 =	simm.s32 $0xC9E0;
	s7 =	simm.s32 $0x0  }
0xc0: {  	[tilespmem:s12], [sflag:$0x3] =	stream.linear.gather [hbm4b:s11+s1], $0x50, $0x38;
	v63 =	vld [tilespmem:$0x0]  }
.LBB2_4:
0xc1: {  	p0 =	seq.s32 s1, $0x0  }
0xc2: {  	s9 =	simm.s32 @!p0 $0x2  }
0xc3: {  	_ =	swait.ge @!p0 [sflag:s9], $0x1400  }
0xc4: {  	[sflag:s9] =	ssyncset.done @!p0 $0x0  }
0xc5: {  	[sflag:s9] =	ssyncadd.s32 @!p0 $0xFFFFEC00  }
0xc6: {  	_ =	swait.ge @!p0 [sflag:s9], $0x1400  }
0xc7: {  	[sflag:s9] =	ssyncset.done @!p0 $0x0  }
0xc8: {  	[sflag:s9] =	ssyncadd.s32 @!p0 $0xFFFFEC00  }
0xc9: {  	_ =	swait.ge @!p0 [sflag:s9], $0x1400  }
0xca: {  	[sflag:s9] =	ssyncset.done @!p0 $0x0  }
0xcb: {  	[sflag:s9] =	ssyncadd.s32 @!p0 $0xFFFFEC00  }
0xcc: {  	_ =	swait.ge @!p0 [sflag:s9], $0x1400  }
0xcd: {  	[sflag:s9] =	ssyncset.done @!p0 $0x0  }
0xce: {  	[sflag:s9] =	ssyncadd.s32 @!p0 $0xFFFFEC00  }
0xcf: {  	s8 =	smul.u32 $0xAB, s7;
	p1 =	sgt.u32 @!p0 s7, $0x16;
	_ =	swait.ge @!p0 [sflag:s9], $0x1400  }
0xd0: {  	p1 =	por p0, !p1;
	[sflag:s9] =	ssyncset.done @!p0 $0x0  }
0xd1: {  	[sflag:s9] =	ssyncadd.s32 @!p0 $0xFFFFEC00;
	s9 =	sadd.s32 @p1 $0x156, s8  }
0xd2: {  	s9 =	sshrl.u32 @p1 s9, $0x9  }
0xd3: {  	s9 =	sand.u32 @p1 $0x7F, s9  }
0xd4: {  	s9 =	smul.u32 @p1 $0x3, s9;
	_ =	sdelay $0x1  }
0xd5: {  	s9 =	ssub.s32 @p1 s7, s9  }
0xd6: {  	s9 =	sadd.s32 @p1 $0x2, s9  }
0xd7: {  	s9 =	sand.u32 @p1 $0xFF, s9  }
0xd8: {  	s10 =	smul.u32 @p1 $0x19000, s9  }
0xd9: {  	s9 =	smul.u32 @p1 $0x640, s9  }
0xda: {  	s10 =	sshrl.u32 @p1 s10, $0x2  }
0xdb: {  	s12 =	sadd.s32 @p1 $0xFFFFFEC0, s2;
	s9 =	sshrl.u32 @p1 s9, $0x2;
	s11 =	sadd.s32 @p1 $0xCBC0, s10  }
0xdc: {  	[tilespmem:s11], [sflag:$0x1] =	stream.indirect.gather @p1 [hbm4b:s0+s28], $0x40, s12, s28, $0xb8;
	v63 =	vld [tilespmem:$0x0]  }
0xdd: {  	s11 =	sadd.s32 @p1 $0xC710, s9;
	s12 =	sadd.s32 @p1 s1, s19  }
0xde: {  	[tilespmem:s11], [sflag:$0x3] =	stream.linear.gather @p1 [hbm4b:s12+s4], $0x50, $0x38;
	v63 =	vld [tilespmem:$0x0]  }
0xdf: {  	s11 =	sadd.s32 @p1 $0xDFC0, s10;
	s12 =	sadd.s32 @p1 $0xFFFFFF10, s2  }
0xe0: {  	[tilespmem:s11], [sflag:$0x1] =	stream.indirect.gather @p1 [hbm4b:s0+s28], $0x40, s12, s28, $0xb8;
	v63 =	vld [tilespmem:$0x0]  }
0xe1: {  	s11 =	sadd.s32 @p1 $0xC760, s9;
	s12 =	sadd.s32 @p1 s1, s23  }
0xe2: {  	[tilespmem:s11], [sflag:$0x3] =	stream.linear.gather @p1 [hbm4b:s12+s4], $0x50, $0x38;
	v63 =	vld [tilespmem:$0x0]  }
0xe3: {  	s11 =	sadd.s32 @p1 $0xF3C0, s10;
	s12 =	sadd.s32 @p1 $0xFFFFFF60, s2  }
0xe4: {  	[tilespmem:s11], [sflag:$0x1] =	stream.indirect.gather @p1 [hbm4b:s0+s28], $0x40, s12, s28, $0xb8;
	v63 =	vld [tilespmem:$0x0]  }
0xe5: {  	s11 =	sadd.s32 @p1 $0xC7B0, s9;
	s12 =	sadd.s32 @p1 s1, s22  }
0xe6: {  	[tilespmem:s11], [sflag:$0x3] =	stream.linear.gather @p1 [hbm4b:s12+s4], $0x50, $0x38;
	v63 =	vld [tilespmem:$0x0]  }
0xe7: {  	s11 =	sadd.s32 @p1 $0x107C0, s10;
	s12 =	sadd.s32 @p1 $0xFFFFFFB0, s2  }
0xe8: {  	[tilespmem:s11], [sflag:$0x1] =	stream.indirect.gather @p1 [hbm4b:s0+s28], $0x40, s12, s28, $0xb8;
	v63 =	vld [tilespmem:$0x0]  }
0xe9: {  	s11 =	sadd.s32 @p1 $0xC800, s9;
	s12 =	sadd.s32 @p1 s1, s21  }
0xea: {  	[tilespmem:s11], [sflag:$0x3] =	stream.linear.gather @p1 [hbm4b:s12+s4], $0x50, $0x38;
	v63 =	vld [tilespmem:$0x0]  }
0xeb: {  	s10 =	sadd.s32 @p1 $0x11BC0, s10  }
0xec: {  	[tilespmem:s10], [sflag:$0x1] =	stream.indirect.gather @p1 [hbm4b:s0+s28], $0x40, s2, s28, $0xb8;
	v63 =	vld [tilespmem:$0x0]  }
0xed: {  	s9 =	sadd.s32 @p1 $0xC850, s9;
	s10 =	sadd.s32 @p1 s1, s20  }
0xee: {  	[tilespmem:s9], [sflag:$0x3] =	stream.linear.gather @p1 [hbm4b:s10+s4], $0x50, $0x38;
	v63 =	vld [tilespmem:$0x0]  }
0xef: {  	_ =	swait.ge [sflag:s29], $0x1400  }
0xf0: {  	[sflag:s29] =	ssyncset.done $0x0  }
0xf1: {  	[sflag:s29] =	ssyncadd.s32 $0xFFFFEC00  }
0xf2: {  	_ =	swait.ge [sflag:s30], $0x50  }
0xf3: {  	[sflag:s30] =	ssyncset.done $0x0  }
0xf4: {  	[sflag:s30] =	ssyncadd.s32 $0xFFFFFFB0  }
0xf5: {  	_ =	swait.ge [sflag:s29], $0x1400  }
0xf6: {  	[sflag:s29] =	ssyncset.done $0x0  }
0xf7: {  	[sflag:s29] =	ssyncadd.s32 $0xFFFFEC00  }
0xf8: {  	_ =	swait.ge [sflag:s30], $0x50  }
0xf9: {  	[sflag:s30] =	ssyncset.done $0x0  }
0xfa: {  	[sflag:s30] =	ssyncadd.s32 $0xFFFFFFB0  }
0xfb: {  	_ =	swait.ge [sflag:s29], $0x1400  }
0xfc: {  	[sflag:s29] =	ssyncset.done $0x0  }
0xfd: {  	[sflag:s29] =	ssyncadd.s32 $0xFFFFEC00  }
0xfe: {  	_ =	swait.ge [sflag:s30], $0x50  }
0xff: {  	[sflag:s30] =	ssyncset.done $0x0  }
0x100: {  	[sflag:s30] =	ssyncadd.s32 $0xFFFFFFB0  }
0x101: {  	_ =	swait.ge [sflag:s29], $0x1400  }
0x102: {  	s8 =	sshrl.u32 s8, $0x9;
	[sflag:s29] =	ssyncset.done $0x0  }
0x103: {  	s8 =	sand.u32 $0x7F, s8;
	[sflag:s29] =	ssyncadd.s32 $0xFFFFEC00  }
0x104: {  	s8 =	smul.u32 $0x3, s8;
	_ =	swait.ge [sflag:s30], $0x50  }
0x105: {  	[sflag:s30] =	ssyncset.done $0x0  }
0x106: {  	s8 =	ssub.s32 s7, s8;
	[sflag:s30] =	ssyncadd.s32 $0xFFFFFFB0  }
0x107: {  	s8 =	sand.u32 $0xFF, s8;
	_ =	swait.ge [sflag:s29], $0x1400  }
0x108: {  	s10 =	smul.u32 $0x19000, s8;
	[sflag:s29] =	ssyncset.done $0x0  }
0x109: {  	s8 =	smul.u32 $0x640, s8;
	[sflag:s29] =	ssyncadd.s32 $0xFFFFEC00  }
0x10a: {  	_ =	swait.ge [sflag:s30], $0x50  }
0x10b: {  	s9 =	sshrl.u32 s10, $0x2;
	s8 =	sshrl.u32 s8, $0x2;
	[sflag:s30] =	ssyncset.done $0x0  }
0x10c: {  	s11 =	sadd.s32 $0xCBC0, s9;
	s12 =	sadd.s32 $0xC710, s8;
	[sflag:s30] =	ssyncadd.s32 $0xFFFFFFB0  }
0x10d: {  	[spmem:s3] =	stream.indirect.scatter.add.f32 [tilespmem:s11], [sflag:$0x2], $0x40, s12, s28, $0xb8;
	v63 =	vld [tilespmem:$0x0]  }
0x10e: {  	s1 =	sadd.s32 $0x32, s1;
	s11 =	sadd.s32 $0xDFC0, s9;
	s12 =	sadd.s32 $0xC760, s8  }
0x10f: {  	[spmem:s3] =	stream.indirect.scatter.add.f32 [tilespmem:s11], [sflag:$0x2], $0x40, s12, s28, $0xb8;
	v63 =	vld [tilespmem:$0x0]  }
0x110: {  	p0 =	sne.s32 s1, $0x4E2;
	s11 =	sadd.s32 $0xF3C0, s9;
	s12 =	sadd.s32 $0xC7B0, s8  }
0x111: {  	[spmem:s3] =	stream.indirect.scatter.add.f32 [tilespmem:s11], [sflag:$0x2], $0x40, s12, s28, $0xb8;
	v63 =	vld [tilespmem:$0x0]  }
.Ltmp1:
0x112: {  	_ = 	snop;
	(pc) =	sbr.rel @p0 .LBB2_4-.Ltmp1, $4  }
0x113: {  	s7 =	sadd.s32 $0x1, s7;
	s11 =	sadd.s32 $0x107C0, s9;
	s12 =	sadd.s32 $0xC800, s8  }
0x114: {  	[spmem:s3] =	stream.indirect.scatter.add.f32 [tilespmem:s11], [sflag:$0x2], $0x40, s12, s28, $0xb8;
	v63 =	vld [tilespmem:$0x0]  }
0x115: {  	s2 =	sadd.s32 $0x190, s2;
	s9 =	sadd.s32 $0x11BC0, s9;
	s8 =	sadd.s32 $0xC850, s8  }
0x116: {  	[spmem:s3] =	stream.indirect.scatter.add.f32 [tilespmem:s9], [sflag:$0x2], $0x40, s8, s28, $0xb8;
	v63 =	vld [tilespmem:$0x0]  }
0x117: {  	_ =	swait.ge [sflag:s26], $0x1400  }
0x118: {  	[sflag:s26] =	ssyncset.done $0x0  }
0x119: {  	[sflag:s26] =	ssyncadd.s32 $0xFFFFEC00  }
0x11a: {  	_ =	swait.ge [sflag:s26], $0x1400  }
0x11b: {  	[sflag:s26] =	ssyncset.done $0x0  }
0x11c: {  	[sflag:s26] =	ssyncadd.s32 $0xFFFFEC00  }
0x11d: {  	_ =	swait.ge [sflag:s26], $0x1400  }
0x11e: {  	[sflag:s26] =	ssyncset.done $0x0  }
0x11f: {  	[sflag:s26] =	ssyncadd.s32 $0xFFFFEC00  }
0x120: {  	_ =	swait.ge [sflag:s26], $0x1400  }
0x121: {  	[sflag:s26] =	ssyncset.done $0x0  }
0x122: {  	[sflag:s26] =	ssyncadd.s32 $0xFFFFEC00  }
0x123: {  	_ =	swait.ge [sflag:s26], $0x1400  }
0x124: {  	[sflag:s26] =	ssyncset.done $0x0  }
0x125: {  	[sflag:s26] =	ssyncadd.s32 $0xFFFFEC00  }
0x126: {  	s1 =	stileid.u32;
	[bflag:$0x0] =	sbarrier.arrive $0xFFFF  }
0x127: {  	s1 =	sshll.u32 s1, $0x6;
	s2 =	rddreg [dreg:$0xf]  }
0x128: {  	s1 =	sor.u32 $0x1C04, s1;
	s7 =	rddreg [dreg:$0x11]  }
0x129: {  	[hbm:s2], [sflag:s1] =	dma.local [spmem:s7], $0x1400  }
0x12a: {  	_ =	swait.ge [sflag:s24], $0x1400  }
0x12b: {  	s31 =	sadd.s32 $0x1, s31;
	s12 =	rddreg [dreg:$0xe]  }
0x12c: {  	p0 =	sne.s32 s31, s12  }
.Ltmp2:
0x12d: {  	_ = 	snop;
	(pc) =	sbr.rel @p0 .LBB2_1-.Ltmp2, $3  }
0x12e: {  	_ =	sdelay $0x1  }
0x12f: {  	[sflag:s24] =	ssyncset.done $0x0  }
0x130: {  	[sflag:s24] =	ssyncadd.s32 $0xFFFFEC00  }
0x131: {  	_ =	sfence.sel $0x180000  }
0x132: {  	[bflag:$0x0] =	sbarrier.arrive $0xFFFF  }
0x133: {  	_ =	strace $0x90000047  }
0x134: {  	s0 =	stileid.u32;
	[bflag:$0x2] =	sbarrier.arrive $0xFFFF  }
0x135: {  	p0 =	sne.s32 s0, $0x0;
	s0 =	rddreg [dreg:$0x3]  }
0x136: {  	s0 =	sadd.s32 @!p0 $0x100000, s0  }
0x137: {  	[sflag:s0] =	ssyncadd.tile.s32 @!p0 $0x1;
	_ =	shalt  }
.Lfunc_end2:
_tile_overlayer_lowered:
.L_overlay_start_2:
0x138: {  	(tag) =	ssettag $0x2  }
0x139: {  	s0 =	rddreg [dreg:$0x0];
	s2 =	stileid.u32  }
0x13a: {  	s1 =	rddreg [dreg:$0x1];
	p0 =	sne.s32 s2, $0x0  }
0x13b: {  	s3 =	rddreg [dreg:$0x2];
	[bflag:$0x3] =	sbarrier.arrive $0xFFFF;
	s2 =	simm.s32 @!p0 $0x1C04  }
0x13c: {  	[timem:s3], [sflag:s2] =	dma.local @!p0 [hbm:s0], s1  }
0x13d: {  	s0 =	simm.s32 @!p0 $0x4  }
0x13e: {  	_ =	swait.ge @!p0 [sflag:s0], s1  }
0x13f: {  	s1 =	ssub.s32 @!p0 $0x0, s1;
	[sflag:s0] =	ssyncset.done @!p0 $0x0  }
0x140: {  	[sflag:s0] =	ssyncadd.s32 @!p0 s1  }
0x141: {  	[bflag:$0x3] =	sbarrier.arrive $0xFFFF  }
0x142: {  	_ =	shalt  }

</sc_bundles>
